<compile_context>
chip_gen: v7x
topology: tpu7x:2x2x1
jax: 0.10.2.dev20260603
libtpu: 0.0.44.dev20260713+nightly
codegen_flags: <defaults>
</compile_context>

<pallas_src>
import functools

import jax
import jax.numpy as jnp
from jax import lax
from jax.experimental import pallas as pl
from jax.experimental.pallas import tpu as pltpu
from jax.experimental.pallas import tpu_sc as plsc

N_NODES = 10000
NP = 10240
D = 128
DH = D // 2
NSUB = 16
G = 128


_MESH = plsc.VectorSubcoreMesh(core_axis_name="c", subcore_axis_name="s")
_SC_PARAMS = pltpu.CompilerParams(needs_layout_passes=False,
                                  use_tc_tiling_on_sc=False)


def _deg_body(dst_hbm, out_hbm, dstS, hist, stag, res, acc):
    c = lax.axis_index("c")
    s = lax.axis_index("s")
    wid = c * NSUB + s
    ept = dstS.shape[0]

    pltpu.sync_copy(dst_hbm.at[pl.ds(wid * ept, ept)], dstS)

    zero16 = jnp.zeros((16,), jnp.float32)

    def _zhist(i, _):
        hist[pl.ds(i * 16, 16)] = zero16
        return 0

    lax.fori_loop(0, NP // 16, _zhist, 0)

    ones16 = jnp.ones((16,), jnp.float32)

    def _histb(i, _):
        dv = dstS[pl.ds(i * 16, 16)]
        plsc.addupdate_scatter(hist, [dv], ones16)
        return 0

    lax.fori_loop(0, ept // 16, _histb, 0)

    pltpu.sync_copy(hist, acc.at[s])
    plsc.subcore_barrier()

    npt = NP // NSUB
    base = s * npt

    def _zres(i, _):
        res[pl.ds(i * 16, 16)] = zero16
        return 0

    lax.fori_loop(0, npt // 16, _zres, 0)
    for t in range(NSUB):
        pltpu.sync_copy(acc.at[t, pl.ds(base, npt)], stag)

        def _acc(i, _):
            res[pl.ds(i * 16, 16)] += stag[pl.ds(i * 16, 16)]
            return 0

        lax.fori_loop(0, npt // 16, _acc, 0)

    pltpu.sync_copy(res, out_hbm.at[c, pl.ds(base, npt)])


def _deg_call(dst_flat, ept):
    kfn = functools.partial(
        pl.kernel,
        mesh=_MESH,
        out_type=jax.ShapeDtypeStruct((2, NP), jnp.float32),
        scratch_types=[
            pltpu.VMEM((ept,), jnp.int32),
            pltpu.VMEM((NP,), jnp.float32),
            pltpu.VMEM((NP // NSUB,), jnp.float32),
            pltpu.VMEM((NP // NSUB,), jnp.float32),
            pltpu.VMEM_SHARED((NSUB, NP), jnp.float32),
        ],
        compiler_params=_SC_PARAMS,
    )(_deg_body)
    return kfn(dst_flat)


def _agg_body(y_hbm, src_hbm, dst_hbm, out_hbm, srcS, dstS, buf0, buf1, sem0, sem1, acc):
    c = lax.axis_index("c")
    s = lax.axis_index("s")
    ng = srcS.shape[0]
    rows_per_tile = NP // NSUB
    wb = 128
    nchunk = rows_per_tile // wb
    bufs = (buf0, buf1)
    sems = (sem0, sem1)

    zero16 = jnp.zeros((16,), jnp.float32)

    def _zb(i, _):
        buf0[i, pl.ds(0, 16)] = zero16
        buf0[i, pl.ds(16, 16)] = zero16
        buf0[i, pl.ds(32, 16)] = zero16
        buf0[i, pl.ds(48, 16)] = zero16
        return 0

    lax.fori_loop(0, wb, _zb, 0)
    for k in range(nchunk):
        pltpu.sync_copy(buf0.at[pl.ds(0, wb)],
                        acc.at[pl.ds(s * rows_per_tile + k * wb, wb)])

    pltpu.sync_copy(src_hbm.at[s], srcS)
    pltpu.sync_copy(dst_hbm.at[s], dstS)
    plsc.subcore_barrier()

    def _body(t, _):
        j0 = 2 * t
        j1 = 2 * t + 1
        cp0 = pltpu.async_copy(y_hbm.at[c].at[srcS.at[j0]], buf0, sem0)
        cp1 = pltpu.async_copy(y_hbm.at[c].at[srcS.at[j1]], buf1, sem1)
        cp0.wait()
        pltpu.sync_copy(buf0, acc.at[dstS.at[j0]], add=True)
        cp1.wait()
        pltpu.sync_copy(buf1, acc.at[dstS.at[j1]], add=True)
        return 0

    lax.fori_loop(0, ng // 2, _body, 0)

    plsc.subcore_barrier()
    for k in range(nchunk):
        pltpu.sync_copy(acc.at[pl.ds(s * rows_per_tile + k * wb, wb)],
                        buf0.at[pl.ds(0, wb)])
        pltpu.sync_copy(buf0.at[pl.ds(0, wb)],
                        out_hbm.at[c, pl.ds(s * rows_per_tile + k * wb, wb)])


def _agg_call(y, src3, dst3, ng):
    kfn = functools.partial(
        pl.kernel,
        mesh=_MESH,
        out_type=jax.ShapeDtypeStruct((2, NP, DH), jnp.float32),
        scratch_types=[
            pltpu.VMEM((ng, G), jnp.int32),
            pltpu.VMEM((ng, G), jnp.int32),
            pltpu.VMEM((G, DH), jnp.float32),
            pltpu.VMEM((G, DH), jnp.float32),
            pltpu.SemaphoreType.DMA,
            pltpu.SemaphoreType.DMA,
            pltpu.VMEM_SHARED((NP, DH), jnp.float32),
        ],
        compiler_params=_SC_PARAMS,
    )(_agg_body)
    return kfn(y, src3, dst3)


_RB = 1280


def _dinv_block(degp):
    deg = degp[0] + degp[1]
    return lax.rsqrt(jnp.maximum(deg, 1.0))


def _split_store(o_ref, y):
    o_ref[0] = y[:, :DH]
    o_ref[1] = y[:, DH:]


def _k1_body(x_ref, w_ref, degp_ref, o_ref):
    dinv = _dinv_block(degp_ref[...])
    y = jnp.dot(x_ref[...], w_ref[...], preferred_element_type=jnp.float32)
    _split_store(o_ref, y * dinv)


def _k1_call(x, w1, degp):
    grid = NP // _RB
    return pl.pallas_call(
        _k1_body,
        grid=(grid,),
        in_specs=[
            pl.BlockSpec((_RB, D), lambda i: (i, 0)),
            pl.BlockSpec((D, D), lambda i: (0, 0)),
            pl.BlockSpec((2, _RB, 1), lambda i: (0, i, 0)),
        ],
        out_specs=pl.BlockSpec((2, _RB, DH), lambda i: (0, i, 0)),
        out_shape=jax.ShapeDtypeStruct((2, NP, DH), jnp.float32),
    )(x, w1, degp)


def _k2_body(p_ref, degp_ref, b_ref, w_ref, o_ref):
    i = pl.program_id(0)
    dinv = _dinv_block(degp_ref[...])
    sfull = jnp.concatenate([p_ref[0], p_ref[1]], axis=1)
    h = jax.nn.relu(sfull * dinv + b_ref[...])
    y = jnp.dot(h, w_ref[...], preferred_element_type=jnp.float32) * dinv
    rows = i * _RB + lax.broadcasted_iota(jnp.int32, (_RB, 1), 0)
    _split_store(o_ref, jnp.where(rows < N_NODES, y, 0.0))


def _k2_call(p, degp, b1, w2):
    grid = NP // _RB
    return pl.pallas_call(
        _k2_body,
        grid=(grid,),
        in_specs=[
            pl.BlockSpec((2, _RB, DH), lambda i: (0, i, 0)),
            pl.BlockSpec((2, _RB, 1), lambda i: (0, i, 0)),
            pl.BlockSpec((1, D), lambda i: (0, 0)),
            pl.BlockSpec((D, D), lambda i: (0, 0)),
        ],
        out_specs=pl.BlockSpec((2, _RB, DH), lambda i: (0, i, 0)),
        out_shape=jax.ShapeDtypeStruct((2, NP, DH), jnp.float32),
    )(p, degp, b1, w2)


def _k3_body(p_ref, degp_ref, b2_ref, wcat_ref, bcat_ref, wsm_ref,
             bsm_ref, big1_ref, big2_ref, big3_ref, small_ref, gacc_ref):
    i = pl.program_id(0)
    nsteps = pl.num_programs(0)
    dinv = _dinv_block(degp_ref[...])
    sfull = jnp.concatenate([p_ref[0], p_ref[1]], axis=1)
    h = jax.nn.relu(sfull * dinv + b2_ref[...])
    rows = i * _RB + lax.broadcasted_iota(jnp.int32, (_RB, 1), 0)
    hm = jnp.where(rows < N_NODES, h, 0.0)

    @pl.when(i == 0)
    def _():
        gacc_ref[...] = jnp.zeros_like(gacc_ref)

    gacc_ref[...] += jnp.sum(hm, axis=0, keepdims=True)

    big = (
        jnp.dot(h, wcat_ref[...], preferred_element_type=jnp.float32)
        + bcat_ref[...]
    )
    so = big.shape[1] // 3
    big1_ref[...] = big[:, :so]
    big2_ref[...] = big[:, so:2 * so]
    big3_ref[...] = big[:, 2 * so:]

    @pl.when(i == nsteps - 1)
    def _():
        g = gacc_ref[...] * (1.0 / N_NODES)
        small_ref[...] = (
            jnp.dot(g, wsm_ref[...], preferred_element_type=jnp.float32)
            + bsm_ref[...]
        )


def _k3_call(p, degp, b2, wcat, bcat, wsm, bsm):
    grid = NP // _RB
    so = wcat.shape[1]
    sm = wsm.shape[1]
    return pl.pallas_call(
        _k3_body,
        grid=(grid,),
        in_specs=[
            pl.BlockSpec((2, _RB, DH), lambda i: (0, i, 0)),
            pl.BlockSpec((2, _RB, 1), lambda i: (0, i, 0)),
            pl.BlockSpec((1, D), lambda i: (0, 0)),
            pl.BlockSpec((D, so), lambda i: (0, 0)),
            pl.BlockSpec((1, so), lambda i: (0, 0)),
            pl.BlockSpec((D, sm), lambda i: (0, 0)),
            pl.BlockSpec((1, sm), lambda i: (0, 0)),
        ],
        out_specs=[
            pl.BlockSpec((_RB, so // 3), lambda i: (i, 0)),
            pl.BlockSpec((_RB, so // 3), lambda i: (i, 0)),
            pl.BlockSpec((_RB, so // 3), lambda i: (i, 0)),
            pl.BlockSpec((1, sm), lambda i: (0, 0)),
        ],
        out_shape=[
            jax.ShapeDtypeStruct((N_NODES, so // 3), jnp.float32),
            jax.ShapeDtypeStruct((N_NODES, so // 3), jnp.float32),
            jax.ShapeDtypeStruct((N_NODES, so // 3), jnp.float32),
            jax.ShapeDtypeStruct((1, sm), jnp.float32),
        ],
        scratch_shapes=[pltpu.VMEM((1, D), jnp.float32)],
    )(p, degp, b2, wcat, bcat, wsm, bsm)


def kernel(node_features, edge_index, W1, b1, W2, b2, Wc, bc, Wh, bh, Wt, bt,
           Wp1, bp1, Wp2, bp2, Wd, bd, Ws, bs):
    n, d = node_features.shape
    e = edge_index.shape[1]
    per = NSUB * 2 * G
    etot = ((e + n + per - 1) // per) * per
    ng = etot // (NSUB * G)

    ei = edge_index.astype(jnp.int32)
    loop = jnp.arange(n, dtype=jnp.int32)
    padv = jnp.full((etot - e - n,), NP - 1, jnp.int32)
    src = jnp.concatenate([ei[0], loop, padv])
    dst = jnp.concatenate([ei[1], loop, padv])
    src3 = src.reshape(NSUB, ng, G)
    dst3 = dst.reshape(NSUB, ng, G)

    x = jnp.pad(node_features, ((0, NP - n), (0, 0)))

    ept_deg = etot // 32

    degp = _deg_call(dst, ept_deg)
    degp = degp.reshape(2, NP, 1)

    y1 = _k1_call(x, W1, degp)
    s1 = _agg_call(y1, src3, dst3, ng)
    y2 = _k2_call(s1, degp, b1.reshape(1, -1), W2)
    s2 = _agg_call(y2, src3, dst3, ng)

    wcat = jnp.concatenate([Wp1, Wp2, Wd], axis=1)
    bcat = jnp.concatenate([bp1, bp2, bd]).reshape(1, -1)
    wsm = jnp.concatenate([Wc, Wh, Wt, Ws], axis=1)
    bsm = jnp.concatenate([bc, bh, bt, bs]).reshape(1, -1)

    p1, p2, dep, small = _k3_call(s2, degp, b2.reshape(1, -1), wcat, bcat,
                                  wsm, bsm)

    value = small[:, :1]
    high = small[:, 1:5]
    mtype = small[:, 5:8]
    sel = small[:, 8:]
    return (value, high, mtype, p1, p2, dep, sel)

# --- scband reference (transcript-rebuilt; emitter-appended) ---
"""Pipeline reference for scband-gnnmodel-22110491640080 (READ-ONLY COPY).

The authoritative reference and input builder live on the scoring server;
editing this copy changes nothing except your own understanding.
"""

import jax, jax.numpy as jnp
import numpy as np

N = 10000
E = 320000
D = 128
H = 128
S = 256
L = 8

def _gcn(x, ei, W, b, n):
    loop = jnp.arange(n, dtype=ei.dtype)
    src = jnp.concatenate([ei[0], loop])
    dst = jnp.concatenate([ei[1], loop])
    deg = jnp.zeros((n,), x.dtype).at[dst].add(1.0)
    dinv = jax.lax.rsqrt(jnp.maximum(deg, 1.0))
    norm = dinv[src] * dinv[dst]
    h = x @ W
    msg = jnp.take(h, src, axis=0) * norm[:, None]
    return jax.ops.segment_sum(msg, dst, num_segments=n) + b

def _lin(k, i, o):
    return jax.random.normal(k, (i, o), jnp.float32) * 0.05

def setup_inputs(seed: int = 0):
    key = jax.random.key(seed)
    ks = jax.random.split(key, 12)
    inp = {}
    inp['node_features'] = jax.random.normal(ks[0], (N, D), jnp.float32)
    inp['edge_index'] = jax.random.randint(ks[1], (2, E), 0, N)
    inp['W1'] = _lin(ks[2], D, H); inp['b1'] = jnp.zeros((H,), jnp.float32)
    inp['W2'] = _lin(ks[3], H, H); inp['b2'] = jnp.zeros((H,), jnp.float32)
    inp['Wc'] = _lin(ks[4], H, 1); inp['bc'] = jnp.zeros((1,), jnp.float32)
    inp['Wh'] = _lin(ks[5], H, 4); inp['bh'] = jnp.zeros((4,), jnp.float32)
    inp['Wt'] = _lin(ks[6], H, 3); inp['bt'] = jnp.zeros((3,), jnp.float32)
    inp['Wp1'] = _lin(ks[7], H, S); inp['bp1'] = jnp.zeros((S,), jnp.float32)
    inp['Wp2'] = _lin(ks[8], H, S); inp['bp2'] = jnp.zeros((S,), jnp.float32)
    inp['Wd'] = _lin(ks[9], H, S); inp['bd'] = jnp.zeros((S,), jnp.float32)
    inp['Ws'] = _lin(ks[10], H, L); inp['bs'] = jnp.zeros((L,), jnp.float32)
    return inp

def reference(node_features, edge_index, W1, b1, W2, b2, Wc, bc, Wh, bh, Wt, bt, Wp1, bp1, Wp2, bp2, Wd, bd, Ws, bs):
    n = node_features.shape[0]
    h = jax.nn.relu(_gcn(node_features, edge_index, W1, b1, n))
    h = jax.nn.relu(_gcn(h, edge_index, W2, b2, n))
    g = jnp.mean(h, axis=0, keepdims=True)
    value = g @ Wc + bc
    high_level = g @ Wh + bh
    manage_line_type = g @ Wt + bt
    manage_line_p1 = h @ Wp1 + bp1
    manage_line_p2 = h @ Wp2 + bp2
    deploy_train = h @ Wd + bd
    select_line = g @ Ws + bs
    return (value, high_level, manage_line_type, manage_line_p1, manage_line_p2, deploy_train, select_line)

if __name__ == "__main__":
    import jax
    _d = setup_inputs()
    print(jax.jit(kernel)(*tuple(_d.values())))

</pallas_src>

<mosaic_0001>
#map = affine_map<(d0, d1) -> (0, 0, 0)>
module attributes {stable_mosaic.version = 14 : i64} {
  func.func @_agg_body(%arg0: i32, %arg1: i32, %arg2: memref<2x10240x64xf32, #tpu.memory_space<hbm>>, %arg3: memref<16x162x128xi32, #tpu.memory_space<hbm>>, %arg4: memref<16x162x128xi32, #tpu.memory_space<hbm>>, %arg5: memref<2x10240x64xf32, #tpu.memory_space<hbm>>, %arg6: memref<162x128xi32, #tpu.memory_space<vmem>>, %arg7: memref<162x128xi32, #tpu.memory_space<vmem>>, %arg8: memref<128x64xf32, #tpu.memory_space<vmem>>, %arg9: memref<128x64xf32, #tpu.memory_space<vmem>>, %arg10: memref<!tpu.dma_semaphore, #tpu.memory_space<semaphore_mem>>, %arg11: memref<!tpu.dma_semaphore, #tpu.memory_space<semaphore_mem>>, %arg12: memref<10240x64xf32, #tpu.memory_space<vmem_shared>>) attributes {dimension_semantics = [#tpu.dimension_semantics<core_parallel>, #tpu.dimension_semantics<subcore_parallel>], iteration_bounds = array<i64: 2, 16>, scalar_prefetch = 0 : i64, scratch_operands = 7 : i64, tpu.core_type = #tpu.core_type<sc_vector_subcore>, window_params = [{transform_indices = #map}, {transform_indices = #map}, {transform_indices = #map}, {transform_indices = #map}]} {
    %broadcast_in_dim3A = arith.constant 0.000000e+00 : f32
    %broadcast_in_dim3A_0 = vector.broadcast %broadcast_in_dim3A : f32 to vector<16xf32>
    %scan3A = arith.constant 0 : i32
    %scan3A_1 = arith.constant 0 : i32
    %scan3A_2 = arith.constant 128 : i32
    %scan3A_3 = arith.addi %scan3A_1, %scan3A_2 : i32
    %scan3A_4 = arith.constant 1 : i32
    %scan3A_5 = scf.for %scan3A_73 = %scan3A_1 to %scan3A_3 step %scan3A_4 iter_args(%scan3A_74 = %scan3A) -> (i32)  : i32 {
      %swap3A = arith.index_cast %scan3A_73 : i32 to index
      %swap3A_75 = arith.constant 0 : index
      %swap3A_76 = tpu.vector_load %arg8[%swap3A, %swap3A_75] {strides = array<i32>} : memref<128x64xf32, #tpu.memory_space<vmem>>, vector<16xf32>,
      tpu.vector_store %arg8[%swap3A, %swap3A_75], %broadcast_in_dim3A_0 {strides = array<i32>} : memref<128x64xf32, #tpu.memory_space<vmem>>, vector<16xf32>,
      %swap3A_77 = arith.index_cast %scan3A_73 : i32 to index
      %swap3A_78 = arith.constant 16 : index
      %swap3A_79 = tpu.vector_load %arg8[%swap3A_77, %swap3A_78] {strides = array<i32>} : memref<128x64xf32, #tpu.memory_space<vmem>>, vector<16xf32>,
      tpu.vector_store %arg8[%swap3A_77, %swap3A_78], %broadcast_in_dim3A_0 {strides = array<i32>} : memref<128x64xf32, #tpu.memory_space<vmem>>, vector<16xf32>,
      %swap3A_80 = arith.index_cast %scan3A_73 : i32 to index
      %swap3A_81 = arith.constant 32 : index
      %swap3A_82 = tpu.vector_load %arg8[%swap3A_80, %swap3A_81] {strides = array<i32>} : memref<128x64xf32, #tpu.memory_space<vmem>>, vector<16xf32>,
      tpu.vector_store %arg8[%swap3A_80, %swap3A_81], %broadcast_in_dim3A_0 {strides = array<i32>} : memref<128x64xf32, #tpu.memory_space<vmem>>, vector<16xf32>,
      %swap3A_83 = arith.index_cast %scan3A_73 : i32 to index
      %swap3A_84 = arith.constant 48 : index
      %swap3A_85 = tpu.vector_load %arg8[%swap3A_83, %swap3A_84] {strides = array<i32>} : memref<128x64xf32, #tpu.memory_space<vmem>>, vector<16xf32>,
      tpu.vector_store %arg8[%swap3A_83, %swap3A_84], %broadcast_in_dim3A_0 {strides = array<i32>} : memref<128x64xf32, #tpu.memory_space<vmem>>, vector<16xf32>,
      %scan3A_86 = arith.constant 0 : i32
      scf.yield %scan3A_86 : i32
    }
    %scan3A_6 = arith.constant 128 : i32
    %mul3A = arith.constant 640 : i32
    %mul3A_7 = arith.muli %arg1, %mul3A : i32
    %add3A = arith.constant 0 : i32
    %add3A_8 = arith.addi %mul3A_7, %add3A : i32
    "tpu.region"() ({
      %run_scoped3A = tpu.sem_alloc : memref<!tpu.dma_semaphore, #tpu.memory_space<semaphore_mem>>
      %dma_start3A = arith.constant 0 : i32
      %dma_start3A_73 = arith.constant 0 : i32
      %dma_start3A_74 = tpu.memref_slice %arg8[%dma_start3A, %dma_start3A_73] : memref<128x64xf32, #tpu.memory_space<vmem>> -> memref<128x64xf32, #tpu.memory_space<vmem>>
      %dma_start3A_75 = arith.constant 0 : i32
      %dma_start3A_76 = tpu.memref_slice %arg12[%add3A_8, %dma_start3A_75] : memref<10240x64xf32, #tpu.memory_space<vmem_shared>> -> memref<128x64xf32, #tpu.memory_space<vmem_shared>>
      %dma_start3A_77 = arith.constant 0 : i32
      %dma_start3A_78 = tpu.memref_slice %arg12[%add3A_8, %dma_start3A_77] : memref<10240x64xf32, #tpu.memory_space<vmem_shared>> -> memref<128x64xf32, #tpu.memory_space<vmem_shared>>
      %dma_start3A_79 = arith.constant 0 : i32
      %dma_start3A_80 = arith.constant 0 : i32
      %dma_start3A_81 = tpu.memref_slice %arg8[%dma_start3A_79, %dma_start3A_80] : memref<128x64xf32, #tpu.memory_space<vmem>> -> memref<128x64xf32, #tpu.memory_space<vmem>>
      tpu.enqueue_dma source(%dma_start3A_81 : memref<128x64xf32, #tpu.memory_space<vmem>>) target(%dma_start3A_78 : memref<128x64xf32, #tpu.memory_space<vmem_shared>>) target_semaphore(%run_scoped3A : memref<!tpu.dma_semaphore, #tpu.memory_space<semaphore_mem>>)
      %dma_wait3A = arith.constant 0 : i32
      %dma_wait3A_82 = arith.constant 0 : i32
      %dma_wait3A_83 = tpu.memref_slice %arg8[%dma_wait3A, %dma_wait3A_82] : memref<128x64xf32, #tpu.memory_space<vmem>> -> memref<128x64xf32, #tpu.memory_space<vmem>>
      %dma_wait3A_84 = arith.constant 0 : i32
      %dma_wait3A_85 = tpu.memref_slice %arg12[%add3A_8, %dma_wait3A_84] : memref<10240x64xf32, #tpu.memory_space<vmem_shared>> -> memref<128x64xf32, #tpu.memory_space<vmem_shared>>
      %dma_wait3A_86 = arith.constant 0 : i32
      %dma_wait3A_87 = tpu.memref_slice %arg12[%add3A_8, %dma_wait3A_86] : memref<10240x64xf32, #tpu.memory_space<vmem_shared>> -> memref<128x64xf32, #tpu.memory_space<vmem_shared>>
      %dma_wait3A_88 = arith.constant 0 : i32
      %dma_wait3A_89 = arith.constant 0 : i32
      %dma_wait3A_90 = tpu.memref_slice %arg8[%dma_wait3A_88, %dma_wait3A_89] : memref<128x64xf32, #tpu.memory_space<vmem>> -> memref<128x64xf32, #tpu.memory_space<vmem>>
      tpu.wait_dma2 semaphore(%run_scoped3A : memref<!tpu.dma_semaphore, #tpu.memory_space<semaphore_mem>>) src(%dma_wait3A_90 : memref<128x64xf32, #tpu.memory_space<vmem>>) dst(%dma_wait3A_87 : memref<128x64xf32, #tpu.memory_space<vmem_shared>>)
      tpu.yield
    }) : () -> ()
    %mul3A_9 = arith.constant 640 : i32
    %mul3A_10 = arith.muli %arg1, %mul3A_9 : i32
    %add3A_11 = arith.constant 128 : i32
    %add3A_12 = arith.addi %mul3A_10, %add3A_11 : i32
    "tpu.region"() ({
      %run_scoped3A = tpu.sem_alloc : memref<!tpu.dma_semaphore, #tpu.memory_space<semaphore_mem>>
      %dma_start3A = arith.constant 0 : i32
      %dma_start3A_73 = arith.constant 0 : i32
      %dma_start3A_74 = tpu.memref_slice %arg8[%dma_start3A, %dma_start3A_73] : memref<128x64xf32, #tpu.memory_space<vmem>> -> memref<128x64xf32, #tpu.memory_space<vmem>>
      %dma_start3A_75 = arith.constant 0 : i32
      %dma_start3A_76 = tpu.memref_slice %arg12[%add3A_12, %dma_start3A_75] : memref<10240x64xf32, #tpu.memory_space<vmem_shared>> -> memref<128x64xf32, #tpu.memory_space<vmem_shared>>
      %dma_start3A_77 = arith.constant 0 : i32
      %dma_start3A_78 = tpu.memref_slice %arg12[%add3A_12, %dma_start3A_77] : memref<10240x64xf32, #tpu.memory_space<vmem_shared>> -> memref<128x64xf32, #tpu.memory_space<vmem_shared>>
      %dma_start3A_79 = arith.constant 0 : i32
      %dma_start3A_80 = arith.constant 0 : i32
      %dma_start3A_81 = tpu.memref_slice %arg8[%dma_start3A_79, %dma_start3A_80] : memref<128x64xf32, #tpu.memory_space<vmem>> -> memref<128x64xf32, #tpu.memory_space<vmem>>
      tpu.enqueue_dma source(%dma_start3A_81 : memref<128x64xf32, #tpu.memory_space<vmem>>) target(%dma_start3A_78 : memref<128x64xf32, #tpu.memory_space<vmem_shared>>) target_semaphore(%run_scoped3A : memref<!tpu.dma_semaphore, #tpu.memory_space<semaphore_mem>>)
      %dma_wait3A = arith.constant 0 : i32
      %dma_wait3A_82 = arith.constant 0 : i32
      %dma_wait3A_83 = tpu.memref_slice %arg8[%dma_wait3A, %dma_wait3A_82] : memref<128x64xf32, #tpu.memory_space<vmem>> -> memref<128x64xf32, #tpu.memory_space<vmem>>
      %dma_wait3A_84 = arith.constant 0 : i32
      %dma_wait3A_85 = tpu.memref_slice %arg12[%add3A_12, %dma_wait3A_84] : memref<10240x64xf32, #tpu.memory_space<vmem_shared>> -> memref<128x64xf32, #tpu.memory_space<vmem_shared>>
      %dma_wait3A_86 = arith.constant 0 : i32
      %dma_wait3A_87 = tpu.memref_slice %arg12[%add3A_12, %dma_wait3A_86] : memref<10240x64xf32, #tpu.memory_space<vmem_shared>> -> memref<128x64xf32, #tpu.memory_space<vmem_shared>>
      %dma_wait3A_88 = arith.constant 0 : i32
      %dma_wait3A_89 = arith.constant 0 : i32
      %dma_wait3A_90 = tpu.memref_slice %arg8[%dma_wait3A_88, %dma_wait3A_89] : memref<128x64xf32, #tpu.memory_space<vmem>> -> memref<128x64xf32, #tpu.memory_space<vmem>>
      tpu.wait_dma2 semaphore(%run_scoped3A : memref<!tpu.dma_semaphore, #tpu.memory_space<semaphore_mem>>) src(%dma_wait3A_90 : memref<128x64xf32, #tpu.memory_space<vmem>>) dst(%dma_wait3A_87 : memref<128x64xf32, #tpu.memory_space<vmem_shared>>)
      tpu.yield
    }) : () -> ()
    %mul3A_13 = arith.constant 640 : i32
    %mul3A_14 = arith.muli %arg1, %mul3A_13 : i32
    %add3A_15 = arith.constant 256 : i32
    %add3A_16 = arith.addi %mul3A_14, %add3A_15 : i32
    "tpu.region"() ({
      %run_scoped3A = tpu.sem_alloc : memref<!tpu.dma_semaphore, #tpu.memory_space<semaphore_mem>>
      %dma_start3A = arith.constant 0 : i32
      %dma_start3A_73 = arith.constant 0 : i32
      %dma_start3A_74 = tpu.memref_slice %arg8[%dma_start3A, %dma_start3A_73] : memref<128x64xf32, #tpu.memory_space<vmem>> -> memref<128x64xf32, #tpu.memory_space<vmem>>
      %dma_start3A_75 = arith.constant 0 : i32
      %dma_start3A_76 = tpu.memref_slice %arg12[%add3A_16, %dma_start3A_75] : memref<10240x64xf32, #tpu.memory_space<vmem_shared>> -> memref<128x64xf32, #tpu.memory_space<vmem_shared>>
      %dma_start3A_77 = arith.constant 0 : i32
      %dma_start3A_78 = tpu.memref_slice %arg12[%add3A_16, %dma_start3A_77] : memref<10240x64xf32, #tpu.memory_space<vmem_shared>> -> memref<128x64xf32, #tpu.memory_space<vmem_shared>>
      %dma_start3A_79 = arith.constant 0 : i32
      %dma_start3A_80 = arith.constant 0 : i32
      %dma_start3A_81 = tpu.memref_slice %arg8[%dma_start3A_79, %dma_start3A_80] : memref<128x64xf32, #tpu.memory_space<vmem>> -> memref<128x64xf32, #tpu.memory_space<vmem>>
      tpu.enqueue_dma source(%dma_start3A_81 : memref<128x64xf32, #tpu.memory_space<vmem>>) target(%dma_start3A_78 : memref<128x64xf32, #tpu.memory_space<vmem_shared>>) target_semaphore(%run_scoped3A : memref<!tpu.dma_semaphore, #tpu.memory_space<semaphore_mem>>)
      %dma_wait3A = arith.constant 0 : i32
      %dma_wait3A_82 = arith.constant 0 : i32
      %dma_wait3A_83 = tpu.memref_slice %arg8[%dma_wait3A, %dma_wait3A_82] : memref<128x64xf32, #tpu.memory_space<vmem>> -> memref<128x64xf32, #tpu.memory_space<vmem>>
      %dma_wait3A_84 = arith.constant 0 : i32
      %dma_wait3A_85 = tpu.memref_slice %arg12[%add3A_16, %dma_wait3A_84] : memref<10240x64xf32, #tpu.memory_space<vmem_shared>> -> memref<128x64xf32, #tpu.memory_space<vmem_shared>>
      %dma_wait3A_86 = arith.constant 0 : i32
      %dma_wait3A_87 = tpu.memref_slice %arg12[%add3A_16, %dma_wait3A_86] : memref<10240x64xf32, #tpu.memory_space<vmem_shared>> -> memref<128x64xf32, #tpu.memory_space<vmem_shared>>
      %dma_wait3A_88 = arith.constant 0 : i32
      %dma_wait3A_89 = arith.constant 0 : i32
      %dma_wait3A_90 = tpu.memref_slice %arg8[%dma_wait3A_88, %dma_wait3A_89] : memref<128x64xf32, #tpu.memory_space<vmem>> -> memref<128x64xf32, #tpu.memory_space<vmem>>
      tpu.wait_dma2 semaphore(%run_scoped3A : memref<!tpu.dma_semaphore, #tpu.memory_space<semaphore_mem>>) src(%dma_wait3A_90 : memref<128x64xf32, #tpu.memory_space<vmem>>) dst(%dma_wait3A_87 : memref<128x64xf32, #tpu.memory_space<vmem_shared>>)
      tpu.yield
    }) : () -> ()
    %mul3A_17 = arith.constant 640 : i32
    %mul3A_18 = arith.muli %arg1, %mul3A_17 : i32
    %add3A_19 = arith.constant 384 : i32
    %add3A_20 = arith.addi %mul3A_18, %add3A_19 : i32
    "tpu.region"() ({
      %run_scoped3A = tpu.sem_alloc : memref<!tpu.dma_semaphore, #tpu.memory_space<semaphore_mem>>
      %dma_start3A = arith.constant 0 : i32
      %dma_start3A_73 = arith.constant 0 : i32
      %dma_start3A_74 = tpu.memref_slice %arg8[%dma_start3A, %dma_start3A_73] : memref<128x64xf32, #tpu.memory_space<vmem>> -> memref<128x64xf32, #tpu.memory_space<vmem>>
      %dma_start3A_75 = arith.constant 0 : i32
      %dma_start3A_76 = tpu.memref_slice %arg12[%add3A_20, %dma_start3A_75] : memref<10240x64xf32, #tpu.memory_space<vmem_shared>> -> memref<128x64xf32, #tpu.memory_space<vmem_shared>>
      %dma_start3A_77 = arith.constant 0 : i32
      %dma_start3A_78 = tpu.memref_slice %arg12[%add3A_20, %dma_start3A_77] : memref<10240x64xf32, #tpu.memory_space<vmem_shared>> -> memref<128x64xf32, #tpu.memory_space<vmem_shared>>
      %dma_start3A_79 = arith.constant 0 : i32
      %dma_start3A_80 = arith.constant 0 : i32
      %dma_start3A_81 = tpu.memref_slice %arg8[%dma_start3A_79, %dma_start3A_80] : memref<128x64xf32, #tpu.memory_space<vmem>> -> memref<128x64xf32, #tpu.memory_space<vmem>>
      tpu.enqueue_dma source(%dma_start3A_81 : memref<128x64xf32, #tpu.memory_space<vmem>>) target(%dma_start3A_78 : memref<128x64xf32, #tpu.memory_space<vmem_shared>>) target_semaphore(%run_scoped3A : memref<!tpu.dma_semaphore, #tpu.memory_space<semaphore_mem>>)
      %dma_wait3A = arith.constant 0 : i32
      %dma_wait3A_82 = arith.constant 0 : i32
      %dma_wait3A_83 = tpu.memref_slice %arg8[%dma_wait3A, %dma_wait3A_82] : memref<128x64xf32, #tpu.memory_space<vmem>> -> memref<128x64xf32, #tpu.memory_space<vmem>>
      %dma_wait3A_84 = arith.constant 0 : i32
      %dma_wait3A_85 = tpu.memref_slice %arg12[%add3A_20, %dma_wait3A_84] : memref<10240x64xf32, #tpu.memory_space<vmem_shared>> -> memref<128x64xf32, #tpu.memory_space<vmem_shared>>
      %dma_wait3A_86 = arith.constant 0 : i32
      %dma_wait3A_87 = tpu.memref_slice %arg12[%add3A_20, %dma_wait3A_86] : memref<10240x64xf32, #tpu.memory_space<vmem_shared>> -> memref<128x64xf32, #tpu.memory_space<vmem_shared>>
      %dma_wait3A_88 = arith.constant 0 : i32
      %dma_wait3A_89 = arith.constant 0 : i32
      %dma_wait3A_90 = tpu.memref_slice %arg8[%dma_wait3A_88, %dma_wait3A_89] : memref<128x64xf32, #tpu.memory_space<vmem>> -> memref<128x64xf32, #tpu.memory_space<vmem>>
      tpu.wait_dma2 semaphore(%run_scoped3A : memref<!tpu.dma_semaphore, #tpu.memory_space<semaphore_mem>>) src(%dma_wait3A_90 : memref<128x64xf32, #tpu.memory_space<vmem>>) dst(%dma_wait3A_87 : memref<128x64xf32, #tpu.memory_space<vmem_shared>>)
      tpu.yield
    }) : () -> ()
    %mul3A_21 = arith.constant 640 : i32
    %mul3A_22 = arith.muli %arg1, %mul3A_21 : i32
    %add3A_23 = arith.constant 512 : i32
    %add3A_24 = arith.addi %mul3A_22, %add3A_23 : i32
    "tpu.region"() ({
      %run_scoped3A = tpu.sem_alloc : memref<!tpu.dma_semaphore, #tpu.memory_space<semaphore_mem>>
      %dma_start3A = arith.constant 0 : i32
      %dma_start3A_73 = arith.constant 0 : i32
      %dma_start3A_74 = tpu.memref_slice %arg8[%dma_start3A, %dma_start3A_73] : memref<128x64xf32, #tpu.memory_space<vmem>> -> memref<128x64xf32, #tpu.memory_space<vmem>>
      %dma_start3A_75 = arith.constant 0 : i32
      %dma_start3A_76 = tpu.memref_slice %arg12[%add3A_24, %dma_start3A_75] : memref<10240x64xf32, #tpu.memory_space<vmem_shared>> -> memref<128x64xf32, #tpu.memory_space<vmem_shared>>
      %dma_start3A_77 = arith.constant 0 : i32
      %dma_start3A_78 = tpu.memref_slice %arg12[%add3A_24, %dma_start3A_77] : memref<10240x64xf32, #tpu.memory_space<vmem_shared>> -> memref<128x64xf32, #tpu.memory_space<vmem_shared>>
      %dma_start3A_79 = arith.constant 0 : i32
      %dma_start3A_80 = arith.constant 0 : i32
      %dma_start3A_81 = tpu.memref_slice %arg8[%dma_start3A_79, %dma_start3A_80] : memref<128x64xf32, #tpu.memory_space<vmem>> -> memref<128x64xf32, #tpu.memory_space<vmem>>
      tpu.enqueue_dma source(%dma_start3A_81 : memref<128x64xf32, #tpu.memory_space<vmem>>) target(%dma_start3A_78 : memref<128x64xf32, #tpu.memory_space<vmem_shared>>) target_semaphore(%run_scoped3A : memref<!tpu.dma_semaphore, #tpu.memory_space<semaphore_mem>>)
      %dma_wait3A = arith.constant 0 : i32
      %dma_wait3A_82 = arith.constant 0 : i32
      %dma_wait3A_83 = tpu.memref_slice %arg8[%dma_wait3A, %dma_wait3A_82] : memref<128x64xf32, #tpu.memory_space<vmem>> -> memref<128x64xf32, #tpu.memory_space<vmem>>
      %dma_wait3A_84 = arith.constant 0 : i32
      %dma_wait3A_85 = tpu.memref_slice %arg12[%add3A_24, %dma_wait3A_84] : memref<10240x64xf32, #tpu.memory_space<vmem_shared>> -> memref<128x64xf32, #tpu.memory_space<vmem_shared>>
      %dma_wait3A_86 = arith.constant 0 : i32
      %dma_wait3A_87 = tpu.memref_slice %arg12[%add3A_24, %dma_wait3A_86] : memref<10240x64xf32, #tpu.memory_space<vmem_shared>> -> memref<128x64xf32, #tpu.memory_space<vmem_shared>>
      %dma_wait3A_88 = arith.constant 0 : i32
      %dma_wait3A_89 = arith.constant 0 : i32
      %dma_wait3A_90 = tpu.memref_slice %arg8[%dma_wait3A_88, %dma_wait3A_89] : memref<128x64xf32, #tpu.memory_space<vmem>> -> memref<128x64xf32, #tpu.memory_space<vmem>>
      tpu.wait_dma2 semaphore(%run_scoped3A : memref<!tpu.dma_semaphore, #tpu.memory_space<semaphore_mem>>) src(%dma_wait3A_90 : memref<128x64xf32, #tpu.memory_space<vmem>>) dst(%dma_wait3A_87 : memref<128x64xf32, #tpu.memory_space<vmem_shared>>)
      tpu.yield
    }) : () -> ()
    "tpu.region"() ({
      %run_scoped3A = tpu.sem_alloc : memref<!tpu.dma_semaphore, #tpu.memory_space<semaphore_mem>>
      %dma_start3A = arith.constant 0 : i32
      %dma_start3A_73 = arith.constant 0 : i32
      %dma_start3A_74 = tpu.memref_slice %arg3[%arg1, %dma_start3A, %dma_start3A_73] : memref<16x162x128xi32, #tpu.memory_space<hbm>> -> memref<1x162x128xi32, #tpu.memory_space<hbm>>
      %dma_start3A_75 = tpu.memref_squeeze %dma_start3A_74 : memref<1x162x128xi32, #tpu.memory_space<hbm>> -> memref<162x128xi32, #tpu.memory_space<hbm>>
      %dma_start3A_76 = arith.constant 0 : i32
      %dma_start3A_77 = arith.constant 0 : i32
      %dma_start3A_78 = tpu.memref_slice %arg3[%arg1, %dma_start3A_76, %dma_start3A_77] : memref<16x162x128xi32, #tpu.memory_space<hbm>> -> memref<1x162x128xi32, #tpu.memory_space<hbm>>
      %dma_start3A_79 = tpu.memref_squeeze %dma_start3A_78 : memref<1x162x128xi32, #tpu.memory_space<hbm>> -> memref<162x128xi32, #tpu.memory_space<hbm>>
      tpu.enqueue_dma source(%dma_start3A_79 : memref<162x128xi32, #tpu.memory_space<hbm>>) target(%arg6 : memref<162x128xi32, #tpu.memory_space<vmem>>) target_semaphore(%run_scoped3A : memref<!tpu.dma_semaphore, #tpu.memory_space<semaphore_mem>>)
      %dma_wait3A = arith.constant 0 : i32
      %dma_wait3A_80 = arith.constant 0 : i32
      %dma_wait3A_81 = tpu.memref_slice %arg3[%arg1, %dma_wait3A, %dma_wait3A_80] : memref<16x162x128xi32, #tpu.memory_space<hbm>> -> memref<1x162x128xi32, #tpu.memory_space<hbm>>
      %dma_wait3A_82 = tpu.memref_squeeze %dma_wait3A_81 : memref<1x162x128xi32, #tpu.memory_space<hbm>> -> memref<162x128xi32, #tpu.memory_space<hbm>>
      %dma_wait3A_83 = arith.constant 0 : i32
      %dma_wait3A_84 = arith.constant 0 : i32
      %dma_wait3A_85 = tpu.memref_slice %arg3[%arg1, %dma_wait3A_83, %dma_wait3A_84] : memref<16x162x128xi32, #tpu.memory_space<hbm>> -> memref<1x162x128xi32, #tpu.memory_space<hbm>>
      %dma_wait3A_86 = tpu.memref_squeeze %dma_wait3A_85 : memref<1x162x128xi32, #tpu.memory_space<hbm>> -> memref<162x128xi32, #tpu.memory_space<hbm>>
      tpu.wait_dma2 semaphore(%run_scoped3A : memref<!tpu.dma_semaphore, #tpu.memory_space<semaphore_mem>>) src(%dma_wait3A_86 : memref<162x128xi32, #tpu.memory_space<hbm>>) dst(%arg6 : memref<162x128xi32, #tpu.memory_space<vmem>>)
      tpu.yield
    }) : () -> ()
    "tpu.region"() ({
      %run_scoped3A = tpu.sem_alloc : memref<!tpu.dma_semaphore, #tpu.memory_space<semaphore_mem>>
      %dma_start3A = arith.constant 0 : i32
      %dma_start3A_73 = arith.constant 0 : i32
      %dma_start3A_74 = tpu.memref_slice %arg4[%arg1, %dma_start3A, %dma_start3A_73] : memref<16x162x128xi32, #tpu.memory_space<hbm>> -> memref<1x162x128xi32, #tpu.memory_space<hbm>>
      %dma_start3A_75 = tpu.memref_squeeze %dma_start3A_74 : memref<1x162x128xi32, #tpu.memory_space<hbm>> -> memref<162x128xi32, #tpu.memory_space<hbm>>
      %dma_start3A_76 = arith.constant 0 : i32
      %dma_start3A_77 = arith.constant 0 : i32
      %dma_start3A_78 = tpu.memref_slice %arg4[%arg1, %dma_start3A_76, %dma_start3A_77] : memref<16x162x128xi32, #tpu.memory_space<hbm>> -> memref<1x162x128xi32, #tpu.memory_space<hbm>>
      %dma_start3A_79 = tpu.memref_squeeze %dma_start3A_78 : memref<1x162x128xi32, #tpu.memory_space<hbm>> -> memref<162x128xi32, #tpu.memory_space<hbm>>
      tpu.enqueue_dma source(%dma_start3A_79 : memref<162x128xi32, #tpu.memory_space<hbm>>) target(%arg7 : memref<162x128xi32, #tpu.memory_space<vmem>>) target_semaphore(%run_scoped3A : memref<!tpu.dma_semaphore, #tpu.memory_space<semaphore_mem>>)
      %dma_wait3A = arith.constant 0 : i32
      %dma_wait3A_80 = arith.constant 0 : i32
      %dma_wait3A_81 = tpu.memref_slice %arg4[%arg1, %dma_wait3A, %dma_wait3A_80] : memref<16x162x128xi32, #tpu.memory_space<hbm>> -> memref<1x162x128xi32, #tpu.memory_space<hbm>>
      %dma_wait3A_82 = tpu.memref_squeeze %dma_wait3A_81 : memref<1x162x128xi32, #tpu.memory_space<hbm>> -> memref<162x128xi32, #tpu.memory_space<hbm>>
      %dma_wait3A_83 = arith.constant 0 : i32
      %dma_wait3A_84 = arith.constant 0 : i32
      %dma_wait3A_85 = tpu.memref_slice %arg4[%arg1, %dma_wait3A_83, %dma_wait3A_84] : memref<16x162x128xi32, #tpu.memory_space<hbm>> -> memref<1x162x128xi32, #tpu.memory_space<hbm>>
      %dma_wait3A_86 = tpu.memref_squeeze %dma_wait3A_85 : memref<1x162x128xi32, #tpu.memory_space<hbm>> -> memref<162x128xi32, #tpu.memory_space<hbm>>
      tpu.wait_dma2 semaphore(%run_scoped3A : memref<!tpu.dma_semaphore, #tpu.memory_space<semaphore_mem>>) src(%dma_wait3A_86 : memref<162x128xi32, #tpu.memory_space<hbm>>) dst(%arg7 : memref<162x128xi32, #tpu.memory_space<vmem>>)
      tpu.yield
    }) : () -> ()
    %barrier3A = arith.constant 0 : index
    tpu.barrier barrier_id(%barrier3A)
    %scan3A_25 = arith.constant 0 : i32
    %scan3A_26 = arith.constant 0 : i32
    %scan3A_27 = arith.constant 81 : i32
    %scan3A_28 = arith.addi %scan3A_26, %scan3A_27 : i32
    %scan3A_29 = arith.constant 1 : i32
    %scan3A_30 = scf.for %scan3A_73 = %scan3A_26 to %scan3A_28 step %scan3A_29 iter_args(%scan3A_74 = %scan3A_25) -> (i32)  : i32 {
      %mul3A_75 = arith.constant 2 : i32
      %mul3A_76 = arith.muli %mul3A_75, %scan3A_73 : i32
      %mul3A_77 = arith.constant 2 : i32
      %mul3A_78 = arith.muli %mul3A_77, %scan3A_73 : i32
      %add3A_79 = arith.constant 1 : i32
      %add3A_80 = arith.addi %mul3A_78, %add3A_79 : i32
      %dma_start3A = arith.constant 0 : i32
      %dma_start3A_81 = tpu.memref_slice %arg6[%mul3A_76, %dma_start3A] : memref<162x128xi32, #tpu.memory_space<vmem>> -> memref<1x128xi32, #tpu.memory_space<vmem>>
      %dma_start3A_82 = tpu.memref_squeeze %dma_start3A_81 : memref<1x128xi32, #tpu.memory_space<vmem>> -> memref<128xi32, #tpu.memory_space<vmem>>
      %dma_start3A_83 = arith.constant 0 : i32
      %dma_start3A_84 = arith.constant 0 : i32
      %dma_start3A_85 = tpu.memref_slice %arg2[%arg0, %dma_start3A_83, %dma_start3A_84] : memref<2x10240x64xf32, #tpu.memory_space<hbm>> -> memref<1x10240x64xf32, #tpu.memory_space<hbm>>
      %dma_start3A_86 = tpu.memref_squeeze %dma_start3A_85 : memref<1x10240x64xf32, #tpu.memory_space<hbm>> -> memref<10240x64xf32, #tpu.memory_space<hbm>>
      %dma_start3A_87 = arith.constant 0 : i32
      %dma_start3A_88 = arith.constant 0 : i32
      %dma_start3A_89 = tpu.memref_slice %dma_start3A_86[%dma_start3A_87, %dma_start3A_88] : memref<10240x64xf32, #tpu.memory_space<hbm>> -> memref<10240x64xf32, #tpu.memory_space<hbm>>
      tpu.enqueue_indirect_dma source(%dma_start3A_89 : memref<10240x64xf32, #tpu.memory_space<hbm>>) target(%arg8 : memref<128x64xf32, #tpu.memory_space<vmem>>) offsets(%dma_start3A_82 : memref<128xi32, #tpu.memory_space<vmem>>) semaphore(%arg10 : memref<!tpu.dma_semaphore, #tpu.memory_space<semaphore_mem>>)
      %dma_start3A_90 = arith.constant 0 : i32
      %dma_start3A_91 = tpu.memref_slice %arg6[%add3A_80, %dma_start3A_90] : memref<162x128xi32, #tpu.memory_space<vmem>> -> memref<1x128xi32, #tpu.memory_space<vmem>>
      %dma_start3A_92 = tpu.memref_squeeze %dma_start3A_91 : memref<1x128xi32, #tpu.memory_space<vmem>> -> memref<128xi32, #tpu.memory_space<vmem>>
      %dma_start3A_93 = arith.constant 0 : i32
      %dma_start3A_94 = arith.constant 0 : i32
      %dma_start3A_95 = tpu.memref_slice %arg2[%arg0, %dma_start3A_93, %dma_start3A_94] : memref<2x10240x64xf32, #tpu.memory_space<hbm>> -> memref<1x10240x64xf32, #tpu.memory_space<hbm>>
      %dma_start3A_96 = tpu.memref_squeeze %dma_start3A_95 : memref<1x10240x64xf32, #tpu.memory_space<hbm>> -> memref<10240x64xf32, #tpu.memory_space<hbm>>
      %dma_start3A_97 = arith.constant 0 : i32
      %dma_start3A_98 = arith.constant 0 : i32
      %dma_start3A_99 = tpu.memref_slice %dma_start3A_96[%dma_start3A_97, %dma_start3A_98] : memref<10240x64xf32, #tpu.memory_space<hbm>> -> memref<10240x64xf32, #tpu.memory_space<hbm>>
      tpu.enqueue_indirect_dma source(%dma_start3A_99 : memref<10240x64xf32, #tpu.memory_space<hbm>>) target(%arg9 : memref<128x64xf32, #tpu.memory_space<vmem>>) offsets(%dma_start3A_92 : memref<128xi32, #tpu.memory_space<vmem>>) semaphore(%arg11 : memref<!tpu.dma_semaphore, #tpu.memory_space<semaphore_mem>>)
      %dma_wait3A = arith.constant 0 : i32
      %dma_wait3A_100 = tpu.memref_slice %arg6[%mul3A_76, %dma_wait3A] : memref<162x128xi32, #tpu.memory_space<vmem>> -> memref<1x128xi32, #tpu.memory_space<vmem>>
      %dma_wait3A_101 = tpu.memref_squeeze %dma_wait3A_100 : memref<1x128xi32, #tpu.memory_space<vmem>> -> memref<128xi32, #tpu.memory_space<vmem>>
      %dma_wait3A_102 = arith.constant 0 : i32
      %dma_wait3A_103 = arith.constant 0 : i32
      %dma_wait3A_104 = tpu.memref_slice %arg2[%arg0, %dma_wait3A_102, %dma_wait3A_103] : memref<2x10240x64xf32, #tpu.memory_space<hbm>> -> memref<1x10240x64xf32, #tpu.memory_space<hbm>>
      %dma_wait3A_105 = tpu.memref_squeeze %dma_wait3A_104 : memref<1x10240x64xf32, #tpu.memory_space<hbm>> -> memref<10240x64xf32, #tpu.memory_space<hbm>>
      %dma_wait3A_106 = arith.constant 0 : i32
      %dma_wait3A_107 = arith.constant 0 : i32
      %dma_wait3A_108 = tpu.memref_slice %dma_wait3A_105[%dma_wait3A_106, %dma_wait3A_107] : memref<10240x64xf32, #tpu.memory_space<hbm>> -> memref<10240x64xf32, #tpu.memory_space<hbm>>
      tpu.wait_indirect_dma semaphore(%arg10 : memref<!tpu.dma_semaphore, #tpu.memory_space<semaphore_mem>>) src(%dma_wait3A_108 : memref<10240x64xf32, #tpu.memory_space<hbm>>) dst(%arg8 : memref<128x64xf32, #tpu.memory_space<vmem>>)
      "tpu.region"() ({
        %run_scoped3A = tpu.sem_alloc : memref<!tpu.dma_semaphore, #tpu.memory_space<semaphore_mem>>
        %dma_start3A_120 = arith.constant 0 : i32
        %dma_start3A_121 = tpu.memref_slice %arg7[%mul3A_76, %dma_start3A_120] : memref<162x128xi32, #tpu.memory_space<vmem>> -> memref<1x128xi32, #tpu.memory_space<vmem>>
        %dma_start3A_122 = tpu.memref_squeeze %dma_start3A_121 : memref<1x128xi32, #tpu.memory_space<vmem>> -> memref<128xi32, #tpu.memory_space<vmem>>
        %dma_start3A_123 = arith.constant 0 : i32
        %dma_start3A_124 = arith.constant 0 : i32
        %dma_start3A_125 = tpu.memref_slice %arg12[%dma_start3A_123, %dma_start3A_124] : memref<10240x64xf32, #tpu.memory_space<vmem_shared>> -> memref<10240x64xf32, #tpu.memory_space<vmem_shared>>
        tpu.enqueue_indirect_dma source(%arg8 : memref<128x64xf32, #tpu.memory_space<vmem>>) target(%dma_start3A_125 : memref<10240x64xf32, #tpu.memory_space<vmem_shared>>) offsets(%dma_start3A_122 : memref<128xi32, #tpu.memory_space<vmem>>) semaphore(%run_scoped3A : memref<!tpu.dma_semaphore, #tpu.memory_space<semaphore_mem>>) {add = true}
        %dma_wait3A_126 = arith.constant 0 : i32
        %dma_wait3A_127 = tpu.memref_slice %arg7[%mul3A_76, %dma_wait3A_126] : memref<162x128xi32, #tpu.memory_space<vmem>> -> memref<1x128xi32, #tpu.memory_space<vmem>>
        %dma_wait3A_128 = tpu.memref_squeeze %dma_wait3A_127 : memref<1x128xi32, #tpu.memory_space<vmem>> -> memref<128xi32, #tpu.memory_space<vmem>>
        %dma_wait3A_129 = arith.constant 0 : i32
        %dma_wait3A_130 = arith.constant 0 : i32
        %dma_wait3A_131 = tpu.memref_slice %arg12[%dma_wait3A_129, %dma_wait3A_130] : memref<10240x64xf32, #tpu.memory_space<vmem_shared>> -> memref<10240x64xf32, #tpu.memory_space<vmem_shared>>
        tpu.wait_indirect_dma semaphore(%run_scoped3A : memref<!tpu.dma_semaphore, #tpu.memory_space<semaphore_mem>>) src(%arg8 : memref<128x64xf32, #tpu.memory_space<vmem>>) dst(%dma_wait3A_131 : memref<10240x64xf32, #tpu.memory_space<vmem_shared>>)
        tpu.yield
      }) : () -> ()
      %dma_wait3A_109 = arith.constant 0 : i32
      %dma_wait3A_110 = tpu.memref_slice %arg6[%add3A_80, %dma_wait3A_109] : memref<162x128xi32, #tpu.memory_space<vmem>> -> memref<1x128xi32, #tpu.memory_space<vmem>>
      %dma_wait3A_111 = tpu.memref_squeeze %dma_wait3A_110 : memref<1x128xi32, #tpu.memory_space<vmem>> -> memref<128xi32, #tpu.memory_space<vmem>>
      %dma_wait3A_112 = arith.constant 0 : i32
      %dma_wait3A_113 = arith.constant 0 : i32
      %dma_wait3A_114 = tpu.memref_slice %arg2[%arg0, %dma_wait3A_112, %dma_wait3A_113] : memref<2x10240x64xf32, #tpu.memory_space<hbm>> -> memref<1x10240x64xf32, #tpu.memory_space<hbm>>
      %dma_wait3A_115 = tpu.memref_squeeze %dma_wait3A_114 : memref<1x10240x64xf32, #tpu.memory_space<hbm>> -> memref<10240x64xf32, #tpu.memory_space<hbm>>
      %dma_wait3A_116 = arith.constant 0 : i32
      %dma_wait3A_117 = arith.constant 0 : i32
      %dma_wait3A_118 = tpu.memref_slice %dma_wait3A_115[%dma_wait3A_116, %dma_wait3A_117] : memref<10240x64xf32, #tpu.memory_space<hbm>> -> memref<10240x64xf32, #tpu.memory_space<hbm>>
      tpu.wait_indirect_dma semaphore(%arg11 : memref<!tpu.dma_semaphore, #tpu.memory_space<semaphore_mem>>) src(%dma_wait3A_118 : memref<10240x64xf32, #tpu.memory_space<hbm>>) dst(%arg9 : memref<128x64xf32, #tpu.memory_space<vmem>>)
      "tpu.region"() ({
        %run_scoped3A = tpu.sem_alloc : memref<!tpu.dma_semaphore, #tpu.memory_space<semaphore_mem>>
        %dma_start3A_120 = arith.constant 0 : i32
        %dma_start3A_121 = tpu.memref_slice %arg7[%add3A_80, %dma_start3A_120] : memref<162x128xi32, #tpu.memory_space<vmem>> -> memref<1x128xi32, #tpu.memory_space<vmem>>
        %dma_start3A_122 = tpu.memref_squeeze %dma_start3A_121 : memref<1x128xi32, #tpu.memory_space<vmem>> -> memref<128xi32, #tpu.memory_space<vmem>>
        %dma_start3A_123 = arith.constant 0 : i32
        %dma_start3A_124 = arith.constant 0 : i32
        %dma_start3A_125 = tpu.memref_slice %arg12[%dma_start3A_123, %dma_start3A_124] : memref<10240x64xf32, #tpu.memory_space<vmem_shared>> -> memref<10240x64xf32, #tpu.memory_space<vmem_shared>>
        tpu.enqueue_indirect_dma source(%arg9 : memref<128x64xf32, #tpu.memory_space<vmem>>) target(%dma_start3A_125 : memref<10240x64xf32, #tpu.memory_space<vmem_shared>>) offsets(%dma_start3A_122 : memref<128xi32, #tpu.memory_space<vmem>>) semaphore(%run_scoped3A : memref<!tpu.dma_semaphore, #tpu.memory_space<semaphore_mem>>) {add = true}
        %dma_wait3A_126 = arith.constant 0 : i32
        %dma_wait3A_127 = tpu.memref_slice %arg7[%add3A_80, %dma_wait3A_126] : memref<162x128xi32, #tpu.memory_space<vmem>> -> memref<1x128xi32, #tpu.memory_space<vmem>>
        %dma_wait3A_128 = tpu.memref_squeeze %dma_wait3A_127 : memref<1x128xi32, #tpu.memory_space<vmem>> -> memref<128xi32, #tpu.memory_space<vmem>>
        %dma_wait3A_129 = arith.constant 0 : i32
        %dma_wait3A_130 = arith.constant 0 : i32
        %dma_wait3A_131 = tpu.memref_slice %arg12[%dma_wait3A_129, %dma_wait3A_130] : memref<10240x64xf32, #tpu.memory_space<vmem_shared>> -> memref<10240x64xf32, #tpu.memory_space<vmem_shared>>
        tpu.wait_indirect_dma semaphore(%run_scoped3A : memref<!tpu.dma_semaphore, #tpu.memory_space<semaphore_mem>>) src(%arg9 : memref<128x64xf32, #tpu.memory_space<vmem>>) dst(%dma_wait3A_131 : memref<10240x64xf32, #tpu.memory_space<vmem_shared>>)
        tpu.yield
      }) : () -> ()
      %scan3A_119 = arith.constant 0 : i32
      scf.yield %scan3A_119 : i32
    }
    %scan3A_31 = arith.constant 81 : i32
    %barrier3A_32 = arith.constant 0 : index
    tpu.barrier barrier_id(%barrier3A_32)
    %mul3A_33 = arith.constant 640 : i32
    %mul3A_34 = arith.muli %arg1, %mul3A_33 : i32
    %add3A_35 = arith.constant 0 : i32
    %add3A_36 = arith.addi %mul3A_34, %add3A_35 : i32
    "tpu.region"() ({
      %run_scoped3A = tpu.sem_alloc : memref<!tpu.dma_semaphore, #tpu.memory_space<semaphore_mem>>
      %dma_start3A = arith.constant 0 : i32
      %dma_start3A_73 = arith.constant 0 : i32
      %dma_start3A_74 = tpu.memref_slice %arg8[%dma_start3A, %dma_start3A_73] : memref<128x64xf32, #tpu.memory_space<vmem>> -> memref<128x64xf32, #tpu.memory_space<vmem>>
      %dma_start3A_75 = arith.constant 0 : i32
      %dma_start3A_76 = tpu.memref_slice %arg12[%add3A_36, %dma_start3A_75] : memref<10240x64xf32, #tpu.memory_space<vmem_shared>> -> memref<128x64xf32, #tpu.memory_space<vmem_shared>>
      %dma_start3A_77 = arith.constant 0 : i32
      %dma_start3A_78 = arith.constant 0 : i32
      %dma_start3A_79 = tpu.memref_slice %arg8[%dma_start3A_77, %dma_start3A_78] : memref<128x64xf32, #tpu.memory_space<vmem>> -> memref<128x64xf32, #tpu.memory_space<vmem>>
      %dma_start3A_80 = arith.constant 0 : i32
      %dma_start3A_81 = tpu.memref_slice %arg12[%add3A_36, %dma_start3A_80] : memref<10240x64xf32, #tpu.memory_space<vmem_shared>> -> memref<128x64xf32, #tpu.memory_space<vmem_shared>>
      tpu.enqueue_dma source(%dma_start3A_81 : memref<128x64xf32, #tpu.memory_space<vmem_shared>>) target(%dma_start3A_79 : memref<128x64xf32, #tpu.memory_space<vmem>>) target_semaphore(%run_scoped3A : memref<!tpu.dma_semaphore, #tpu.memory_space<semaphore_mem>>)
      %dma_wait3A = arith.constant 0 : i32
      %dma_wait3A_82 = arith.constant 0 : i32
      %dma_wait3A_83 = tpu.memref_slice %arg8[%dma_wait3A, %dma_wait3A_82] : memref<128x64xf32, #tpu.memory_space<vmem>> -> memref<128x64xf32, #tpu.memory_space<vmem>>
      %dma_wait3A_84 = arith.constant 0 : i32
      %dma_wait3A_85 = tpu.memref_slice %arg12[%add3A_36, %dma_wait3A_84] : memref<10240x64xf32, #tpu.memory_space<vmem_shared>> -> memref<128x64xf32, #tpu.memory_space<vmem_shared>>
      %dma_wait3A_86 = arith.constant 0 : i32
      %dma_wait3A_87 = arith.constant 0 : i32
      %dma_wait3A_88 = tpu.memref_slice %arg8[%dma_wait3A_86, %dma_wait3A_87] : memref<128x64xf32, #tpu.memory_space<vmem>> -> memref<128x64xf32, #tpu.memory_space<vmem>>
      %dma_wait3A_89 = arith.constant 0 : i32
      %dma_wait3A_90 = tpu.memref_slice %arg12[%add3A_36, %dma_wait3A_89] : memref<10240x64xf32, #tpu.memory_space<vmem_shared>> -> memref<128x64xf32, #tpu.memory_space<vmem_shared>>
      tpu.wait_dma2 semaphore(%run_scoped3A : memref<!tpu.dma_semaphore, #tpu.memory_space<semaphore_mem>>) src(%dma_wait3A_90 : memref<128x64xf32, #tpu.memory_space<vmem_shared>>) dst(%dma_wait3A_88 : memref<128x64xf32, #tpu.memory_space<vmem>>)
      tpu.yield
    }) : () -> ()
    %mul3A_37 = arith.constant 640 : i32
    %mul3A_38 = arith.muli %arg1, %mul3A_37 : i32
    %add3A_39 = arith.constant 0 : i32
    %add3A_40 = arith.addi %mul3A_38, %add3A_39 : i32
    "tpu.region"() ({
      %run_scoped3A = tpu.sem_alloc : memref<!tpu.dma_semaphore, #tpu.memory_space<semaphore_mem>>
      %dma_start3A = arith.constant 0 : i32
      %dma_start3A_73 = arith.constant 0 : i32
      %dma_start3A_74 = tpu.memref_slice %arg8[%dma_start3A, %dma_start3A_73] : memref<128x64xf32, #tpu.memory_space<vmem>> -> memref<128x64xf32, #tpu.memory_space<vmem>>
      %dma_start3A_75 = arith.constant 0 : i32
      %dma_start3A_76 = tpu.memref_slice %arg5[%arg0, %add3A_40, %dma_start3A_75] : memref<2x10240x64xf32, #tpu.memory_space<hbm>> -> memref<1x128x64xf32, #tpu.memory_space<hbm>>
      %dma_start3A_77 = tpu.memref_squeeze %dma_start3A_76 : memref<1x128x64xf32, #tpu.memory_space<hbm>> -> memref<128x64xf32, #tpu.memory_space<hbm>>
      %dma_start3A_78 = arith.constant 0 : i32
      %dma_start3A_79 = tpu.memref_slice %arg5[%arg0, %add3A_40, %dma_start3A_78] : memref<2x10240x64xf32, #tpu.memory_space<hbm>> -> memref<1x128x64xf32, #tpu.memory_space<hbm>>
      %dma_start3A_80 = tpu.memref_squeeze %dma_start3A_79 : memref<1x128x64xf32, #tpu.memory_space<hbm>> -> memref<128x64xf32, #tpu.memory_space<hbm>>
      %dma_start3A_81 = arith.constant 0 : i32
      %dma_start3A_82 = arith.constant 0 : i32
      %dma_start3A_83 = tpu.memref_slice %arg8[%dma_start3A_81, %dma_start3A_82] : memref<128x64xf32, #tpu.memory_space<vmem>> -> memref<128x64xf32, #tpu.memory_space<vmem>>
      tpu.enqueue_dma source(%dma_start3A_83 : memref<128x64xf32, #tpu.memory_space<vmem>>) target(%dma_start3A_80 : memref<128x64xf32, #tpu.memory_space<hbm>>) target_semaphore(%run_scoped3A : memref<!tpu.dma_semaphore, #tpu.memory_space<semaphore_mem>>)
      %dma_wait3A = arith.constant 0 : i32
      %dma_wait3A_84 = arith.constant 0 : i32
      %dma_wait3A_85 = tpu.memref_slice %arg8[%dma_wait3A, %dma_wait3A_84] : memref<128x64xf32, #tpu.memory_space<vmem>> -> memref<128x64xf32, #tpu.memory_space<vmem>>
      %dma_wait3A_86 = arith.constant 0 : i32
      %dma_wait3A_87 = tpu.memref_slice %arg5[%arg0, %add3A_40, %dma_wait3A_86] : memref<2x10240x64xf32, #tpu.memory_space<hbm>> -> memref<1x128x64xf32, #tpu.memory_space<hbm>>
      %dma_wait3A_88 = tpu.memref_squeeze %dma_wait3A_87 : memref<1x128x64xf32, #tpu.memory_space<hbm>> -> memref<128x64xf32, #tpu.memory_space<hbm>>
      %dma_wait3A_89 = arith.constant 0 : i32
      %dma_wait3A_90 = tpu.memref_slice %arg5[%arg0, %add3A_40, %dma_wait3A_89] : memref<2x10240x64xf32, #tpu.memory_space<hbm>> -> memref<1x128x64xf32, #tpu.memory_space<hbm>>
      %dma_wait3A_91 = tpu.memref_squeeze %dma_wait3A_90 : memref<1x128x64xf32, #tpu.memory_space<hbm>> -> memref<128x64xf32, #tpu.memory_space<hbm>>
      %dma_wait3A_92 = arith.constant 0 : i32
      %dma_wait3A_93 = arith.constant 0 : i32
      %dma_wait3A_94 = tpu.memref_slice %arg8[%dma_wait3A_92, %dma_wait3A_93] : memref<128x64xf32, #tpu.memory_space<vmem>> -> memref<128x64xf32, #tpu.memory_space<vmem>>
      tpu.wait_dma2 semaphore(%run_scoped3A : memref<!tpu.dma_semaphore, #tpu.memory_space<semaphore_mem>>) src(%dma_wait3A_94 : memref<128x64xf32, #tpu.memory_space<vmem>>) dst(%dma_wait3A_91 : memref<128x64xf32, #tpu.memory_space<hbm>>)
      tpu.yield
    }) : () -> ()
    %mul3A_41 = arith.constant 640 : i32
    %mul3A_42 = arith.muli %arg1, %mul3A_41 : i32
    %add3A_43 = arith.constant 128 : i32
    %add3A_44 = arith.addi %mul3A_42, %add3A_43 : i32
    "tpu.region"() ({
      %run_scoped3A = tpu.sem_alloc : memref<!tpu.dma_semaphore, #tpu.memory_space<semaphore_mem>>
      %dma_start3A = arith.constant 0 : i32
      %dma_start3A_73 = arith.constant 0 : i32
      %dma_start3A_74 = tpu.memref_slice %arg8[%dma_start3A, %dma_start3A_73] : memref<128x64xf32, #tpu.memory_space<vmem>> -> memref<128x64xf32, #tpu.memory_space<vmem>>
      %dma_start3A_75 = arith.constant 0 : i32
      %dma_start3A_76 = tpu.memref_slice %arg12[%add3A_44, %dma_start3A_75] : memref<10240x64xf32, #tpu.memory_space<vmem_shared>> -> memref<128x64xf32, #tpu.memory_space<vmem_shared>>
      %dma_start3A_77 = arith.constant 0 : i32
      %dma_start3A_78 = arith.constant 0 : i32
      %dma_start3A_79 = tpu.memref_slice %arg8[%dma_start3A_77, %dma_start3A_78] : memref<128x64xf32, #tpu.memory_space<vmem>> -> memref<128x64xf32, #tpu.memory_space<vmem>>
      %dma_start3A_80 = arith.constant 0 : i32
      %dma_start3A_81 = tpu.memref_slice %arg12[%add3A_44, %dma_start3A_80] : memref<10240x64xf32, #tpu.memory_space<vmem_shared>> -> memref<128x64xf32, #tpu.memory_space<vmem_shared>>
      tpu.enqueue_dma source(%dma_start3A_81 : memref<128x64xf32, #tpu.memory_space<vmem_shared>>) target(%dma_start3A_79 : memref<128x64xf32, #tpu.memory_space<vmem>>) target_semaphore(%run_scoped3A : memref<!tpu.dma_semaphore, #tpu.memory_space<semaphore_mem>>)
      %dma_wait3A = arith.constant 0 : i32
      %dma_wait3A_82 = arith.constant 0 : i32
      %dma_wait3A_83 = tpu.memref_slice %arg8[%dma_wait3A, %dma_wait3A_82] : memref<128x64xf32, #tpu.memory_space<vmem>> -> memref<128x64xf32, #tpu.memory_space<vmem>>
      %dma_wait3A_84 = arith.constant 0 : i32
      %dma_wait3A_85 = tpu.memref_slice %arg12[%add3A_44, %dma_wait3A_84] : memref<10240x64xf32, #tpu.memory_space<vmem_shared>> -> memref<128x64xf32, #tpu.memory_space<vmem_shared>>
      %dma_wait3A_86 = arith.constant 0 : i32
      %dma_wait3A_87 = arith.constant 0 : i32
      %dma_wait3A_88 = tpu.memref_slice %arg8[%dma_wait3A_86, %dma_wait3A_87] : memref<128x64xf32, #tpu.memory_space<vmem>> -> memref<128x64xf32, #tpu.memory_space<vmem>>
      %dma_wait3A_89 = arith.constant 0 : i32
      %dma_wait3A_90 = tpu.memref_slice %arg12[%add3A_44, %dma_wait3A_89] : memref<10240x64xf32, #tpu.memory_space<vmem_shared>> -> memref<128x64xf32, #tpu.memory_space<vmem_shared>>
      tpu.wait_dma2 semaphore(%run_scoped3A : memref<!tpu.dma_semaphore, #tpu.memory_space<semaphore_mem>>) src(%dma_wait3A_90 : memref<128x64xf32, #tpu.memory_space<vmem_shared>>) dst(%dma_wait3A_88 : memref<128x64xf32, #tpu.memory_space<vmem>>)
      tpu.yield
    }) : () -> ()
    %mul3A_45 = arith.constant 640 : i32
    %mul3A_46 = arith.muli %arg1, %mul3A_45 : i32
    %add3A_47 = arith.constant 128 : i32
    %add3A_48 = arith.addi %mul3A_46, %add3A_47 : i32
    "tpu.region"() ({
      %run_scoped3A = tpu.sem_alloc : memref<!tpu.dma_semaphore, #tpu.memory_space<semaphore_mem>>
      %dma_start3A = arith.constant 0 : i32
      %dma_start3A_73 = arith.constant 0 : i32
      %dma_start3A_74 = tpu.memref_slice %arg8[%dma_start3A, %dma_start3A_73] : memref<128x64xf32, #tpu.memory_space<vmem>> -> memref<128x64xf32, #tpu.memory_space<vmem>>
      %dma_start3A_75 = arith.constant 0 : i32
      %dma_start3A_76 = tpu.memref_slice %arg5[%arg0, %add3A_48, %dma_start3A_75] : memref<2x10240x64xf32, #tpu.memory_space<hbm>> -> memref<1x128x64xf32, #tpu.memory_space<hbm>>
      %dma_start3A_77 = tpu.memref_squeeze %dma_start3A_76 : memref<1x128x64xf32, #tpu.memory_space<hbm>> -> memref<128x64xf32, #tpu.memory_space<hbm>>
      %dma_start3A_78 = arith.constant 0 : i32
      %dma_start3A_79 = tpu.memref_slice %arg5[%arg0, %add3A_48, %dma_start3A_78] : memref<2x10240x64xf32, #tpu.memory_space<hbm>> -> memref<1x128x64xf32, #tpu.memory_space<hbm>>
      %dma_start3A_80 = tpu.memref_squeeze %dma_start3A_79 : memref<1x128x64xf32, #tpu.memory_space<hbm>> -> memref<128x64xf32, #tpu.memory_space<hbm>>
      %dma_start3A_81 = arith.constant 0 : i32
      %dma_start3A_82 = arith.constant 0 : i32
      %dma_start3A_83 = tpu.memref_slice %arg8[%dma_start3A_81, %dma_start3A_82] : memref<128x64xf32, #tpu.memory_space<vmem>> -> memref<128x64xf32, #tpu.memory_space<vmem>>
      tpu.enqueue_dma source(%dma_start3A_83 : memref<128x64xf32, #tpu.memory_space<vmem>>) target(%dma_start3A_80 : memref<128x64xf32, #tpu.memory_space<hbm>>) target_semaphore(%run_scoped3A : memref<!tpu.dma_semaphore, #tpu.memory_space<semaphore_mem>>)
      %dma_wait3A = arith.constant 0 : i32
      %dma_wait3A_84 = arith.constant 0 : i32
      %dma_wait3A_85 = tpu.memref_slice %arg8[%dma_wait3A, %dma_wait3A_84] : memref<128x64xf32, #tpu.memory_space<vmem>> -> memref<128x64xf32, #tpu.memory_space<vmem>>
      %dma_wait3A_86 = arith.constant 0 : i32
      %dma_wait3A_87 = tpu.memref_slice %arg5[%arg0, %add3A_48, %dma_wait3A_86] : memref<2x10240x64xf32, #tpu.memory_space<hbm>> -> memref<1x128x64xf32, #tpu.memory_space<hbm>>
      %dma_wait3A_88 = tpu.memref_squeeze %dma_wait3A_87 : memref<1x128x64xf32, #tpu.memory_space<hbm>> -> memref<128x64xf32, #tpu.memory_space<hbm>>
      %dma_wait3A_89 = arith.constant 0 : i32
      %dma_wait3A_90 = tpu.memref_slice %arg5[%arg0, %add3A_48, %dma_wait3A_89] : memref<2x10240x64xf32, #tpu.memory_space<hbm>> -> memref<1x128x64xf32, #tpu.memory_space<hbm>>
      %dma_wait3A_91 = tpu.memref_squeeze %dma_wait3A_90 : memref<1x128x64xf32, #tpu.memory_space<hbm>> -> memref<128x64xf32, #tpu.memory_space<hbm>>
      %dma_wait3A_92 = arith.constant 0 : i32
      %dma_wait3A_93 = arith.constant 0 : i32
      %dma_wait3A_94 = tpu.memref_slice %arg8[%dma_wait3A_92, %dma_wait3A_93] : memref<128x64xf32, #tpu.memory_space<vmem>> -> memref<128x64xf32, #tpu.memory_space<vmem>>
      tpu.wait_dma2 semaphore(%run_scoped3A : memref<!tpu.dma_semaphore, #tpu.memory_space<semaphore_mem>>) src(%dma_wait3A_94 : memref<128x64xf32, #tpu.memory_space<vmem>>) dst(%dma_wait3A_91 : memref<128x64xf32, #tpu.memory_space<hbm>>)
      tpu.yield
    }) : () -> ()
    %mul3A_49 = arith.constant 640 : i32
    %mul3A_50 = arith.muli %arg1, %mul3A_49 : i32
    %add3A_51 = arith.constant 256 : i32
    %add3A_52 = arith.addi %mul3A_50, %add3A_51 : i32
    "tpu.region"() ({
      %run_scoped3A = tpu.sem_alloc : memref<!tpu.dma_semaphore, #tpu.memory_space<semaphore_mem>>
      %dma_start3A = arith.constant 0 : i32
      %dma_start3A_73 = arith.constant 0 : i32
      %dma_start3A_74 = tpu.memref_slice %arg8[%dma_start3A, %dma_start3A_73] : memref<128x64xf32, #tpu.memory_space<vmem>> -> memref<128x64xf32, #tpu.memory_space<vmem>>
      %dma_start3A_75 = arith.constant 0 : i32
      %dma_start3A_76 = tpu.memref_slice %arg12[%add3A_52, %dma_start3A_75] : memref<10240x64xf32, #tpu.memory_space<vmem_shared>> -> memref<128x64xf32, #tpu.memory_space<vmem_shared>>
      %dma_start3A_77 = arith.constant 0 : i32
      %dma_start3A_78 = arith.constant 0 : i32
      %dma_start3A_79 = tpu.memref_slice %arg8[%dma_start3A_77, %dma_start3A_78] : memref<128x64xf32, #tpu.memory_space<vmem>> -> memref<128x64xf32, #tpu.memory_space<vmem>>
      %dma_start3A_80 = arith.constant 0 : i32
      %dma_start3A_81 = tpu.memref_slice %arg12[%add3A_52, %dma_start3A_80] : memref<10240x64xf32, #tpu.memory_space<vmem_shared>> -> memref<128x64xf32, #tpu.memory_space<vmem_shared>>
      tpu.enqueue_dma source(%dma_start3A_81 : memref<128x64xf32, #tpu.memory_space<vmem_shared>>) target(%dma_start3A_79 : memref<128x64xf32, #tpu.memory_space<vmem>>) target_semaphore(%run_scoped3A : memref<!tpu.dma_semaphore, #tpu.memory_space<semaphore_mem>>)
      %dma_wait3A = arith.constant 0 : i32
      %dma_wait3A_82 = arith.constant 0 : i32
      %dma_wait3A_83 = tpu.memref_slice %arg8[%dma_wait3A, %dma_wait3A_82] : memref<128x64xf32, #tpu.memory_space<vmem>> -> memref<128x64xf32, #tpu.memory_space<vmem>>
      %dma_wait3A_84 = arith.constant 0 : i32
      %dma_wait3A_85 = tpu.memref_slice %arg12[%add3A_52, %dma_wait3A_84] : memref<10240x64xf32, #tpu.memory_space<vmem_shared>> -> memref<128x64xf32, #tpu.memory_space<vmem_shared>>
      %dma_wait3A_86 = arith.constant 0 : i32
      %dma_wait3A_87 = arith.constant 0 : i32
      %dma_wait3A_88 = tpu.memref_slice %arg8[%dma_wait3A_86, %dma_wait3A_87] : memref<128x64xf32, #tpu.memory_space<vmem>> -> memref<128x64xf32, #tpu.memory_space<vmem>>
      %dma_wait3A_89 = arith.constant 0 : i32
      %dma_wait3A_90 = tpu.memref_slice %arg12[%add3A_52, %dma_wait3A_89] : memref<10240x64xf32, #tpu.memory_space<vmem_shared>> -> memref<128x64xf32, #tpu.memory_space<vmem_shared>>
      tpu.wait_dma2 semaphore(%run_scoped3A : memref<!tpu.dma_semaphore, #tpu.memory_space<semaphore_mem>>) src(%dma_wait3A_90 : memref<128x64xf32, #tpu.memory_space<vmem_shared>>) dst(%dma_wait3A_88 : memref<128x64xf32, #tpu.memory_space<vmem>>)
      tpu.yield
    }) : () -> ()
    %mul3A_53 = arith.constant 640 : i32
    %mul3A_54 = arith.muli %arg1, %mul3A_53 : i32
    %add3A_55 = arith.constant 256 : i32
    %add3A_56 = arith.addi %mul3A_54, %add3A_55 : i32
    "tpu.region"() ({
      %run_scoped3A = tpu.sem_alloc : memref<!tpu.dma_semaphore, #tpu.memory_space<semaphore_mem>>
      %dma_start3A = arith.constant 0 : i32
      %dma_start3A_73 = arith.constant 0 : i32
      %dma_start3A_74 = tpu.memref_slice %arg8[%dma_start3A, %dma_start3A_73] : memref<128x64xf32, #tpu.memory_space<vmem>> -> memref<128x64xf32, #tpu.memory_space<vmem>>
      %dma_start3A_75 = arith.constant 0 : i32
      %dma_start3A_76 = tpu.memref_slice %arg5[%arg0, %add3A_56, %dma_start3A_75] : memref<2x10240x64xf32, #tpu.memory_space<hbm>> -> memref<1x128x64xf32, #tpu.memory_space<hbm>>
      %dma_start3A_77 = tpu.memref_squeeze %dma_start3A_76 : memref<1x128x64xf32, #tpu.memory_space<hbm>> -> memref<128x64xf32, #tpu.memory_space<hbm>>
      %dma_start3A_78 = arith.constant 0 : i32
      %dma_start3A_79 = tpu.memref_slice %arg5[%arg0, %add3A_56, %dma_start3A_78] : memref<2x10240x64xf32, #tpu.memory_space<hbm>> -> memref<1x128x64xf32, #tpu.memory_space<hbm>>
      %dma_start3A_80 = tpu.memref_squeeze %dma_start3A_79 : memref<1x128x64xf32, #tpu.memory_space<hbm>> -> memref<128x64xf32, #tpu.memory_space<hbm>>
      %dma_start3A_81 = arith.constant 0 : i32
      %dma_start3A_82 = arith.constant 0 : i32
      %dma_start3A_83 = tpu.memref_slice %arg8[%dma_start3A_81, %dma_start3A_82] : memref<128x64xf32, #tpu.memory_space<vmem>> -> memref<128x64xf32, #tpu.memory_space<vmem>>
      tpu.enqueue_dma source(%dma_start3A_83 : memref<128x64xf32, #tpu.memory_space<vmem>>) target(%dma_start3A_80 : memref<128x64xf32, #tpu.memory_space<hbm>>) target_semaphore(%run_scoped3A : memref<!tpu.dma_semaphore, #tpu.memory_space<semaphore_mem>>)
      %dma_wait3A = arith.constant 0 : i32
      %dma_wait3A_84 = arith.constant 0 : i32
      %dma_wait3A_85 = tpu.memref_slice %arg8[%dma_wait3A, %dma_wait3A_84] : memref<128x64xf32, #tpu.memory_space<vmem>> -> memref<128x64xf32, #tpu.memory_space<vmem>>
      %dma_wait3A_86 = arith.constant 0 : i32
      %dma_wait3A_87 = tpu.memref_slice %arg5[%arg0, %add3A_56, %dma_wait3A_86] : memref<2x10240x64xf32, #tpu.memory_space<hbm>> -> memref<1x128x64xf32, #tpu.memory_space<hbm>>
      %dma_wait3A_88 = tpu.memref_squeeze %dma_wait3A_87 : memref<1x128x64xf32, #tpu.memory_space<hbm>> -> memref<128x64xf32, #tpu.memory_space<hbm>>
      %dma_wait3A_89 = arith.constant 0 : i32
      %dma_wait3A_90 = tpu.memref_slice %arg5[%arg0, %add3A_56, %dma_wait3A_89] : memref<2x10240x64xf32, #tpu.memory_space<hbm>> -> memref<1x128x64xf32, #tpu.memory_space<hbm>>
      %dma_wait3A_91 = tpu.memref_squeeze %dma_wait3A_90 : memref<1x128x64xf32, #tpu.memory_space<hbm>> -> memref<128x64xf32, #tpu.memory_space<hbm>>
      %dma_wait3A_92 = arith.constant 0 : i32
      %dma_wait3A_93 = arith.constant 0 : i32
      %dma_wait3A_94 = tpu.memref_slice %arg8[%dma_wait3A_92, %dma_wait3A_93] : memref<128x64xf32, #tpu.memory_space<vmem>> -> memref<128x64xf32, #tpu.memory_space<vmem>>
      tpu.wait_dma2 semaphore(%run_scoped3A : memref<!tpu.dma_semaphore, #tpu.memory_space<semaphore_mem>>) src(%dma_wait3A_94 : memref<128x64xf32, #tpu.memory_space<vmem>>) dst(%dma_wait3A_91 : memref<128x64xf32, #tpu.memory_space<hbm>>)
      tpu.yield
    }) : () -> ()
    %mul3A_57 = arith.constant 640 : i32
    %mul3A_58 = arith.muli %arg1, %mul3A_57 : i32
    %add3A_59 = arith.constant 384 : i32
    %add3A_60 = arith.addi %mul3A_58, %add3A_59 : i32
    "tpu.region"() ({
      %run_scoped3A = tpu.sem_alloc : memref<!tpu.dma_semaphore, #tpu.memory_space<semaphore_mem>>
      %dma_start3A = arith.constant 0 : i32
      %dma_start3A_73 = arith.constant 0 : i32
      %dma_start3A_74 = tpu.memref_slice %arg8[%dma_start3A, %dma_start3A_73] : memref<128x64xf32, #tpu.memory_space<vmem>> -> memref<128x64xf32, #tpu.memory_space<vmem>>
      %dma_start3A_75 = arith.constant 0 : i32
      %dma_start3A_76 = tpu.memref_slice %arg12[%add3A_60, %dma_start3A_75] : memref<10240x64xf32, #tpu.memory_space<vmem_shared>> -> memref<128x64xf32, #tpu.memory_space<vmem_shared>>
      %dma_start3A_77 = arith.constant 0 : i32
      %dma_start3A_78 = arith.constant 0 : i32
      %dma_start3A_79 = tpu.memref_slice %arg8[%dma_start3A_77, %dma_start3A_78] : memref<128x64xf32, #tpu.memory_space<vmem>> -> memref<128x64xf32, #tpu.memory_space<vmem>>
      %dma_start3A_80 = arith.constant 0 : i32
      %dma_start3A_81 = tpu.memref_slice %arg12[%add3A_60, %dma_start3A_80] : memref<10240x64xf32, #tpu.memory_space<vmem_shared>> -> memref<128x64xf32, #tpu.memory_space<vmem_shared>>
      tpu.enqueue_dma source(%dma_start3A_81 : memref<128x64xf32, #tpu.memory_space<vmem_shared>>) target(%dma_start3A_79 : memref<128x64xf32, #tpu.memory_space<vmem>>) target_semaphore(%run_scoped3A : memref<!tpu.dma_semaphore, #tpu.memory_space<semaphore_mem>>)
      %dma_wait3A = arith.constant 0 : i32
      %dma_wait3A_82 = arith.constant 0 : i32
      %dma_wait3A_83 = tpu.memref_slice %arg8[%dma_wait3A, %dma_wait3A_82] : memref<128x64xf32, #tpu.memory_space<vmem>> -> memref<128x64xf32, #tpu.memory_space<vmem>>
      %dma_wait3A_84 = arith.constant 0 : i32
      %dma_wait3A_85 = tpu.memref_slice %arg12[%add3A_60, %dma_wait3A_84] : memref<10240x64xf32, #tpu.memory_space<vmem_shared>> -> memref<128x64xf32, #tpu.memory_space<vmem_shared>>
      %dma_wait3A_86 = arith.constant 0 : i32
      %dma_wait3A_87 = arith.constant 0 : i32
      %dma_wait3A_88 = tpu.memref_slice %arg8[%dma_wait3A_86, %dma_wait3A_87] : memref<128x64xf32, #tpu.memory_space<vmem>> -> memref<128x64xf32, #tpu.memory_space<vmem>>
      %dma_wait3A_89 = arith.constant 0 : i32
      %dma_wait3A_90 = tpu.memref_slice %arg12[%add3A_60, %dma_wait3A_89] : memref<10240x64xf32, #tpu.memory_space<vmem_shared>> -> memref<128x64xf32, #tpu.memory_space<vmem_shared>>
      tpu.wait_dma2 semaphore(%run_scoped3A : memref<!tpu.dma_semaphore, #tpu.memory_space<semaphore_mem>>) src(%dma_wait3A_90 : memref<128x64xf32, #tpu.memory_space<vmem_shared>>) dst(%dma_wait3A_88 : memref<128x64xf32, #tpu.memory_space<vmem>>)
      tpu.yield
    }) : () -> ()
    %mul3A_61 = arith.constant 640 : i32
    %mul3A_62 = arith.muli %arg1, %mul3A_61 : i32
    %add3A_63 = arith.constant 384 : i32
    %add3A_64 = arith.addi %mul3A_62, %add3A_63 : i32
    "tpu.region"() ({
      %run_scoped3A = tpu.sem_alloc : memref<!tpu.dma_semaphore, #tpu.memory_space<semaphore_mem>>
      %dma_start3A = arith.constant 0 : i32
      %dma_start3A_73 = arith.constant 0 : i32
      %dma_start3A_74 = tpu.memref_slice %arg8[%dma_start3A, %dma_start3A_73] : memref<128x64xf32, #tpu.memory_space<vmem>> -> memref<128x64xf32, #tpu.memory_space<vmem>>
      %dma_start3A_75 = arith.constant 0 : i32
      %dma_start3A_76 = tpu.memref_slice %arg5[%arg0, %add3A_64, %dma_start3A_75] : memref<2x10240x64xf32, #tpu.memory_space<hbm>> -> memref<1x128x64xf32, #tpu.memory_space<hbm>>
      %dma_start3A_77 = tpu.memref_squeeze %dma_start3A_76 : memref<1x128x64xf32, #tpu.memory_space<hbm>> -> memref<128x64xf32, #tpu.memory_space<hbm>>
      %dma_start3A_78 = arith.constant 0 : i32
      %dma_start3A_79 = tpu.memref_slice %arg5[%arg0, %add3A_64, %dma_start3A_78] : memref<2x10240x64xf32, #tpu.memory_space<hbm>> -> memref<1x128x64xf32, #tpu.memory_space<hbm>>
      %dma_start3A_80 = tpu.memref_squeeze %dma_start3A_79 : memref<1x128x64xf32, #tpu.memory_space<hbm>> -> memref<128x64xf32, #tpu.memory_space<hbm>>
      %dma_start3A_81 = arith.constant 0 : i32
      %dma_start3A_82 = arith.constant 0 : i32
      %dma_start3A_83 = tpu.memref_slice %arg8[%dma_start3A_81, %dma_start3A_82] : memref<128x64xf32, #tpu.memory_space<vmem>> -> memref<128x64xf32, #tpu.memory_space<vmem>>
      tpu.enqueue_dma source(%dma_start3A_83 : memref<128x64xf32, #tpu.memory_space<vmem>>) target(%dma_start3A_80 : memref<128x64xf32, #tpu.memory_space<hbm>>) target_semaphore(%run_scoped3A : memref<!tpu.dma_semaphore, #tpu.memory_space<semaphore_mem>>)
      %dma_wait3A = arith.constant 0 : i32
      %dma_wait3A_84 = arith.constant 0 : i32
      %dma_wait3A_85 = tpu.memref_slice %arg8[%dma_wait3A, %dma_wait3A_84] : memref<128x64xf32, #tpu.memory_space<vmem>> -> memref<128x64xf32, #tpu.memory_space<vmem>>
      %dma_wait3A_86 = arith.constant 0 : i32
      %dma_wait3A_87 = tpu.memref_slice %arg5[%arg0, %add3A_64, %dma_wait3A_86] : memref<2x10240x64xf32, #tpu.memory_space<hbm>> -> memref<1x128x64xf32, #tpu.memory_space<hbm>>
      %dma_wait3A_88 = tpu.memref_squeeze %dma_wait3A_87 : memref<1x128x64xf32, #tpu.memory_space<hbm>> -> memref<128x64xf32, #tpu.memory_space<hbm>>
      %dma_wait3A_89 = arith.constant 0 : i32
      %dma_wait3A_90 = tpu.memref_slice %arg5[%arg0, %add3A_64, %dma_wait3A_89] : memref<2x10240x64xf32, #tpu.memory_space<hbm>> -> memref<1x128x64xf32, #tpu.memory_space<hbm>>
      %dma_wait3A_91 = tpu.memref_squeeze %dma_wait3A_90 : memref<1x128x64xf32, #tpu.memory_space<hbm>> -> memref<128x64xf32, #tpu.memory_space<hbm>>
      %dma_wait3A_92 = arith.constant 0 : i32
      %dma_wait3A_93 = arith.constant 0 : i32
      %dma_wait3A_94 = tpu.memref_slice %arg8[%dma_wait3A_92, %dma_wait3A_93] : memref<128x64xf32, #tpu.memory_space<vmem>> -> memref<128x64xf32, #tpu.memory_space<vmem>>
      tpu.wait_dma2 semaphore(%run_scoped3A : memref<!tpu.dma_semaphore, #tpu.memory_space<semaphore_mem>>) src(%dma_wait3A_94 : memref<128x64xf32, #tpu.memory_space<vmem>>) dst(%dma_wait3A_91 : memref<128x64xf32, #tpu.memory_space<hbm>>)
      tpu.yield
    }) : () -> ()
    %mul3A_65 = arith.constant 640 : i32
    %mul3A_66 = arith.muli %arg1, %mul3A_65 : i32
    %add3A_67 = arith.constant 512 : i32
    %add3A_68 = arith.addi %mul3A_66, %add3A_67 : i32
    "tpu.region"() ({
      %run_scoped3A = tpu.sem_alloc : memref<!tpu.dma_semaphore, #tpu.memory_space<semaphore_mem>>
      %dma_start3A = arith.constant 0 : i32
      %dma_start3A_73 = arith.constant 0 : i32
      %dma_start3A_74 = tpu.memref_slice %arg8[%dma_start3A, %dma_start3A_73] : memref<128x64xf32, #tpu.memory_space<vmem>> -> memref<128x64xf32, #tpu.memory_space<vmem>>
      %dma_start3A_75 = arith.constant 0 : i32
      %dma_start3A_76 = tpu.memref_slice %arg12[%add3A_68, %dma_start3A_75] : memref<10240x64xf32, #tpu.memory_space<vmem_shared>> -> memref<128x64xf32, #tpu.memory_space<vmem_shared>>
      %dma_start3A_77 = arith.constant 0 : i32
      %dma_start3A_78 = arith.constant 0 : i32
      %dma_start3A_79 = tpu.memref_slice %arg8[%dma_start3A_77, %dma_start3A_78] : memref<128x64xf32, #tpu.memory_space<vmem>> -> memref<128x64xf32, #tpu.memory_space<vmem>>
      %dma_start3A_80 = arith.constant 0 : i32
      %dma_start3A_81 = tpu.memref_slice %arg12[%add3A_68, %dma_start3A_80] : memref<10240x64xf32, #tpu.memory_space<vmem_shared>> -> memref<128x64xf32, #tpu.memory_space<vmem_shared>>
      tpu.enqueue_dma source(%dma_start3A_81 : memref<128x64xf32, #tpu.memory_space<vmem_shared>>) target(%dma_start3A_79 : memref<128x64xf32, #tpu.memory_space<vmem>>) target_semaphore(%run_scoped3A : memref<!tpu.dma_semaphore, #tpu.memory_space<semaphore_mem>>)
      %dma_wait3A = arith.constant 0 : i32
      %dma_wait3A_82 = arith.constant 0 : i32
      %dma_wait3A_83 = tpu.memref_slice %arg8[%dma_wait3A, %dma_wait3A_82] : memref<128x64xf32, #tpu.memory_space<vmem>> -> memref<128x64xf32, #tpu.memory_space<vmem>>
      %dma_wait3A_84 = arith.constant 0 : i32
      %dma_wait3A_85 = tpu.memref_slice %arg12[%add3A_68, %dma_wait3A_84] : memref<10240x64xf32, #tpu.memory_space<vmem_shared>> -> memref<128x64xf32, #tpu.memory_space<vmem_shared>>
      %dma_wait3A_86 = arith.constant 0 : i32
      %dma_wait3A_87 = arith.constant 0 : i32
      %dma_wait3A_88 = tpu.memref_slice %arg8[%dma_wait3A_86, %dma_wait3A_87] : memref<128x64xf32, #tpu.memory_space<vmem>> -> memref<128x64xf32, #tpu.memory_space<vmem>>
      %dma_wait3A_89 = arith.constant 0 : i32
      %dma_wait3A_90 = tpu.memref_slice %arg12[%add3A_68, %dma_wait3A_89] : memref<10240x64xf32, #tpu.memory_space<vmem_shared>> -> memref<128x64xf32, #tpu.memory_space<vmem_shared>>
      tpu.wait_dma2 semaphore(%run_scoped3A : memref<!tpu.dma_semaphore, #tpu.memory_space<semaphore_mem>>) src(%dma_wait3A_90 : memref<128x64xf32, #tpu.memory_space<vmem_shared>>) dst(%dma_wait3A_88 : memref<128x64xf32, #tpu.memory_space<vmem>>)
      tpu.yield
    }) : () -> ()
    %mul3A_69 = arith.constant 640 : i32
    %mul3A_70 = arith.muli %arg1, %mul3A_69 : i32
    %add3A_71 = arith.constant 512 : i32
    %add3A_72 = arith.addi %mul3A_70, %add3A_71 : i32
    "tpu.region"() ({
      %run_scoped3A = tpu.sem_alloc : memref<!tpu.dma_semaphore, #tpu.memory_space<semaphore_mem>>
      %dma_start3A = arith.constant 0 : i32
      %dma_start3A_73 = arith.constant 0 : i32
      %dma_start3A_74 = tpu.memref_slice %arg8[%dma_start3A, %dma_start3A_73] : memref<128x64xf32, #tpu.memory_space<vmem>> -> memref<128x64xf32, #tpu.memory_space<vmem>>
      %dma_start3A_75 = arith.constant 0 : i32
      %dma_start3A_76 = tpu.memref_slice %arg5[%arg0, %add3A_72, %dma_start3A_75] : memref<2x10240x64xf32, #tpu.memory_space<hbm>> -> memref<1x128x64xf32, #tpu.memory_space<hbm>>
      %dma_start3A_77 = tpu.memref_squeeze %dma_start3A_76 : memref<1x128x64xf32, #tpu.memory_space<hbm>> -> memref<128x64xf32, #tpu.memory_space<hbm>>
      %dma_start3A_78 = arith.constant 0 : i32
      %dma_start3A_79 = tpu.memref_slice %arg5[%arg0, %add3A_72, %dma_start3A_78] : memref<2x10240x64xf32, #tpu.memory_space<hbm>> -> memref<1x128x64xf32, #tpu.memory_space<hbm>>
      %dma_start3A_80 = tpu.memref_squeeze %dma_start3A_79 : memref<1x128x64xf32, #tpu.memory_space<hbm>> -> memref<128x64xf32, #tpu.memory_space<hbm>>
      %dma_start3A_81 = arith.constant 0 : i32
      %dma_start3A_82 = arith.constant 0 : i32
      %dma_start3A_83 = tpu.memref_slice %arg8[%dma_start3A_81, %dma_start3A_82] : memref<128x64xf32, #tpu.memory_space<vmem>> -> memref<128x64xf32, #tpu.memory_space<vmem>>
      tpu.enqueue_dma source(%dma_start3A_83 : memref<128x64xf32, #tpu.memory_space<vmem>>) target(%dma_start3A_80 : memref<128x64xf32, #tpu.memory_space<hbm>>) target_semaphore(%run_scoped3A : memref<!tpu.dma_semaphore, #tpu.memory_space<semaphore_mem>>)
      %dma_wait3A = arith.constant 0 : i32
      %dma_wait3A_84 = arith.constant 0 : i32
      %dma_wait3A_85 = tpu.memref_slice %arg8[%dma_wait3A, %dma_wait3A_84] : memref<128x64xf32, #tpu.memory_space<vmem>> -> memref<128x64xf32, #tpu.memory_space<vmem>>
      %dma_wait3A_86 = arith.constant 0 : i32
      %dma_wait3A_87 = tpu.memref_slice %arg5[%arg0, %add3A_72, %dma_wait3A_86] : memref<2x10240x64xf32, #tpu.memory_space<hbm>> -> memref<1x128x64xf32, #tpu.memory_space<hbm>>
      %dma_wait3A_88 = tpu.memref_squeeze %dma_wait3A_87 : memref<1x128x64xf32, #tpu.memory_space<hbm>> -> memref<128x64xf32, #tpu.memory_space<hbm>>
      %dma_wait3A_89 = arith.constant 0 : i32
      %dma_wait3A_90 = tpu.memref_slice %arg5[%arg0, %add3A_72, %dma_wait3A_89] : memref<2x10240x64xf32, #tpu.memory_space<hbm>> -> memref<1x128x64xf32, #tpu.memory_space<hbm>>
      %dma_wait3A_91 = tpu.memref_squeeze %dma_wait3A_90 : memref<1x128x64xf32, #tpu.memory_space<hbm>> -> memref<128x64xf32, #tpu.memory_space<hbm>>
      %dma_wait3A_92 = arith.constant 0 : i32
      %dma_wait3A_93 = arith.constant 0 : i32
      %dma_wait3A_94 = tpu.memref_slice %arg8[%dma_wait3A_92, %dma_wait3A_93] : memref<128x64xf32, #tpu.memory_space<vmem>> -> memref<128x64xf32, #tpu.memory_space<vmem>>
      tpu.wait_dma2 semaphore(%run_scoped3A : memref<!tpu.dma_semaphore, #tpu.memory_space<semaphore_mem>>) src(%dma_wait3A_94 : memref<128x64xf32, #tpu.memory_space<vmem>>) dst(%dma_wait3A_91 : memref<128x64xf32, #tpu.memory_space<hbm>>)
      tpu.yield
    }) : () -> ()
    return
  }
}

#map = affine_map<(d0, d1) -> (0)>
#map1 = affine_map<(d0, d1) -> (0, 0)>
module attributes {stable_mosaic.version = 14 : i64} {
  func.func @_deg_body(%arg0: i32, %arg1: i32, %arg2: memref<331776xi32, #tpu.memory_space<hbm>>, %arg3: memref<2x10240xf32, #tpu.memory_space<hbm>>, %arg4: memref<10368xi32, #tpu.memory_space<vmem>>, %arg5: memref<10240xf32, #tpu.memory_space<vmem>>, %arg6: memref<640xf32, #tpu.memory_space<vmem>>, %arg7: memref<640xf32, #tpu.memory_space<vmem>>, %arg8: memref<16x10240xf32, #tpu.memory_space<vmem_shared>>) attributes {dimension_semantics = [#tpu.dimension_semantics<core_parallel>, #tpu.dimension_semantics<subcore_parallel>], iteration_bounds = array<i64: 2, 16>, scalar_prefetch = 0 : i64, scratch_operands = 5 : i64, tpu.core_type = #tpu.core_type<sc_vector_subcore>, window_params = [{transform_indices = #map}, {transform_indices = #map1}]} {
    %mul3A = arith.constant 16 : i32
    %mul3A_0 = arith.muli %arg0, %mul3A : i32
    %add3A = arith.addi %mul3A_0, %arg1 : i32
    %mul3A_1 = arith.constant 10368 : i32
    %mul3A_2 = arith.muli %add3A, %mul3A_1 : i32
    "tpu.region"() ({
      %run_scoped3A_155 = tpu.sem_alloc : memref<!tpu.dma_semaphore, #tpu.memory_space<semaphore_mem>>
      %dma_start3A = tpu.memref_slice %arg2[%mul3A_2] : memref<331776xi32, #tpu.memory_space<hbm>> -> memref<10368xi32, #tpu.memory_space<hbm>>
      %dma_start3A_156 = tpu.memref_slice %arg2[%mul3A_2] : memref<331776xi32, #tpu.memory_space<hbm>> -> memref<10368xi32, #tpu.memory_space<hbm>>
      tpu.enqueue_dma source(%dma_start3A_156 : memref<10368xi32, #tpu.memory_space<hbm>>) target(%arg4 : memref<10368xi32, #tpu.memory_space<vmem>>) target_semaphore(%run_scoped3A_155 : memref<!tpu.dma_semaphore, #tpu.memory_space<semaphore_mem>>)
      %dma_wait3A = tpu.memref_slice %arg2[%mul3A_2] : memref<331776xi32, #tpu.memory_space<hbm>> -> memref<10368xi32, #tpu.memory_space<hbm>>
      %dma_wait3A_157 = tpu.memref_slice %arg2[%mul3A_2] : memref<331776xi32, #tpu.memory_space<hbm>> -> memref<10368xi32, #tpu.memory_space<hbm>>
      tpu.wait_dma2 semaphore(%run_scoped3A_155 : memref<!tpu.dma_semaphore, #tpu.memory_space<semaphore_mem>>) src(%dma_wait3A_157 : memref<10368xi32, #tpu.memory_space<hbm>>) dst(%arg4 : memref<10368xi32, #tpu.memory_space<vmem>>)
      tpu.yield
    }) : () -> ()
    %broadcast_in_dim3A = arith.constant 0.000000e+00 : f32
    %broadcast_in_dim3A_3 = vector.broadcast %broadcast_in_dim3A : f32 to vector<16xf32>
    %scan3A = arith.constant 0 : i32
    %scan3A_4 = arith.constant 0 : i32
    %scan3A_5 = arith.constant 640 : i32
    %scan3A_6 = arith.addi %scan3A_4, %scan3A_5 : i32
    %scan3A_7 = arith.constant 1 : i32
    %scan3A_8 = scf.for %scan3A_155 = %scan3A_4 to %scan3A_6 step %scan3A_7 iter_args(%scan3A_156 = %scan3A) -> (i32)  : i32 {
      %mul3A_157 = arith.constant 16 : i32
      %mul3A_158 = arith.muli %scan3A_155, %mul3A_157 : i32
      %swap3A = arith.index_cast %mul3A_158 : i32 to index
      %swap3A_159 = tpu.vector_load %arg5[%swap3A] {strides = array<i32>} : memref<10240xf32, #tpu.memory_space<vmem>>, vector<16xf32>,
      tpu.vector_store %arg5[%swap3A], %broadcast_in_dim3A_3 {strides = array<i32>} : memref<10240xf32, #tpu.memory_space<vmem>>, vector<16xf32>,
      %scan3A_160 = arith.constant 0 : i32
      scf.yield %scan3A_160 : i32
    }
    %scan3A_9 = arith.constant 640 : i32
    %broadcast_in_dim3A_10 = arith.constant 1.000000e+00 : f32
    %broadcast_in_dim3A_11 = vector.broadcast %broadcast_in_dim3A_10 : f32 to vector<16xf32>
    %scan3A_12 = arith.constant 0 : i32
    %scan3A_13 = arith.constant 0 : i32
    %scan3A_14 = arith.constant 648 : i32
    %scan3A_15 = arith.addi %scan3A_13, %scan3A_14 : i32
    %scan3A_16 = arith.constant 1 : i32
    %scan3A_17 = scf.for %scan3A_155 = %scan3A_13 to %scan3A_15 step %scan3A_16 iter_args(%scan3A_156 = %scan3A_12) -> (i32)  : i32 {
      %mul3A_157 = arith.constant 16 : i32
      %mul3A_158 = arith.muli %scan3A_155, %mul3A_157 : i32
      %get3A = arith.index_cast %mul3A_158 : i32 to index
      %get3A_159 = tpu.vector_load %arg4[%get3A] {strides = array<i32>} : memref<10368xi32, #tpu.memory_space<vmem>>, vector<16xi32>,
      tpu.vector_store_idx %arg5[%get3A_159], %broadcast_in_dim3A_11 {add = true} : memref<10240xf32, #tpu.memory_space<vmem>>[vector<16xi32>], vector<16xf32>,
      %scan3A_160 = arith.constant 0 : i32
      scf.yield %scan3A_160 : i32
    }
    %scan3A_18 = arith.constant 648 : i32
    "tpu.region"() ({
      %run_scoped3A_155 = tpu.sem_alloc : memref<!tpu.dma_semaphore, #tpu.memory_space<semaphore_mem>>
      %dma_start3A = arith.constant 0 : i32
      %dma_start3A_156 = tpu.memref_slice %arg8[%arg1, %dma_start3A] : memref<16x10240xf32, #tpu.memory_space<vmem_shared>> -> memref<1x10240xf32, #tpu.memory_space<vmem_shared>>
      %dma_start3A_157 = tpu.memref_squeeze %dma_start3A_156 : memref<1x10240xf32, #tpu.memory_space<vmem_shared>> -> memref<10240xf32, #tpu.memory_space<vmem_shared>>
      %dma_start3A_158 = arith.constant 0 : i32
      %dma_start3A_159 = tpu.memref_slice %arg8[%arg1, %dma_start3A_158] : memref<16x10240xf32, #tpu.memory_space<vmem_shared>> -> memref<1x10240xf32, #tpu.memory_space<vmem_shared>>
      %dma_start3A_160 = tpu.memref_squeeze %dma_start3A_159 : memref<1x10240xf32, #tpu.memory_space<vmem_shared>> -> memref<10240xf32, #tpu.memory_space<vmem_shared>>
      tpu.enqueue_dma source(%arg5 : memref<10240xf32, #tpu.memory_space<vmem>>) target(%dma_start3A_160 : memref<10240xf32, #tpu.memory_space<vmem_shared>>) target_semaphore(%run_scoped3A_155 : memref<!tpu.dma_semaphore, #tpu.memory_space<semaphore_mem>>)
      %dma_wait3A = arith.constant 0 : i32
      %dma_wait3A_161 = tpu.memref_slice %arg8[%arg1, %dma_wait3A] : memref<16x10240xf32, #tpu.memory_space<vmem_shared>> -> memref<1x10240xf32, #tpu.memory_space<vmem_shared>>
      %dma_wait3A_162 = tpu.memref_squeeze %dma_wait3A_161 : memref<1x10240xf32, #tpu.memory_space<vmem_shared>> -> memref<10240xf32, #tpu.memory_space<vmem_shared>>
      %dma_wait3A_163 = arith.constant 0 : i32
      %dma_wait3A_164 = tpu.memref_slice %arg8[%arg1, %dma_wait3A_163] : memref<16x10240xf32, #tpu.memory_space<vmem_shared>> -> memref<1x10240xf32, #tpu.memory_space<vmem_shared>>
      %dma_wait3A_165 = tpu.memref_squeeze %dma_wait3A_164 : memref<1x10240xf32, #tpu.memory_space<vmem_shared>> -> memref<10240xf32, #tpu.memory_space<vmem_shared>>
      tpu.wait_dma2 semaphore(%run_scoped3A_155 : memref<!tpu.dma_semaphore, #tpu.memory_space<semaphore_mem>>) src(%arg5 : memref<10240xf32, #tpu.memory_space<vmem>>) dst(%dma_wait3A_165 : memref<10240xf32, #tpu.memory_space<vmem_shared>>)
      tpu.yield
    }) : () -> ()
    %barrier3A = arith.constant 0 : index
    tpu.barrier barrier_id(%barrier3A)
    %mul3A_19 = arith.constant 640 : i32
    %mul3A_20 = arith.muli %arg1, %mul3A_19 : i32
    %scan3A_21 = arith.constant 0 : i32
    %scan3A_22 = arith.constant 0 : i32
    %scan3A_23 = arith.constant 40 : i32
    %scan3A_24 = arith.addi %scan3A_22, %scan3A_23 : i32
    %scan3A_25 = arith.constant 1 : i32
    %scan3A_26 = scf.for %scan3A_155 = %scan3A_22 to %scan3A_24 step %scan3A_25 iter_args(%scan3A_156 = %scan3A_21) -> (i32)  : i32 {
      %mul3A_157 = arith.constant 16 : i32
      %mul3A_158 = arith.muli %scan3A_155, %mul3A_157 : i32
      %swap3A = arith.index_cast %mul3A_158 : i32 to index
      %swap3A_159 = tpu.vector_load %arg7[%swap3A] {strides = array<i32>} : memref<640xf32, #tpu.memory_space<vmem>>, vector<16xf32>,
      tpu.vector_store %arg7[%swap3A], %broadcast_in_dim3A_3 {strides = array<i32>} : memref<640xf32, #tpu.memory_space<vmem>>, vector<16xf32>,
      %scan3A_160 = arith.constant 0 : i32
      scf.yield %scan3A_160 : i32
    }
    %scan3A_27 = arith.constant 40 : i32
    %run_scoped3A = arith.constant 0 : i32
    "tpu.region"() ({
      %run_scoped3A_155 = tpu.sem_alloc : memref<!tpu.dma_semaphore, #tpu.memory_space<semaphore_mem>>
      %dma_start3A = tpu.memref_slice %arg8[%run_scoped3A, %mul3A_20] : memref<16x10240xf32, #tpu.memory_space<vmem_shared>> -> memref<1x640xf32, #tpu.memory_space<vmem_shared>>
      %dma_start3A_156 = tpu.memref_squeeze %dma_start3A : memref<1x640xf32, #tpu.memory_space<vmem_shared>> -> memref<640xf32, #tpu.memory_space<vmem_shared>>
      %dma_start3A_157 = tpu.memref_slice %arg8[%run_scoped3A, %mul3A_20] : memref<16x10240xf32, #tpu.memory_space<vmem_shared>> -> memref<1x640xf32, #tpu.memory_space<vmem_shared>>
      %dma_start3A_158 = tpu.memref_squeeze %dma_start3A_157 : memref<1x640xf32, #tpu.memory_space<vmem_shared>> -> memref<640xf32, #tpu.memory_space<vmem_shared>>
      tpu.enqueue_dma source(%dma_start3A_158 : memref<640xf32, #tpu.memory_space<vmem_shared>>) target(%arg6 : memref<640xf32, #tpu.memory_space<vmem>>) target_semaphore(%run_scoped3A_155 : memref<!tpu.dma_semaphore, #tpu.memory_space<semaphore_mem>>)
      %dma_wait3A = tpu.memref_slice %arg8[%run_scoped3A, %mul3A_20] : memref<16x10240xf32, #tpu.memory_space<vmem_shared>> -> memref<1x640xf32, #tpu.memory_space<vmem_shared>>
      %dma_wait3A_159 = tpu.memref_squeeze %dma_wait3A : memref<1x640xf32, #tpu.memory_space<vmem_shared>> -> memref<640xf32, #tpu.memory_space<vmem_shared>>
      %dma_wait3A_160 = tpu.memref_slice %arg8[%run_scoped3A, %mul3A_20] : memref<16x10240xf32, #tpu.memory_space<vmem_shared>> -> memref<1x640xf32, #tpu.memory_space<vmem_shared>>
      %dma_wait3A_161 = tpu.memref_squeeze %dma_wait3A_160 : memref<1x640xf32, #tpu.memory_space<vmem_shared>> -> memref<640xf32, #tpu.memory_space<vmem_shared>>
      tpu.wait_dma2 semaphore(%run_scoped3A_155 : memref<!tpu.dma_semaphore, #tpu.memory_space<semaphore_mem>>) src(%dma_wait3A_161 : memref<640xf32, #tpu.memory_space<vmem_shared>>) dst(%arg6 : memref<640xf32, #tpu.memory_space<vmem>>)
      tpu.yield
    }) : () -> ()
    %scan3A_28 = arith.constant 0 : i32
    %scan3A_29 = arith.constant 0 : i32
    %scan3A_30 = arith.constant 40 : i32
    %scan3A_31 = arith.addi %scan3A_29, %scan3A_30 : i32
    %scan3A_32 = arith.constant 1 : i32
    %scan3A_33 = scf.for %scan3A_155 = %scan3A_29 to %scan3A_31 step %scan3A_32 iter_args(%scan3A_156 = %scan3A_28) -> (i32)  : i32 {
      %mul3A_157 = arith.constant 16 : i32
      %mul3A_158 = arith.muli %scan3A_155, %mul3A_157 : i32
      %get3A = arith.index_cast %mul3A_158 : i32 to index
      %get3A_159 = tpu.vector_load %arg7[%get3A] {strides = array<i32>} : memref<640xf32, #tpu.memory_space<vmem>>, vector<16xf32>,
      %mul3A_160 = arith.constant 16 : i32
      %mul3A_161 = arith.muli %scan3A_155, %mul3A_160 : i32
      %get3A_162 = arith.index_cast %mul3A_161 : i32 to index
      %get3A_163 = tpu.vector_load %arg6[%get3A_162] {strides = array<i32>} : memref<640xf32, #tpu.memory_space<vmem>>, vector<16xf32>,
      %add3A_164 = arith.addf %get3A_159, %get3A_163 : vector<16xf32>
      %swap3A = arith.index_cast %mul3A_158 : i32 to index
      %swap3A_165 = tpu.vector_load %arg7[%swap3A] {strides = array<i32>} : memref<640xf32, #tpu.memory_space<vmem>>, vector<16xf32>,
      tpu.vector_store %arg7[%swap3A], %add3A_164 {strides = array<i32>} : memref<640xf32, #tpu.memory_space<vmem>>, vector<16xf32>,
      %scan3A_166 = arith.constant 0 : i32
      scf.yield %scan3A_166 : i32
    }
    %scan3A_34 = arith.constant 40 : i32
    %run_scoped3A_35 = arith.constant 1 : i32
    "tpu.region"() ({
      %run_scoped3A_155 = tpu.sem_alloc : memref<!tpu.dma_semaphore, #tpu.memory_space<semaphore_mem>>
      %dma_start3A = tpu.memref_slice %arg8[%run_scoped3A_35, %mul3A_20] : memref<16x10240xf32, #tpu.memory_space<vmem_shared>> -> memref<1x640xf32, #tpu.memory_space<vmem_shared>>
      %dma_start3A_156 = tpu.memref_squeeze %dma_start3A : memref<1x640xf32, #tpu.memory_space<vmem_shared>> -> memref<640xf32, #tpu.memory_space<vmem_shared>>
      %dma_start3A_157 = tpu.memref_slice %arg8[%run_scoped3A_35, %mul3A_20] : memref<16x10240xf32, #tpu.memory_space<vmem_shared>> -> memref<1x640xf32, #tpu.memory_space<vmem_shared>>
      %dma_start3A_158 = tpu.memref_squeeze %dma_start3A_157 : memref<1x640xf32, #tpu.memory_space<vmem_shared>> -> memref<640xf32, #tpu.memory_space<vmem_shared>>
      tpu.enqueue_dma source(%dma_start3A_158 : memref<640xf32, #tpu.memory_space<vmem_shared>>) target(%arg6 : memref<640xf32, #tpu.memory_space<vmem>>) target_semaphore(%run_scoped3A_155 : memref<!tpu.dma_semaphore, #tpu.memory_space<semaphore_mem>>)
      %dma_wait3A = tpu.memref_slice %arg8[%run_scoped3A_35, %mul3A_20] : memref<16x10240xf32, #tpu.memory_space<vmem_shared>> -> memref<1x640xf32, #tpu.memory_space<vmem_shared>>
      %dma_wait3A_159 = tpu.memref_squeeze %dma_wait3A : memref<1x640xf32, #tpu.memory_space<vmem_shared>> -> memref<640xf32, #tpu.memory_space<vmem_shared>>
      %dma_wait3A_160 = tpu.memref_slice %arg8[%run_scoped3A_35, %mul3A_20] : memref<16x10240xf32, #tpu.memory_space<vmem_shared>> -> memref<1x640xf32, #tpu.memory_space<vmem_shared>>
      %dma_wait3A_161 = tpu.memref_squeeze %dma_wait3A_160 : memref<1x640xf32, #tpu.memory_space<vmem_shared>> -> memref<640xf32, #tpu.memory_space<vmem_shared>>
      tpu.wait_dma2 semaphore(%run_scoped3A_155 : memref<!tpu.dma_semaphore, #tpu.memory_space<semaphore_mem>>) src(%dma_wait3A_161 : memref<640xf32, #tpu.memory_space<vmem_shared>>) dst(%arg6 : memref<640xf32, #tpu.memory_space<vmem>>)
      tpu.yield
    }) : () -> ()
    %scan3A_36 = arith.constant 0 : i32
    %scan3A_37 = arith.constant 0 : i32
    %scan3A_38 = arith.constant 40 : i32
    %scan3A_39 = arith.addi %scan3A_37, %scan3A_38 : i32
    %scan3A_40 = arith.constant 1 : i32
    %scan3A_41 = scf.for %scan3A_155 = %scan3A_37 to %scan3A_39 step %scan3A_40 iter_args(%scan3A_156 = %scan3A_36) -> (i32)  : i32 {
      %mul3A_157 = arith.constant 16 : i32
      %mul3A_158 = arith.muli %scan3A_155, %mul3A_157 : i32
      %get3A = arith.index_cast %mul3A_158 : i32 to index
      %get3A_159 = tpu.vector_load %arg7[%get3A] {strides = array<i32>} : memref<640xf32, #tpu.memory_space<vmem>>, vector<16xf32>,
      %mul3A_160 = arith.constant 16 : i32
      %mul3A_161 = arith.muli %scan3A_155, %mul3A_160 : i32
      %get3A_162 = arith.index_cast %mul3A_161 : i32 to index
      %get3A_163 = tpu.vector_load %arg6[%get3A_162] {strides = array<i32>} : memref<640xf32, #tpu.memory_space<vmem>>, vector<16xf32>,
      %add3A_164 = arith.addf %get3A_159, %get3A_163 : vector<16xf32>
      %swap3A = arith.index_cast %mul3A_158 : i32 to index
      %swap3A_165 = tpu.vector_load %arg7[%swap3A] {strides = array<i32>} : memref<640xf32, #tpu.memory_space<vmem>>, vector<16xf32>,
      tpu.vector_store %arg7[%swap3A], %add3A_164 {strides = array<i32>} : memref<640xf32, #tpu.memory_space<vmem>>, vector<16xf32>,
      %scan3A_166 = arith.constant 0 : i32
      scf.yield %scan3A_166 : i32
    }
    %scan3A_42 = arith.constant 40 : i32
    %run_scoped3A_43 = arith.constant 2 : i32
    "tpu.region"() ({
      %run_scoped3A_155 = tpu.sem_alloc : memref<!tpu.dma_semaphore, #tpu.memory_space<semaphore_mem>>
      %dma_start3A = tpu.memref_slice %arg8[%run_scoped3A_43, %mul3A_20] : memref<16x10240xf32, #tpu.memory_space<vmem_shared>> -> memref<1x640xf32, #tpu.memory_space<vmem_shared>>
      %dma_start3A_156 = tpu.memref_squeeze %dma_start3A : memref<1x640xf32, #tpu.memory_space<vmem_shared>> -> memref<640xf32, #tpu.memory_space<vmem_shared>>
      %dma_start3A_157 = tpu.memref_slice %arg8[%run_scoped3A_43, %mul3A_20] : memref<16x10240xf32, #tpu.memory_space<vmem_shared>> -> memref<1x640xf32, #tpu.memory_space<vmem_shared>>
      %dma_start3A_158 = tpu.memref_squeeze %dma_start3A_157 : memref<1x640xf32, #tpu.memory_space<vmem_shared>> -> memref<640xf32, #tpu.memory_space<vmem_shared>>
      tpu.enqueue_dma source(%dma_start3A_158 : memref<640xf32, #tpu.memory_space<vmem_shared>>) target(%arg6 : memref<640xf32, #tpu.memory_space<vmem>>) target_semaphore(%run_scoped3A_155 : memref<!tpu.dma_semaphore, #tpu.memory_space<semaphore_mem>>)
      %dma_wait3A = tpu.memref_slice %arg8[%run_scoped3A_43, %mul3A_20] : memref<16x10240xf32, #tpu.memory_space<vmem_shared>> -> memref<1x640xf32, #tpu.memory_space<vmem_shared>>
      %dma_wait3A_159 = tpu.memref_squeeze %dma_wait3A : memref<1x640xf32, #tpu.memory_space<vmem_shared>> -> memref<640xf32, #tpu.memory_space<vmem_shared>>
      %dma_wait3A_160 = tpu.memref_slice %arg8[%run_scoped3A_43, %mul3A_20] : memref<16x10240xf32, #tpu.memory_space<vmem_shared>> -> memref<1x640xf32, #tpu.memory_space<vmem_shared>>
      %dma_wait3A_161 = tpu.memref_squeeze %dma_wait3A_160 : memref<1x640xf32, #tpu.memory_space<vmem_shared>> -> memref<640xf32, #tpu.memory_space<vmem_shared>>
      tpu.wait_dma2 semaphore(%run_scoped3A_155 : memref<!tpu.dma_semaphore, #tpu.memory_space<semaphore_mem>>) src(%dma_wait3A_161 : memref<640xf32, #tpu.memory_space<vmem_shared>>) dst(%arg6 : memref<640xf32, #tpu.memory_space<vmem>>)
      tpu.yield
    }) : () -> ()
    %scan3A_44 = arith.constant 0 : i32
    %scan3A_45 = arith.constant 0 : i32
    %scan3A_46 = arith.constant 40 : i32
    %scan3A_47 = arith.addi %scan3A_45, %scan3A_46 : i32
    %scan3A_48 = arith.constant 1 : i32
    %scan3A_49 = scf.for %scan3A_155 = %scan3A_45 to %scan3A_47 step %scan3A_48 iter_args(%scan3A_156 = %scan3A_44) -> (i32)  : i32 {
      %mul3A_157 = arith.constant 16 : i32
      %mul3A_158 = arith.muli %scan3A_155, %mul3A_157 : i32
      %get3A = arith.index_cast %mul3A_158 : i32 to index
      %get3A_159 = tpu.vector_load %arg7[%get3A] {strides = array<i32>} : memref<640xf32, #tpu.memory_space<vmem>>, vector<16xf32>,
      %mul3A_160 = arith.constant 16 : i32
      %mul3A_161 = arith.muli %scan3A_155, %mul3A_160 : i32
      %get3A_162 = arith.index_cast %mul3A_161 : i32 to index
      %get3A_163 = tpu.vector_load %arg6[%get3A_162] {strides = array<i32>} : memref<640xf32, #tpu.memory_space<vmem>>, vector<16xf32>,
      %add3A_164 = arith.addf %get3A_159, %get3A_163 : vector<16xf32>
      %swap3A = arith.index_cast %mul3A_158 : i32 to index
      %swap3A_165 = tpu.vector_load %arg7[%swap3A] {strides = array<i32>} : memref<640xf32, #tpu.memory_space<vmem>>, vector<16xf32>,
      tpu.vector_store %arg7[%swap3A], %add3A_164 {strides = array<i32>} : memref<640xf32, #tpu.memory_space<vmem>>, vector<16xf32>,
      %scan3A_166 = arith.constant 0 : i32
      scf.yield %scan3A_166 : i32
    }
    %scan3A_50 = arith.constant 40 : i32
    %run_scoped3A_51 = arith.constant 3 : i32
    "tpu.region"() ({
      %run_scoped3A_155 = tpu.sem_alloc : memref<!tpu.dma_semaphore, #tpu.memory_space<semaphore_mem>>
      %dma_start3A = tpu.memref_slice %arg8[%run_scoped3A_51, %mul3A_20] : memref<16x10240xf32, #tpu.memory_space<vmem_shared>> -> memref<1x640xf32, #tpu.memory_space<vmem_shared>>
      %dma_start3A_156 = tpu.memref_squeeze %dma_start3A : memref<1x640xf32, #tpu.memory_space<vmem_shared>> -> memref<640xf32, #tpu.memory_space<vmem_shared>>
      %dma_start3A_157 = tpu.memref_slice %arg8[%run_scoped3A_51, %mul3A_20] : memref<16x10240xf32, #tpu.memory_space<vmem_shared>> -> memref<1x640xf32, #tpu.memory_space<vmem_shared>>
      %dma_start3A_158 = tpu.memref_squeeze %dma_start3A_157 : memref<1x640xf32, #tpu.memory_space<vmem_shared>> -> memref<640xf32, #tpu.memory_space<vmem_shared>>
      tpu.enqueue_dma source(%dma_start3A_158 : memref<640xf32, #tpu.memory_space<vmem_shared>>) target(%arg6 : memref<640xf32, #tpu.memory_space<vmem>>) target_semaphore(%run_scoped3A_155 : memref<!tpu.dma_semaphore, #tpu.memory_space<semaphore_mem>>)
      %dma_wait3A = tpu.memref_slice %arg8[%run_scoped3A_51, %mul3A_20] : memref<16x10240xf32, #tpu.memory_space<vmem_shared>> -> memref<1x640xf32, #tpu.memory_space<vmem_shared>>
      %dma_wait3A_159 = tpu.memref_squeeze %dma_wait3A : memref<1x640xf32, #tpu.memory_space<vmem_shared>> -> memref<640xf32, #tpu.memory_space<vmem_shared>>
      %dma_wait3A_160 = tpu.memref_slice %arg8[%run_scoped3A_51, %mul3A_20] : memref<16x10240xf32, #tpu.memory_space<vmem_shared>> -> memref<1x640xf32, #tpu.memory_space<vmem_shared>>
      %dma_wait3A_161 = tpu.memref_squeeze %dma_wait3A_160 : memref<1x640xf32, #tpu.memory_space<vmem_shared>> -> memref<640xf32, #tpu.memory_space<vmem_shared>>
      tpu.wait_dma2 semaphore(%run_scoped3A_155 : memref<!tpu.dma_semaphore, #tpu.memory_space<semaphore_mem>>) src(%dma_wait3A_161 : memref<640xf32, #tpu.memory_space<vmem_shared>>) dst(%arg6 : memref<640xf32, #tpu.memory_space<vmem>>)
      tpu.yield
    }) : () -> ()
    %scan3A_52 = arith.constant 0 : i32
    %scan3A_53 = arith.constant 0 : i32
    %scan3A_54 = arith.constant 40 : i32
    %scan3A_55 = arith.addi %scan3A_53, %scan3A_54 : i32
    %scan3A_56 = arith.constant 1 : i32
    %scan3A_57 = scf.for %scan3A_155 = %scan3A_53 to %scan3A_55 step %scan3A_56 iter_args(%scan3A_156 = %scan3A_52) -> (i32)  : i32 {
      %mul3A_157 = arith.constant 16 : i32
      %mul3A_158 = arith.muli %scan3A_155, %mul3A_157 : i32
      %get3A = arith.index_cast %mul3A_158 : i32 to index
      %get3A_159 = tpu.vector_load %arg7[%get3A] {strides = array<i32>} : memref<640xf32, #tpu.memory_space<vmem>>, vector<16xf32>,
      %mul3A_160 = arith.constant 16 : i32
      %mul3A_161 = arith.muli %scan3A_155, %mul3A_160 : i32
      %get3A_162 = arith.index_cast %mul3A_161 : i32 to index
      %get3A_163 = tpu.vector_load %arg6[%get3A_162] {strides = array<i32>} : memref<640xf32, #tpu.memory_space<vmem>>, vector<16xf32>,
      %add3A_164 = arith.addf %get3A_159, %get3A_163 : vector<16xf32>
      %swap3A = arith.index_cast %mul3A_158 : i32 to index
      %swap3A_165 = tpu.vector_load %arg7[%swap3A] {strides = array<i32>} : memref<640xf32, #tpu.memory_space<vmem>>, vector<16xf32>,
      tpu.vector_store %arg7[%swap3A], %add3A_164 {strides = array<i32>} : memref<640xf32, #tpu.memory_space<vmem>>, vector<16xf32>,
      %scan3A_166 = arith.constant 0 : i32
      scf.yield %scan3A_166 : i32
    }
    %scan3A_58 = arith.constant 40 : i32
    %run_scoped3A_59 = arith.constant 4 : i32
    "tpu.region"() ({
      %run_scoped3A_155 = tpu.sem_alloc : memref<!tpu.dma_semaphore, #tpu.memory_space<semaphore_mem>>
      %dma_start3A = tpu.memref_slice %arg8[%run_scoped3A_59, %mul3A_20] : memref<16x10240xf32, #tpu.memory_space<vmem_shared>> -> memref<1x640xf32, #tpu.memory_space<vmem_shared>>
      %dma_start3A_156 = tpu.memref_squeeze %dma_start3A : memref<1x640xf32, #tpu.memory_space<vmem_shared>> -> memref<640xf32, #tpu.memory_space<vmem_shared>>
      %dma_start3A_157 = tpu.memref_slice %arg8[%run_scoped3A_59, %mul3A_20] : memref<16x10240xf32, #tpu.memory_space<vmem_shared>> -> memref<1x640xf32, #tpu.memory_space<vmem_shared>>
      %dma_start3A_158 = tpu.memref_squeeze %dma_start3A_157 : memref<1x640xf32, #tpu.memory_space<vmem_shared>> -> memref<640xf32, #tpu.memory_space<vmem_shared>>
      tpu.enqueue_dma source(%dma_start3A_158 : memref<640xf32, #tpu.memory_space<vmem_shared>>) target(%arg6 : memref<640xf32, #tpu.memory_space<vmem>>) target_semaphore(%run_scoped3A_155 : memref<!tpu.dma_semaphore, #tpu.memory_space<semaphore_mem>>)
      %dma_wait3A = tpu.memref_slice %arg8[%run_scoped3A_59, %mul3A_20] : memref<16x10240xf32, #tpu.memory_space<vmem_shared>> -> memref<1x640xf32, #tpu.memory_space<vmem_shared>>
      %dma_wait3A_159 = tpu.memref_squeeze %dma_wait3A : memref<1x640xf32, #tpu.memory_space<vmem_shared>> -> memref<640xf32, #tpu.memory_space<vmem_shared>>
      %dma_wait3A_160 = tpu.memref_slice %arg8[%run_scoped3A_59, %mul3A_20] : memref<16x10240xf32, #tpu.memory_space<vmem_shared>> -> memref<1x640xf32, #tpu.memory_space<vmem_shared>>
      %dma_wait3A_161 = tpu.memref_squeeze %dma_wait3A_160 : memref<1x640xf32, #tpu.memory_space<vmem_shared>> -> memref<640xf32, #tpu.memory_space<vmem_shared>>
      tpu.wait_dma2 semaphore(%run_scoped3A_155 : memref<!tpu.dma_semaphore, #tpu.memory_space<semaphore_mem>>) src(%dma_wait3A_161 : memref<640xf32, #tpu.memory_space<vmem_shared>>) dst(%arg6 : memref<640xf32, #tpu.memory_space<vmem>>)
      tpu.yield
    }) : () -> ()
    %scan3A_60 = arith.constant 0 : i32
    %scan3A_61 = arith.constant 0 : i32
    %scan3A_62 = arith.constant 40 : i32
    %scan3A_63 = arith.addi %scan3A_61, %scan3A_62 : i32
    %scan3A_64 = arith.constant 1 : i32
    %scan3A_65 = scf.for %scan3A_155 = %scan3A_61 to %scan3A_63 step %scan3A_64 iter_args(%scan3A_156 = %scan3A_60) -> (i32)  : i32 {
      %mul3A_157 = arith.constant 16 : i32
      %mul3A_158 = arith.muli %scan3A_155, %mul3A_157 : i32
      %get3A = arith.index_cast %mul3A_158 : i32 to index
      %get3A_159 = tpu.vector_load %arg7[%get3A] {strides = array<i32>} : memref<640xf32, #tpu.memory_space<vmem>>, vector<16xf32>,
      %mul3A_160 = arith.constant 16 : i32
      %mul3A_161 = arith.muli %scan3A_155, %mul3A_160 : i32
      %get3A_162 = arith.index_cast %mul3A_161 : i32 to index
      %get3A_163 = tpu.vector_load %arg6[%get3A_162] {strides = array<i32>} : memref<640xf32, #tpu.memory_space<vmem>>, vector<16xf32>,
      %add3A_164 = arith.addf %get3A_159, %get3A_163 : vector<16xf32>
      %swap3A = arith.index_cast %mul3A_158 : i32 to index
      %swap3A_165 = tpu.vector_load %arg7[%swap3A] {strides = array<i32>} : memref<640xf32, #tpu.memory_space<vmem>>, vector<16xf32>,
      tpu.vector_store %arg7[%swap3A], %add3A_164 {strides = array<i32>} : memref<640xf32, #tpu.memory_space<vmem>>, vector<16xf32>,
      %scan3A_166 = arith.constant 0 : i32
      scf.yield %scan3A_166 : i32
    }
    %scan3A_66 = arith.constant 40 : i32
    %run_scoped3A_67 = arith.constant 5 : i32
    "tpu.region"() ({
      %run_scoped3A_155 = tpu.sem_alloc : memref<!tpu.dma_semaphore, #tpu.memory_space<semaphore_mem>>
      %dma_start3A = tpu.memref_slice %arg8[%run_scoped3A_67, %mul3A_20] : memref<16x10240xf32, #tpu.memory_space<vmem_shared>> -> memref<1x640xf32, #tpu.memory_space<vmem_shared>>
      %dma_start3A_156 = tpu.memref_squeeze %dma_start3A : memref<1x640xf32, #tpu.memory_space<vmem_shared>> -> memref<640xf32, #tpu.memory_space<vmem_shared>>
      %dma_start3A_157 = tpu.memref_slice %arg8[%run_scoped3A_67, %mul3A_20] : memref<16x10240xf32, #tpu.memory_space<vmem_shared>> -> memref<1x640xf32, #tpu.memory_space<vmem_shared>>
      %dma_start3A_158 = tpu.memref_squeeze %dma_start3A_157 : memref<1x640xf32, #tpu.memory_space<vmem_shared>> -> memref<640xf32, #tpu.memory_space<vmem_shared>>
      tpu.enqueue_dma source(%dma_start3A_158 : memref<640xf32, #tpu.memory_space<vmem_shared>>) target(%arg6 : memref<640xf32, #tpu.memory_space<vmem>>) target_semaphore(%run_scoped3A_155 : memref<!tpu.dma_semaphore, #tpu.memory_space<semaphore_mem>>)
      %dma_wait3A = tpu.memref_slice %arg8[%run_scoped3A_67, %mul3A_20] : memref<16x10240xf32, #tpu.memory_space<vmem_shared>> -> memref<1x640xf32, #tpu.memory_space<vmem_shared>>
      %dma_wait3A_159 = tpu.memref_squeeze %dma_wait3A : memref<1x640xf32, #tpu.memory_space<vmem_shared>> -> memref<640xf32, #tpu.memory_space<vmem_shared>>
      %dma_wait3A_160 = tpu.memref_slice %arg8[%run_scoped3A_67, %mul3A_20] : memref<16x10240xf32, #tpu.memory_space<vmem_shared>> -> memref<1x640xf32, #tpu.memory_space<vmem_shared>>
      %dma_wait3A_161 = tpu.memref_squeeze %dma_wait3A_160 : memref<1x640xf32, #tpu.memory_space<vmem_shared>> -> memref<640xf32, #tpu.memory_space<vmem_shared>>
      tpu.wait_dma2 semaphore(%run_scoped3A_155 : memref<!tpu.dma_semaphore, #tpu.memory_space<semaphore_mem>>) src(%dma_wait3A_161 : memref<640xf32, #tpu.memory_space<vmem_shared>>) dst(%arg6 : memref<640xf32, #tpu.memory_space<vmem>>)
      tpu.yield
    }) : () -> ()
    %scan3A_68 = arith.constant 0 : i32
    %scan3A_69 = arith.constant 0 : i32
    %scan3A_70 = arith.constant 40 : i32
    %scan3A_71 = arith.addi %scan3A_69, %scan3A_70 : i32
    %scan3A_72 = arith.constant 1 : i32
    %scan3A_73 = scf.for %scan3A_155 = %scan3A_69 to %scan3A_71 step %scan3A_72 iter_args(%scan3A_156 = %scan3A_68) -> (i32)  : i32 {
      %mul3A_157 = arith.constant 16 : i32
      %mul3A_158 = arith.muli %scan3A_155, %mul3A_157 : i32
      %get3A = arith.index_cast %mul3A_158 : i32 to index
      %get3A_159 = tpu.vector_load %arg7[%get3A] {strides = array<i32>} : memref<640xf32, #tpu.memory_space<vmem>>, vector<16xf32>,
      %mul3A_160 = arith.constant 16 : i32
      %mul3A_161 = arith.muli %scan3A_155, %mul3A_160 : i32
      %get3A_162 = arith.index_cast %mul3A_161 : i32 to index
      %get3A_163 = tpu.vector_load %arg6[%get3A_162] {strides = array<i32>} : memref<640xf32, #tpu.memory_space<vmem>>, vector<16xf32>,
      %add3A_164 = arith.addf %get3A_159, %get3A_163 : vector<16xf32>
      %swap3A = arith.index_cast %mul3A_158 : i32 to index
      %swap3A_165 = tpu.vector_load %arg7[%swap3A] {strides = array<i32>} : memref<640xf32, #tpu.memory_space<vmem>>, vector<16xf32>,
      tpu.vector_store %arg7[%swap3A], %add3A_164 {strides = array<i32>} : memref<640xf32, #tpu.memory_space<vmem>>, vector<16xf32>,
      %scan3A_166 = arith.constant 0 : i32
      scf.yield %scan3A_166 : i32
    }
    %scan3A_74 = arith.constant 40 : i32
    %run_scoped3A_75 = arith.constant 6 : i32
    "tpu.region"() ({
      %run_scoped3A_155 = tpu.sem_alloc : memref<!tpu.dma_semaphore, #tpu.memory_space<semaphore_mem>>
      %dma_start3A = tpu.memref_slice %arg8[%run_scoped3A_75, %mul3A_20] : memref<16x10240xf32, #tpu.memory_space<vmem_shared>> -> memref<1x640xf32, #tpu.memory_space<vmem_shared>>
      %dma_start3A_156 = tpu.memref_squeeze %dma_start3A : memref<1x640xf32, #tpu.memory_space<vmem_shared>> -> memref<640xf32, #tpu.memory_space<vmem_shared>>
      %dma_start3A_157 = tpu.memref_slice %arg8[%run_scoped3A_75, %mul3A_20] : memref<16x10240xf32, #tpu.memory_space<vmem_shared>> -> memref<1x640xf32, #tpu.memory_space<vmem_shared>>
      %dma_start3A_158 = tpu.memref_squeeze %dma_start3A_157 : memref<1x640xf32, #tpu.memory_space<vmem_shared>> -> memref<640xf32, #tpu.memory_space<vmem_shared>>
      tpu.enqueue_dma source(%dma_start3A_158 : memref<640xf32, #tpu.memory_space<vmem_shared>>) target(%arg6 : memref<640xf32, #tpu.memory_space<vmem>>) target_semaphore(%run_scoped3A_155 : memref<!tpu.dma_semaphore, #tpu.memory_space<semaphore_mem>>)
      %dma_wait3A = tpu.memref_slice %arg8[%run_scoped3A_75, %mul3A_20] : memref<16x10240xf32, #tpu.memory_space<vmem_shared>> -> memref<1x640xf32, #tpu.memory_space<vmem_shared>>
      %dma_wait3A_159 = tpu.memref_squeeze %dma_wait3A : memref<1x640xf32, #tpu.memory_space<vmem_shared>> -> memref<640xf32, #tpu.memory_space<vmem_shared>>
      %dma_wait3A_160 = tpu.memref_slice %arg8[%run_scoped3A_75, %mul3A_20] : memref<16x10240xf32, #tpu.memory_space<vmem_shared>> -> memref<1x640xf32, #tpu.memory_space<vmem_shared>>
      %dma_wait3A_161 = tpu.memref_squeeze %dma_wait3A_160 : memref<1x640xf32, #tpu.memory_space<vmem_shared>> -> memref<640xf32, #tpu.memory_space<vmem_shared>>
      tpu.wait_dma2 semaphore(%run_scoped3A_155 : memref<!tpu.dma_semaphore, #tpu.memory_space<semaphore_mem>>) src(%dma_wait3A_161 : memref<640xf32, #tpu.memory_space<vmem_shared>>) dst(%arg6 : memref<640xf32, #tpu.memory_space<vmem>>)
      tpu.yield
    }) : () -> ()
    %scan3A_76 = arith.constant 0 : i32
    %scan3A_77 = arith.constant 0 : i32
    %scan3A_78 = arith.constant 40 : i32
    %scan3A_79 = arith.addi %scan3A_77, %scan3A_78 : i32
    %scan3A_80 = arith.constant 1 : i32
    %scan3A_81 = scf.for %scan3A_155 = %scan3A_77 to %scan3A_79 step %scan3A_80 iter_args(%scan3A_156 = %scan3A_76) -> (i32)  : i32 {
      %mul3A_157 = arith.constant 16 : i32
      %mul3A_158 = arith.muli %scan3A_155, %mul3A_157 : i32
      %get3A = arith.index_cast %mul3A_158 : i32 to index
      %get3A_159 = tpu.vector_load %arg7[%get3A] {strides = array<i32>} : memref<640xf32, #tpu.memory_space<vmem>>, vector<16xf32>,
      %mul3A_160 = arith.constant 16 : i32
      %mul3A_161 = arith.muli %scan3A_155, %mul3A_160 : i32
      %get3A_162 = arith.index_cast %mul3A_161 : i32 to index
      %get3A_163 = tpu.vector_load %arg6[%get3A_162] {strides = array<i32>} : memref<640xf32, #tpu.memory_space<vmem>>, vector<16xf32>,
      %add3A_164 = arith.addf %get3A_159, %get3A_163 : vector<16xf32>
      %swap3A = arith.index_cast %mul3A_158 : i32 to index
      %swap3A_165 = tpu.vector_load %arg7[%swap3A] {strides = array<i32>} : memref<640xf32, #tpu.memory_space<vmem>>, vector<16xf32>,
      tpu.vector_store %arg7[%swap3A], %add3A_164 {strides = array<i32>} : memref<640xf32, #tpu.memory_space<vmem>>, vector<16xf32>,
      %scan3A_166 = arith.constant 0 : i32
      scf.yield %scan3A_166 : i32
    }
    %scan3A_82 = arith.constant 40 : i32
    %run_scoped3A_83 = arith.constant 7 : i32
    "tpu.region"() ({
      %run_scoped3A_155 = tpu.sem_alloc : memref<!tpu.dma_semaphore, #tpu.memory_space<semaphore_mem>>
      %dma_start3A = tpu.memref_slice %arg8[%run_scoped3A_83, %mul3A_20] : memref<16x10240xf32, #tpu.memory_space<vmem_shared>> -> memref<1x640xf32, #tpu.memory_space<vmem_shared>>
      %dma_start3A_156 = tpu.memref_squeeze %dma_start3A : memref<1x640xf32, #tpu.memory_space<vmem_shared>> -> memref<640xf32, #tpu.memory_space<vmem_shared>>
      %dma_start3A_157 = tpu.memref_slice %arg8[%run_scoped3A_83, %mul3A_20] : memref<16x10240xf32, #tpu.memory_space<vmem_shared>> -> memref<1x640xf32, #tpu.memory_space<vmem_shared>>
      %dma_start3A_158 = tpu.memref_squeeze %dma_start3A_157 : memref<1x640xf32, #tpu.memory_space<vmem_shared>> -> memref<640xf32, #tpu.memory_space<vmem_shared>>
      tpu.enqueue_dma source(%dma_start3A_158 : memref<640xf32, #tpu.memory_space<vmem_shared>>) target(%arg6 : memref<640xf32, #tpu.memory_space<vmem>>) target_semaphore(%run_scoped3A_155 : memref<!tpu.dma_semaphore, #tpu.memory_space<semaphore_mem>>)
      %dma_wait3A = tpu.memref_slice %arg8[%run_scoped3A_83, %mul3A_20] : memref<16x10240xf32, #tpu.memory_space<vmem_shared>> -> memref<1x640xf32, #tpu.memory_space<vmem_shared>>
      %dma_wait3A_159 = tpu.memref_squeeze %dma_wait3A : memref<1x640xf32, #tpu.memory_space<vmem_shared>> -> memref<640xf32, #tpu.memory_space<vmem_shared>>
      %dma_wait3A_160 = tpu.memref_slice %arg8[%run_scoped3A_83, %mul3A_20] : memref<16x10240xf32, #tpu.memory_space<vmem_shared>> -> memref<1x640xf32, #tpu.memory_space<vmem_shared>>
      %dma_wait3A_161 = tpu.memref_squeeze %dma_wait3A_160 : memref<1x640xf32, #tpu.memory_space<vmem_shared>> -> memref<640xf32, #tpu.memory_space<vmem_shared>>
      tpu.wait_dma2 semaphore(%run_scoped3A_155 : memref<!tpu.dma_semaphore, #tpu.memory_space<semaphore_mem>>) src(%dma_wait3A_161 : memref<640xf32, #tpu.memory_space<vmem_shared>>) dst(%arg6 : memref<640xf32, #tpu.memory_space<vmem>>)
      tpu.yield
    }) : () -> ()
    %scan3A_84 = arith.constant 0 : i32
    %scan3A_85 = arith.constant 0 : i32
    %scan3A_86 = arith.constant 40 : i32
    %scan3A_87 = arith.addi %scan3A_85, %scan3A_86 : i32
    %scan3A_88 = arith.constant 1 : i32
    %scan3A_89 = scf.for %scan3A_155 = %scan3A_85 to %scan3A_87 step %scan3A_88 iter_args(%scan3A_156 = %scan3A_84) -> (i32)  : i32 {
      %mul3A_157 = arith.constant 16 : i32
      %mul3A_158 = arith.muli %scan3A_155, %mul3A_157 : i32
      %get3A = arith.index_cast %mul3A_158 : i32 to index
      %get3A_159 = tpu.vector_load %arg7[%get3A] {strides = array<i32>} : memref<640xf32, #tpu.memory_space<vmem>>, vector<16xf32>,
      %mul3A_160 = arith.constant 16 : i32
      %mul3A_161 = arith.muli %scan3A_155, %mul3A_160 : i32
      %get3A_162 = arith.index_cast %mul3A_161 : i32 to index
      %get3A_163 = tpu.vector_load %arg6[%get3A_162] {strides = array<i32>} : memref<640xf32, #tpu.memory_space<vmem>>, vector<16xf32>,
      %add3A_164 = arith.addf %get3A_159, %get3A_163 : vector<16xf32>
      %swap3A = arith.index_cast %mul3A_158 : i32 to index
      %swap3A_165 = tpu.vector_load %arg7[%swap3A] {strides = array<i32>} : memref<640xf32, #tpu.memory_space<vmem>>, vector<16xf32>,
      tpu.vector_store %arg7[%swap3A], %add3A_164 {strides = array<i32>} : memref<640xf32, #tpu.memory_space<vmem>>, vector<16xf32>,
      %scan3A_166 = arith.constant 0 : i32
      scf.yield %scan3A_166 : i32
    }
    %scan3A_90 = arith.constant 40 : i32
    %run_scoped3A_91 = arith.constant 8 : i32
    "tpu.region"() ({
      %run_scoped3A_155 = tpu.sem_alloc : memref<!tpu.dma_semaphore, #tpu.memory_space<semaphore_mem>>
      %dma_start3A = tpu.memref_slice %arg8[%run_scoped3A_91, %mul3A_20] : memref<16x10240xf32, #tpu.memory_space<vmem_shared>> -> memref<1x640xf32, #tpu.memory_space<vmem_shared>>
      %dma_start3A_156 = tpu.memref_squeeze %dma_start3A : memref<1x640xf32, #tpu.memory_space<vmem_shared>> -> memref<640xf32, #tpu.memory_space<vmem_shared>>
      %dma_start3A_157 = tpu.memref_slice %arg8[%run_scoped3A_91, %mul3A_20] : memref<16x10240xf32, #tpu.memory_space<vmem_shared>> -> memref<1x640xf32, #tpu.memory_space<vmem_shared>>
      %dma_start3A_158 = tpu.memref_squeeze %dma_start3A_157 : memref<1x640xf32, #tpu.memory_space<vmem_shared>> -> memref<640xf32, #tpu.memory_space<vmem_shared>>
      tpu.enqueue_dma source(%dma_start3A_158 : memref<640xf32, #tpu.memory_space<vmem_shared>>) target(%arg6 : memref<640xf32, #tpu.memory_space<vmem>>) target_semaphore(%run_scoped3A_155 : memref<!tpu.dma_semaphore, #tpu.memory_space<semaphore_mem>>)
      %dma_wait3A = tpu.memref_slice %arg8[%run_scoped3A_91, %mul3A_20] : memref<16x10240xf32, #tpu.memory_space<vmem_shared>> -> memref<1x640xf32, #tpu.memory_space<vmem_shared>>
      %dma_wait3A_159 = tpu.memref_squeeze %dma_wait3A : memref<1x640xf32, #tpu.memory_space<vmem_shared>> -> memref<640xf32, #tpu.memory_space<vmem_shared>>
      %dma_wait3A_160 = tpu.memref_slice %arg8[%run_scoped3A_91, %mul3A_20] : memref<16x10240xf32, #tpu.memory_space<vmem_shared>> -> memref<1x640xf32, #tpu.memory_space<vmem_shared>>
      %dma_wait3A_161 = tpu.memref_squeeze %dma_wait3A_160 : memref<1x640xf32, #tpu.memory_space<vmem_shared>> -> memref<640xf32, #tpu.memory_space<vmem_shared>>
      tpu.wait_dma2 semaphore(%run_scoped3A_155 : memref<!tpu.dma_semaphore, #tpu.memory_space<semaphore_mem>>) src(%dma_wait3A_161 : memref<640xf32, #tpu.memory_space<vmem_shared>>) dst(%arg6 : memref<640xf32, #tpu.memory_space<vmem>>)
      tpu.yield
    }) : () -> ()
    %scan3A_92 = arith.constant 0 : i32
    %scan3A_93 = arith.constant 0 : i32
    %scan3A_94 = arith.constant 40 : i32
    %scan3A_95 = arith.addi %scan3A_93, %scan3A_94 : i32
    %scan3A_96 = arith.constant 1 : i32
    %scan3A_97 = scf.for %scan3A_155 = %scan3A_93 to %scan3A_95 step %scan3A_96 iter_args(%scan3A_156 = %scan3A_92) -> (i32)  : i32 {
      %mul3A_157 = arith.constant 16 : i32
      %mul3A_158 = arith.muli %scan3A_155, %mul3A_157 : i32
      %get3A = arith.index_cast %mul3A_158 : i32 to index
      %get3A_159 = tpu.vector_load %arg7[%get3A] {strides = array<i32>} : memref<640xf32, #tpu.memory_space<vmem>>, vector<16xf32>,
      %mul3A_160 = arith.constant 16 : i32
      %mul3A_161 = arith.muli %scan3A_155, %mul3A_160 : i32
      %get3A_162 = arith.index_cast %mul3A_161 : i32 to index
      %get3A_163 = tpu.vector_load %arg6[%get3A_162] {strides = array<i32>} : memref<640xf32, #tpu.memory_space<vmem>>, vector<16xf32>,
      %add3A_164 = arith.addf %get3A_159, %get3A_163 : vector<16xf32>
      %swap3A = arith.index_cast %mul3A_158 : i32 to index
      %swap3A_165 = tpu.vector_load %arg7[%swap3A] {strides = array<i32>} : memref<640xf32, #tpu.memory_space<vmem>>, vector<16xf32>,
      tpu.vector_store %arg7[%swap3A], %add3A_164 {strides = array<i32>} : memref<640xf32, #tpu.memory_space<vmem>>, vector<16xf32>,
      %scan3A_166 = arith.constant 0 : i32
      scf.yield %scan3A_166 : i32
    }
    %scan3A_98 = arith.constant 40 : i32
    %run_scoped3A_99 = arith.constant 9 : i32
    "tpu.region"() ({
      %run_scoped3A_155 = tpu.sem_alloc : memref<!tpu.dma_semaphore, #tpu.memory_space<semaphore_mem>>
      %dma_start3A = tpu.memref_slice %arg8[%run_scoped3A_99, %mul3A_20] : memref<16x10240xf32, #tpu.memory_space<vmem_shared>> -> memref<1x640xf32, #tpu.memory_space<vmem_shared>>
      %dma_start3A_156 = tpu.memref_squeeze %dma_start3A : memref<1x640xf32, #tpu.memory_space<vmem_shared>> -> memref<640xf32, #tpu.memory_space<vmem_shared>>
      %dma_start3A_157 = tpu.memref_slice %arg8[%run_scoped3A_99, %mul3A_20] : memref<16x10240xf32, #tpu.memory_space<vmem_shared>> -> memref<1x640xf32, #tpu.memory_space<vmem_shared>>
      %dma_start3A_158 = tpu.memref_squeeze %dma_start3A_157 : memref<1x640xf32, #tpu.memory_space<vmem_shared>> -> memref<640xf32, #tpu.memory_space<vmem_shared>>
      tpu.enqueue_dma source(%dma_start3A_158 : memref<640xf32, #tpu.memory_space<vmem_shared>>) target(%arg6 : memref<640xf32, #tpu.memory_space<vmem>>) target_semaphore(%run_scoped3A_155 : memref<!tpu.dma_semaphore, #tpu.memory_space<semaphore_mem>>)
      %dma_wait3A = tpu.memref_slice %arg8[%run_scoped3A_99, %mul3A_20] : memref<16x10240xf32, #tpu.memory_space<vmem_shared>> -> memref<1x640xf32, #tpu.memory_space<vmem_shared>>
      %dma_wait3A_159 = tpu.memref_squeeze %dma_wait3A : memref<1x640xf32, #tpu.memory_space<vmem_shared>> -> memref<640xf32, #tpu.memory_space<vmem_shared>>
      %dma_wait3A_160 = tpu.memref_slice %arg8[%run_scoped3A_99, %mul3A_20] : memref<16x10240xf32, #tpu.memory_space<vmem_shared>> -> memref<1x640xf32, #tpu.memory_space<vmem_shared>>
      %dma_wait3A_161 = tpu.memref_squeeze %dma_wait3A_160 : memref<1x640xf32, #tpu.memory_space<vmem_shared>> -> memref<640xf32, #tpu.memory_space<vmem_shared>>
      tpu.wait_dma2 semaphore(%run_scoped3A_155 : memref<!tpu.dma_semaphore, #tpu.memory_space<semaphore_mem>>) src(%dma_wait3A_161 : memref<640xf32, #tpu.memory_space<vmem_shared>>) dst(%arg6 : memref<640xf32, #tpu.memory_space<vmem>>)
      tpu.yield
    }) : () -> ()
    %scan3A_100 = arith.constant 0 : i32
    %scan3A_101 = arith.constant 0 : i32
    %scan3A_102 = arith.constant 40 : i32
    %scan3A_103 = arith.addi %scan3A_101, %scan3A_102 : i32
    %scan3A_104 = arith.constant 1 : i32
    %scan3A_105 = scf.for %scan3A_155 = %scan3A_101 to %scan3A_103 step %scan3A_104 iter_args(%scan3A_156 = %scan3A_100) -> (i32)  : i32 {
      %mul3A_157 = arith.constant 16 : i32
      %mul3A_158 = arith.muli %scan3A_155, %mul3A_157 : i32
      %get3A = arith.index_cast %mul3A_158 : i32 to index
      %get3A_159 = tpu.vector_load %arg7[%get3A] {strides = array<i32>} : memref<640xf32, #tpu.memory_space<vmem>>, vector<16xf32>,
      %mul3A_160 = arith.constant 16 : i32
      %mul3A_161 = arith.muli %scan3A_155, %mul3A_160 : i32
      %get3A_162 = arith.index_cast %mul3A_161 : i32 to index
      %get3A_163 = tpu.vector_load %arg6[%get3A_162] {strides = array<i32>} : memref<640xf32, #tpu.memory_space<vmem>>, vector<16xf32>,
      %add3A_164 = arith.addf %get3A_159, %get3A_163 : vector<16xf32>
      %swap3A = arith.index_cast %mul3A_158 : i32 to index
      %swap3A_165 = tpu.vector_load %arg7[%swap3A] {strides = array<i32>} : memref<640xf32, #tpu.memory_space<vmem>>, vector<16xf32>,
      tpu.vector_store %arg7[%swap3A], %add3A_164 {strides = array<i32>} : memref<640xf32, #tpu.memory_space<vmem>>, vector<16xf32>,
      %scan3A_166 = arith.constant 0 : i32
      scf.yield %scan3A_166 : i32
    }
    %scan3A_106 = arith.constant 40 : i32
    %run_scoped3A_107 = arith.constant 10 : i32
    "tpu.region"() ({
      %run_scoped3A_155 = tpu.sem_alloc : memref<!tpu.dma_semaphore, #tpu.memory_space<semaphore_mem>>
      %dma_start3A = tpu.memref_slice %arg8[%run_scoped3A_107, %mul3A_20] : memref<16x10240xf32, #tpu.memory_space<vmem_shared>> -> memref<1x640xf32, #tpu.memory_space<vmem_shared>>
      %dma_start3A_156 = tpu.memref_squeeze %dma_start3A : memref<1x640xf32, #tpu.memory_space<vmem_shared>> -> memref<640xf32, #tpu.memory_space<vmem_shared>>
      %dma_start3A_157 = tpu.memref_slice %arg8[%run_scoped3A_107, %mul3A_20] : memref<16x10240xf32, #tpu.memory_space<vmem_shared>> -> memref<1x640xf32, #tpu.memory_space<vmem_shared>>
      %dma_start3A_158 = tpu.memref_squeeze %dma_start3A_157 : memref<1x640xf32, #tpu.memory_space<vmem_shared>> -> memref<640xf32, #tpu.memory_space<vmem_shared>>
      tpu.enqueue_dma source(%dma_start3A_158 : memref<640xf32, #tpu.memory_space<vmem_shared>>) target(%arg6 : memref<640xf32, #tpu.memory_space<vmem>>) target_semaphore(%run_scoped3A_155 : memref<!tpu.dma_semaphore, #tpu.memory_space<semaphore_mem>>)
      %dma_wait3A = tpu.memref_slice %arg8[%run_scoped3A_107, %mul3A_20] : memref<16x10240xf32, #tpu.memory_space<vmem_shared>> -> memref<1x640xf32, #tpu.memory_space<vmem_shared>>
      %dma_wait3A_159 = tpu.memref_squeeze %dma_wait3A : memref<1x640xf32, #tpu.memory_space<vmem_shared>> -> memref<640xf32, #tpu.memory_space<vmem_shared>>
      %dma_wait3A_160 = tpu.memref_slice %arg8[%run_scoped3A_107, %mul3A_20] : memref<16x10240xf32, #tpu.memory_space<vmem_shared>> -> memref<1x640xf32, #tpu.memory_space<vmem_shared>>
      %dma_wait3A_161 = tpu.memref_squeeze %dma_wait3A_160 : memref<1x640xf32, #tpu.memory_space<vmem_shared>> -> memref<640xf32, #tpu.memory_space<vmem_shared>>
      tpu.wait_dma2 semaphore(%run_scoped3A_155 : memref<!tpu.dma_semaphore, #tpu.memory_space<semaphore_mem>>) src(%dma_wait3A_161 : memref<640xf32, #tpu.memory_space<vmem_shared>>) dst(%arg6 : memref<640xf32, #tpu.memory_space<vmem>>)
      tpu.yield
    }) : () -> ()
    %scan3A_108 = arith.constant 0 : i32
    %scan3A_109 = arith.constant 0 : i32
    %scan3A_110 = arith.constant 40 : i32
    %scan3A_111 = arith.addi %scan3A_109, %scan3A_110 : i32
    %scan3A_112 = arith.constant 1 : i32
    %scan3A_113 = scf.for %scan3A_155 = %scan3A_109 to %scan3A_111 step %scan3A_112 iter_args(%scan3A_156 = %scan3A_108) -> (i32)  : i32 {
      %mul3A_157 = arith.constant 16 : i32
      %mul3A_158 = arith.muli %scan3A_155, %mul3A_157 : i32
      %get3A = arith.index_cast %mul3A_158 : i32 to index
      %get3A_159 = tpu.vector_load %arg7[%get3A] {strides = array<i32>} : memref<640xf32, #tpu.memory_space<vmem>>, vector<16xf32>,
      %mul3A_160 = arith.constant 16 : i32
      %mul3A_161 = arith.muli %scan3A_155, %mul3A_160 : i32
      %get3A_162 = arith.index_cast %mul3A_161 : i32 to index
      %get3A_163 = tpu.vector_load %arg6[%get3A_162] {strides = array<i32>} : memref<640xf32, #tpu.memory_space<vmem>>, vector<16xf32>,
      %add3A_164 = arith.addf %get3A_159, %get3A_163 : vector<16xf32>
      %swap3A = arith.index_cast %mul3A_158 : i32 to index
      %swap3A_165 = tpu.vector_load %arg7[%swap3A] {strides = array<i32>} : memref<640xf32, #tpu.memory_space<vmem>>, vector<16xf32>,
      tpu.vector_store %arg7[%swap3A], %add3A_164 {strides = array<i32>} : memref<640xf32, #tpu.memory_space<vmem>>, vector<16xf32>,
      %scan3A_166 = arith.constant 0 : i32
      scf.yield %scan3A_166 : i32
    }
    %scan3A_114 = arith.constant 40 : i32
    %run_scoped3A_115 = arith.constant 11 : i32
    "tpu.region"() ({
      %run_scoped3A_155 = tpu.sem_alloc : memref<!tpu.dma_semaphore, #tpu.memory_space<semaphore_mem>>
      %dma_start3A = tpu.memref_slice %arg8[%run_scoped3A_115, %mul3A_20] : memref<16x10240xf32, #tpu.memory_space<vmem_shared>> -> memref<1x640xf32, #tpu.memory_space<vmem_shared>>
      %dma_start3A_156 = tpu.memref_squeeze %dma_start3A : memref<1x640xf32, #tpu.memory_space<vmem_shared>> -> memref<640xf32, #tpu.memory_space<vmem_shared>>
      %dma_start3A_157 = tpu.memref_slice %arg8[%run_scoped3A_115, %mul3A_20] : memref<16x10240xf32, #tpu.memory_space<vmem_shared>> -> memref<1x640xf32, #tpu.memory_space<vmem_shared>>
      %dma_start3A_158 = tpu.memref_squeeze %dma_start3A_157 : memref<1x640xf32, #tpu.memory_space<vmem_shared>> -> memref<640xf32, #tpu.memory_space<vmem_shared>>
      tpu.enqueue_dma source(%dma_start3A_158 : memref<640xf32, #tpu.memory_space<vmem_shared>>) target(%arg6 : memref<640xf32, #tpu.memory_space<vmem>>) target_semaphore(%run_scoped3A_155 : memref<!tpu.dma_semaphore, #tpu.memory_space<semaphore_mem>>)
      %dma_wait3A = tpu.memref_slice %arg8[%run_scoped3A_115, %mul3A_20] : memref<16x10240xf32, #tpu.memory_space<vmem_shared>> -> memref<1x640xf32, #tpu.memory_space<vmem_shared>>
      %dma_wait3A_159 = tpu.memref_squeeze %dma_wait3A : memref<1x640xf32, #tpu.memory_space<vmem_shared>> -> memref<640xf32, #tpu.memory_space<vmem_shared>>
      %dma_wait3A_160 = tpu.memref_slice %arg8[%run_scoped3A_115, %mul3A_20] : memref<16x10240xf32, #tpu.memory_space<vmem_shared>> -> memref<1x640xf32, #tpu.memory_space<vmem_shared>>
      %dma_wait3A_161 = tpu.memref_squeeze %dma_wait3A_160 : memref<1x640xf32, #tpu.memory_space<vmem_shared>> -> memref<640xf32, #tpu.memory_space<vmem_shared>>
      tpu.wait_dma2 semaphore(%run_scoped3A_155 : memref<!tpu.dma_semaphore, #tpu.memory_space<semaphore_mem>>) src(%dma_wait3A_161 : memref<640xf32, #tpu.memory_space<vmem_shared>>) dst(%arg6 : memref<640xf32, #tpu.memory_space<vmem>>)
      tpu.yield
    }) : () -> ()
    %scan3A_116 = arith.constant 0 : i32
    %scan3A_117 = arith.constant 0 : i32
    %scan3A_118 = arith.constant 40 : i32
    %scan3A_119 = arith.addi %scan3A_117, %scan3A_118 : i32
    %scan3A_120 = arith.constant 1 : i32
    %scan3A_121 = scf.for %scan3A_155 = %scan3A_117 to %scan3A_119 step %scan3A_120 iter_args(%scan3A_156 = %scan3A_116) -> (i32)  : i32 {
      %mul3A_157 = arith.constant 16 : i32
      %mul3A_158 = arith.muli %scan3A_155, %mul3A_157 : i32
      %get3A = arith.index_cast %mul3A_158 : i32 to index
      %get3A_159 = tpu.vector_load %arg7[%get3A] {strides = array<i32>} : memref<640xf32, #tpu.memory_space<vmem>>, vector<16xf32>,
      %mul3A_160 = arith.constant 16 : i32
      %mul3A_161 = arith.muli %scan3A_155, %mul3A_160 : i32
      %get3A_162 = arith.index_cast %mul3A_161 : i32 to index
      %get3A_163 = tpu.vector_load %arg6[%get3A_162] {strides = array<i32>} : memref<640xf32, #tpu.memory_space<vmem>>, vector<16xf32>,
      %add3A_164 = arith.addf %get3A_159, %get3A_163 : vector<16xf32>
      %swap3A = arith.index_cast %mul3A_158 : i32 to index
      %swap3A_165 = tpu.vector_load %arg7[%swap3A] {strides = array<i32>} : memref<640xf32, #tpu.memory_space<vmem>>, vector<16xf32>,
      tpu.vector_store %arg7[%swap3A], %add3A_164 {strides = array<i32>} : memref<640xf32, #tpu.memory_space<vmem>>, vector<16xf32>,
      %scan3A_166 = arith.constant 0 : i32
      scf.yield %scan3A_166 : i32
    }
    %scan3A_122 = arith.constant 40 : i32
    %run_scoped3A_123 = arith.constant 12 : i32
    "tpu.region"() ({
      %run_scoped3A_155 = tpu.sem_alloc : memref<!tpu.dma_semaphore, #tpu.memory_space<semaphore_mem>>
      %dma_start3A = tpu.memref_slice %arg8[%run_scoped3A_123, %mul3A_20] : memref<16x10240xf32, #tpu.memory_space<vmem_shared>> -> memref<1x640xf32, #tpu.memory_space<vmem_shared>>
      %dma_start3A_156 = tpu.memref_squeeze %dma_start3A : memref<1x640xf32, #tpu.memory_space<vmem_shared>> -> memref<640xf32, #tpu.memory_space<vmem_shared>>
      %dma_start3A_157 = tpu.memref_slice %arg8[%run_scoped3A_123, %mul3A_20] : memref<16x10240xf32, #tpu.memory_space<vmem_shared>> -> memref<1x640xf32, #tpu.memory_space<vmem_shared>>
      %dma_start3A_158 = tpu.memref_squeeze %dma_start3A_157 : memref<1x640xf32, #tpu.memory_space<vmem_shared>> -> memref<640xf32, #tpu.memory_space<vmem_shared>>
      tpu.enqueue_dma source(%dma_start3A_158 : memref<640xf32, #tpu.memory_space<vmem_shared>>) target(%arg6 : memref<640xf32, #tpu.memory_space<vmem>>) target_semaphore(%run_scoped3A_155 : memref<!tpu.dma_semaphore, #tpu.memory_space<semaphore_mem>>)
      %dma_wait3A = tpu.memref_slice %arg8[%run_scoped3A_123, %mul3A_20] : memref<16x10240xf32, #tpu.memory_space<vmem_shared>> -> memref<1x640xf32, #tpu.memory_space<vmem_shared>>
      %dma_wait3A_159 = tpu.memref_squeeze %dma_wait3A : memref<1x640xf32, #tpu.memory_space<vmem_shared>> -> memref<640xf32, #tpu.memory_space<vmem_shared>>
      %dma_wait3A_160 = tpu.memref_slice %arg8[%run_scoped3A_123, %mul3A_20] : memref<16x10240xf32, #tpu.memory_space<vmem_shared>> -> memref<1x640xf32, #tpu.memory_space<vmem_shared>>
      %dma_wait3A_161 = tpu.memref_squeeze %dma_wait3A_160 : memref<1x640xf32, #tpu.memory_space<vmem_shared>> -> memref<640xf32, #tpu.memory_space<vmem_shared>>
      tpu.wait_dma2 semaphore(%run_scoped3A_155 : memref<!tpu.dma_semaphore, #tpu.memory_space<semaphore_mem>>) src(%dma_wait3A_161 : memref<640xf32, #tpu.memory_space<vmem_shared>>) dst(%arg6 : memref<640xf32, #tpu.memory_space<vmem>>)
      tpu.yield
    }) : () -> ()
    %scan3A_124 = arith.constant 0 : i32
    %scan3A_125 = arith.constant 0 : i32
    %scan3A_126 = arith.constant 40 : i32
    %scan3A_127 = arith.addi %scan3A_125, %scan3A_126 : i32
    %scan3A_128 = arith.constant 1 : i32
    %scan3A_129 = scf.for %scan3A_155 = %scan3A_125 to %scan3A_127 step %scan3A_128 iter_args(%scan3A_156 = %scan3A_124) -> (i32)  : i32 {
      %mul3A_157 = arith.constant 16 : i32
      %mul3A_158 = arith.muli %scan3A_155, %mul3A_157 : i32
      %get3A = arith.index_cast %mul3A_158 : i32 to index
      %get3A_159 = tpu.vector_load %arg7[%get3A] {strides = array<i32>} : memref<640xf32, #tpu.memory_space<vmem>>, vector<16xf32>,
      %mul3A_160 = arith.constant 16 : i32
      %mul3A_161 = arith.muli %scan3A_155, %mul3A_160 : i32
      %get3A_162 = arith.index_cast %mul3A_161 : i32 to index
      %get3A_163 = tpu.vector_load %arg6[%get3A_162] {strides = array<i32>} : memref<640xf32, #tpu.memory_space<vmem>>, vector<16xf32>,
      %add3A_164 = arith.addf %get3A_159, %get3A_163 : vector<16xf32>
      %swap3A = arith.index_cast %mul3A_158 : i32 to index
      %swap3A_165 = tpu.vector_load %arg7[%swap3A] {strides = array<i32>} : memref<640xf32, #tpu.memory_space<vmem>>, vector<16xf32>,
      tpu.vector_store %arg7[%swap3A], %add3A_164 {strides = array<i32>} : memref<640xf32, #tpu.memory_space<vmem>>, vector<16xf32>,
      %scan3A_166 = arith.constant 0 : i32
      scf.yield %scan3A_166 : i32
    }
    %scan3A_130 = arith.constant 40 : i32
    %run_scoped3A_131 = arith.constant 13 : i32
    "tpu.region"() ({
      %run_scoped3A_155 = tpu.sem_alloc : memref<!tpu.dma_semaphore, #tpu.memory_space<semaphore_mem>>
      %dma_start3A = tpu.memref_slice %arg8[%run_scoped3A_131, %mul3A_20] : memref<16x10240xf32, #tpu.memory_space<vmem_shared>> -> memref<1x640xf32, #tpu.memory_space<vmem_shared>>
      %dma_start3A_156 = tpu.memref_squeeze %dma_start3A : memref<1x640xf32, #tpu.memory_space<vmem_shared>> -> memref<640xf32, #tpu.memory_space<vmem_shared>>
      %dma_start3A_157 = tpu.memref_slice %arg8[%run_scoped3A_131, %mul3A_20] : memref<16x10240xf32, #tpu.memory_space<vmem_shared>> -> memref<1x640xf32, #tpu.memory_space<vmem_shared>>
      %dma_start3A_158 = tpu.memref_squeeze %dma_start3A_157 : memref<1x640xf32, #tpu.memory_space<vmem_shared>> -> memref<640xf32, #tpu.memory_space<vmem_shared>>
      tpu.enqueue_dma source(%dma_start3A_158 : memref<640xf32, #tpu.memory_space<vmem_shared>>) target(%arg6 : memref<640xf32, #tpu.memory_space<vmem>>) target_semaphore(%run_scoped3A_155 : memref<!tpu.dma_semaphore, #tpu.memory_space<semaphore_mem>>)
      %dma_wait3A = tpu.memref_slice %arg8[%run_scoped3A_131, %mul3A_20] : memref<16x10240xf32, #tpu.memory_space<vmem_shared>> -> memref<1x640xf32, #tpu.memory_space<vmem_shared>>
      %dma_wait3A_159 = tpu.memref_squeeze %dma_wait3A : memref<1x640xf32, #tpu.memory_space<vmem_shared>> -> memref<640xf32, #tpu.memory_space<vmem_shared>>
      %dma_wait3A_160 = tpu.memref_slice %arg8[%run_scoped3A_131, %mul3A_20] : memref<16x10240xf32, #tpu.memory_space<vmem_shared>> -> memref<1x640xf32, #tpu.memory_space<vmem_shared>>
      %dma_wait3A_161 = tpu.memref_squeeze %dma_wait3A_160 : memref<1x640xf32, #tpu.memory_space<vmem_shared>> -> memref<640xf32, #tpu.memory_space<vmem_shared>>
      tpu.wait_dma2 semaphore(%run_scoped3A_155 : memref<!tpu.dma_semaphore, #tpu.memory_space<semaphore_mem>>) src(%dma_wait3A_161 : memref<640xf32, #tpu.memory_space<vmem_shared>>) dst(%arg6 : memref<640xf32, #tpu.memory_space<vmem>>)
      tpu.yield
    }) : () -> ()
    %scan3A_132 = arith.constant 0 : i32
    %scan3A_133 = arith.constant 0 : i32
    %scan3A_134 = arith.constant 40 : i32
    %scan3A_135 = arith.addi %scan3A_133, %scan3A_134 : i32
    %scan3A_136 = arith.constant 1 : i32
    %scan3A_137 = scf.for %scan3A_155 = %scan3A_133 to %scan3A_135 step %scan3A_136 iter_args(%scan3A_156 = %scan3A_132) -> (i32)  : i32 {
      %mul3A_157 = arith.constant 16 : i32
      %mul3A_158 = arith.muli %scan3A_155, %mul3A_157 : i32
      %get3A = arith.index_cast %mul3A_158 : i32 to index
      %get3A_159 = tpu.vector_load %arg7[%get3A] {strides = array<i32>} : memref<640xf32, #tpu.memory_space<vmem>>, vector<16xf32>,
      %mul3A_160 = arith.constant 16 : i32
      %mul3A_161 = arith.muli %scan3A_155, %mul3A_160 : i32
      %get3A_162 = arith.index_cast %mul3A_161 : i32 to index
      %get3A_163 = tpu.vector_load %arg6[%get3A_162] {strides = array<i32>} : memref<640xf32, #tpu.memory_space<vmem>>, vector<16xf32>,
      %add3A_164 = arith.addf %get3A_159, %get3A_163 : vector<16xf32>
      %swap3A = arith.index_cast %mul3A_158 : i32 to index
      %swap3A_165 = tpu.vector_load %arg7[%swap3A] {strides = array<i32>} : memref<640xf32, #tpu.memory_space<vmem>>, vector<16xf32>,
      tpu.vector_store %arg7[%swap3A], %add3A_164 {strides = array<i32>} : memref<640xf32, #tpu.memory_space<vmem>>, vector<16xf32>,
      %scan3A_166 = arith.constant 0 : i32
      scf.yield %scan3A_166 : i32
    }
    %scan3A_138 = arith.constant 40 : i32
    %run_scoped3A_139 = arith.constant 14 : i32
    "tpu.region"() ({
      %run_scoped3A_155 = tpu.sem_alloc : memref<!tpu.dma_semaphore, #tpu.memory_space<semaphore_mem>>
      %dma_start3A = tpu.memref_slice %arg8[%run_scoped3A_139, %mul3A_20] : memref<16x10240xf32, #tpu.memory_space<vmem_shared>> -> memref<1x640xf32, #tpu.memory_space<vmem_shared>>
      %dma_start3A_156 = tpu.memref_squeeze %dma_start3A : memref<1x640xf32, #tpu.memory_space<vmem_shared>> -> memref<640xf32, #tpu.memory_space<vmem_shared>>
      %dma_start3A_157 = tpu.memref_slice %arg8[%run_scoped3A_139, %mul3A_20] : memref<16x10240xf32, #tpu.memory_space<vmem_shared>> -> memref<1x640xf32, #tpu.memory_space<vmem_shared>>
      %dma_start3A_158 = tpu.memref_squeeze %dma_start3A_157 : memref<1x640xf32, #tpu.memory_space<vmem_shared>> -> memref<640xf32, #tpu.memory_space<vmem_shared>>
      tpu.enqueue_dma source(%dma_start3A_158 : memref<640xf32, #tpu.memory_space<vmem_shared>>) target(%arg6 : memref<640xf32, #tpu.memory_space<vmem>>) target_semaphore(%run_scoped3A_155 : memref<!tpu.dma_semaphore, #tpu.memory_space<semaphore_mem>>)
      %dma_wait3A = tpu.memref_slice %arg8[%run_scoped3A_139, %mul3A_20] : memref<16x10240xf32, #tpu.memory_space<vmem_shared>> -> memref<1x640xf32, #tpu.memory_space<vmem_shared>>
      %dma_wait3A_159 = tpu.memref_squeeze %dma_wait3A : memref<1x640xf32, #tpu.memory_space<vmem_shared>> -> memref<640xf32, #tpu.memory_space<vmem_shared>>
      %dma_wait3A_160 = tpu.memref_slice %arg8[%run_scoped3A_139, %mul3A_20] : memref<16x10240xf32, #tpu.memory_space<vmem_shared>> -> memref<1x640xf32, #tpu.memory_space<vmem_shared>>
      %dma_wait3A_161 = tpu.memref_squeeze %dma_wait3A_160 : memref<1x640xf32, #tpu.memory_space<vmem_shared>> -> memref<640xf32, #tpu.memory_space<vmem_shared>>
      tpu.wait_dma2 semaphore(%run_scoped3A_155 : memref<!tpu.dma_semaphore, #tpu.memory_space<semaphore_mem>>) src(%dma_wait3A_161 : memref<640xf32, #tpu.memory_space<vmem_shared>>) dst(%arg6 : memref<640xf32, #tpu.memory_space<vmem>>)
      tpu.yield
    }) : () -> ()
    %scan3A_140 = arith.constant 0 : i32
    %scan3A_141 = arith.constant 0 : i32
    %scan3A_142 = arith.constant 40 : i32
    %scan3A_143 = arith.addi %scan3A_141, %scan3A_142 : i32
    %scan3A_144 = arith.constant 1 : i32
    %scan3A_145 = scf.for %scan3A_155 = %scan3A_141 to %scan3A_143 step %scan3A_144 iter_args(%scan3A_156 = %scan3A_140) -> (i32)  : i32 {
      %mul3A_157 = arith.constant 16 : i32
      %mul3A_158 = arith.muli %scan3A_155, %mul3A_157 : i32
      %get3A = arith.index_cast %mul3A_158 : i32 to index
      %get3A_159 = tpu.vector_load %arg7[%get3A] {strides = array<i32>} : memref<640xf32, #tpu.memory_space<vmem>>, vector<16xf32>,
      %mul3A_160 = arith.constant 16 : i32
      %mul3A_161 = arith.muli %scan3A_155, %mul3A_160 : i32
      %get3A_162 = arith.index_cast %mul3A_161 : i32 to index
      %get3A_163 = tpu.vector_load %arg6[%get3A_162] {strides = array<i32>} : memref<640xf32, #tpu.memory_space<vmem>>, vector<16xf32>,
      %add3A_164 = arith.addf %get3A_159, %get3A_163 : vector<16xf32>
      %swap3A = arith.index_cast %mul3A_158 : i32 to index
      %swap3A_165 = tpu.vector_load %arg7[%swap3A] {strides = array<i32>} : memref<640xf32, #tpu.memory_space<vmem>>, vector<16xf32>,
      tpu.vector_store %arg7[%swap3A], %add3A_164 {strides = array<i32>} : memref<640xf32, #tpu.memory_space<vmem>>, vector<16xf32>,
      %scan3A_166 = arith.constant 0 : i32
      scf.yield %scan3A_166 : i32
    }
    %scan3A_146 = arith.constant 40 : i32
    %run_scoped3A_147 = arith.constant 15 : i32
    "tpu.region"() ({
      %run_scoped3A_155 = tpu.sem_alloc : memref<!tpu.dma_semaphore, #tpu.memory_space<semaphore_mem>>
      %dma_start3A = tpu.memref_slice %arg8[%run_scoped3A_147, %mul3A_20] : memref<16x10240xf32, #tpu.memory_space<vmem_shared>> -> memref<1x640xf32, #tpu.memory_space<vmem_shared>>
      %dma_start3A_156 = tpu.memref_squeeze %dma_start3A : memref<1x640xf32, #tpu.memory_space<vmem_shared>> -> memref<640xf32, #tpu.memory_space<vmem_shared>>
      %dma_start3A_157 = tpu.memref_slice %arg8[%run_scoped3A_147, %mul3A_20] : memref<16x10240xf32, #tpu.memory_space<vmem_shared>> -> memref<1x640xf32, #tpu.memory_space<vmem_shared>>
      %dma_start3A_158 = tpu.memref_squeeze %dma_start3A_157 : memref<1x640xf32, #tpu.memory_space<vmem_shared>> -> memref<640xf32, #tpu.memory_space<vmem_shared>>
      tpu.enqueue_dma source(%dma_start3A_158 : memref<640xf32, #tpu.memory_space<vmem_shared>>) target(%arg6 : memref<640xf32, #tpu.memory_space<vmem>>) target_semaphore(%run_scoped3A_155 : memref<!tpu.dma_semaphore, #tpu.memory_space<semaphore_mem>>)
      %dma_wait3A = tpu.memref_slice %arg8[%run_scoped3A_147, %mul3A_20] : memref<16x10240xf32, #tpu.memory_space<vmem_shared>> -> memref<1x640xf32, #tpu.memory_space<vmem_shared>>
      %dma_wait3A_159 = tpu.memref_squeeze %dma_wait3A : memref<1x640xf32, #tpu.memory_space<vmem_shared>> -> memref<640xf32, #tpu.memory_space<vmem_shared>>
      %dma_wait3A_160 = tpu.memref_slice %arg8[%run_scoped3A_147, %mul3A_20] : memref<16x10240xf32, #tpu.memory_space<vmem_shared>> -> memref<1x640xf32, #tpu.memory_space<vmem_shared>>
      %dma_wait3A_161 = tpu.memref_squeeze %dma_wait3A_160 : memref<1x640xf32, #tpu.memory_space<vmem_shared>> -> memref<640xf32, #tpu.memory_space<vmem_shared>>
      tpu.wait_dma2 semaphore(%run_scoped3A_155 : memref<!tpu.dma_semaphore, #tpu.memory_space<semaphore_mem>>) src(%dma_wait3A_161 : memref<640xf32, #tpu.memory_space<vmem_shared>>) dst(%arg6 : memref<640xf32, #tpu.memory_space<vmem>>)
      tpu.yield
    }) : () -> ()
    %scan3A_148 = arith.constant 0 : i32
    %scan3A_149 = arith.constant 0 : i32
    %scan3A_150 = arith.constant 40 : i32
    %scan3A_151 = arith.addi %scan3A_149, %scan3A_150 : i32
    %scan3A_152 = arith.constant 1 : i32
    %scan3A_153 = scf.for %scan3A_155 = %scan3A_149 to %scan3A_151 step %scan3A_152 iter_args(%scan3A_156 = %scan3A_148) -> (i32)  : i32 {
      %mul3A_157 = arith.constant 16 : i32
      %mul3A_158 = arith.muli %scan3A_155, %mul3A_157 : i32
      %get3A = arith.index_cast %mul3A_158 : i32 to index
      %get3A_159 = tpu.vector_load %arg7[%get3A] {strides = array<i32>} : memref<640xf32, #tpu.memory_space<vmem>>, vector<16xf32>,
      %mul3A_160 = arith.constant 16 : i32
      %mul3A_161 = arith.muli %scan3A_155, %mul3A_160 : i32
      %get3A_162 = arith.index_cast %mul3A_161 : i32 to index
      %get3A_163 = tpu.vector_load %arg6[%get3A_162] {strides = array<i32>} : memref<640xf32, #tpu.memory_space<vmem>>, vector<16xf32>,
      %add3A_164 = arith.addf %get3A_159, %get3A_163 : vector<16xf32>
      %swap3A = arith.index_cast %mul3A_158 : i32 to index
      %swap3A_165 = tpu.vector_load %arg7[%swap3A] {strides = array<i32>} : memref<640xf32, #tpu.memory_space<vmem>>, vector<16xf32>,
      tpu.vector_store %arg7[%swap3A], %add3A_164 {strides = array<i32>} : memref<640xf32, #tpu.memory_space<vmem>>, vector<16xf32>,
      %scan3A_166 = arith.constant 0 : i32
      scf.yield %scan3A_166 : i32
    }
    %scan3A_154 = arith.constant 40 : i32
    "tpu.region"() ({
      %run_scoped3A_155 = tpu.sem_alloc : memref<!tpu.dma_semaphore, #tpu.memory_space<semaphore_mem>>
      %dma_start3A = tpu.memref_slice %arg3[%arg0, %mul3A_20] : memref<2x10240xf32, #tpu.memory_space<hbm>> -> memref<1x640xf32, #tpu.memory_space<hbm>>
      %dma_start3A_156 = tpu.memref_squeeze %dma_start3A : memref<1x640xf32, #tpu.memory_space<hbm>> -> memref<640xf32, #tpu.memory_space<hbm>>
      %dma_start3A_157 = tpu.memref_slice %arg3[%arg0, %mul3A_20] : memref<2x10240xf32, #tpu.memory_space<hbm>> -> memref<1x640xf32, #tpu.memory_space<hbm>>
      %dma_start3A_158 = tpu.memref_squeeze %dma_start3A_157 : memref<1x640xf32, #tpu.memory_space<hbm>> -> memref<640xf32, #tpu.memory_space<hbm>>
      tpu.enqueue_dma source(%arg7 : memref<640xf32, #tpu.memory_space<vmem>>) target(%dma_start3A_158 : memref<640xf32, #tpu.memory_space<hbm>>) target_semaphore(%run_scoped3A_155 : memref<!tpu.dma_semaphore, #tpu.memory_space<semaphore_mem>>)
      %dma_wait3A = tpu.memref_slice %arg3[%arg0, %mul3A_20] : memref<2x10240xf32, #tpu.memory_space<hbm>> -> memref<1x640xf32, #tpu.memory_space<hbm>>
      %dma_wait3A_159 = tpu.memref_squeeze %dma_wait3A : memref<1x640xf32, #tpu.memory_space<hbm>> -> memref<640xf32, #tpu.memory_space<hbm>>
      %dma_wait3A_160 = tpu.memref_slice %arg3[%arg0, %mul3A_20] : memref<2x10240xf32, #tpu.memory_space<hbm>> -> memref<1x640xf32, #tpu.memory_space<hbm>>
      %dma_wait3A_161 = tpu.memref_squeeze %dma_wait3A_160 : memref<1x640xf32, #tpu.memory_space<hbm>> -> memref<640xf32, #tpu.memory_space<hbm>>
      tpu.wait_dma2 semaphore(%run_scoped3A_155 : memref<!tpu.dma_semaphore, #tpu.memory_space<semaphore_mem>>) src(%arg7 : memref<640xf32, #tpu.memory_space<vmem>>) dst(%dma_wait3A_161 : memref<640xf32, #tpu.memory_space<hbm>>)
      tpu.yield
    }) : () -> ()
    return
  }
}

#map = affine_map<(d0, d1) -> (0, 0, 0)>
module attributes {stable_mosaic.version = 14 : i64} {
  func.func @_agg_body(%arg0: i32, %arg1: i32, %arg2: memref<2x10240x64xf32, #tpu.memory_space<hbm>>, %arg3: memref<16x162x128xi32, #tpu.memory_space<hbm>>, %arg4: memref<16x162x128xi32, #tpu.memory_space<hbm>>, %arg5: memref<2x10240x64xf32, #tpu.memory_space<hbm>>, %arg6: memref<162x128xi32, #tpu.memory_space<vmem>>, %arg7: memref<162x128xi32, #tpu.memory_space<vmem>>, %arg8: memref<128x64xf32, #tpu.memory_space<vmem>>, %arg9: memref<128x64xf32, #tpu.memory_space<vmem>>, %arg10: memref<!tpu.dma_semaphore, #tpu.memory_space<semaphore_mem>>, %arg11: memref<!tpu.dma_semaphore, #tpu.memory_space<semaphore_mem>>, %arg12: memref<10240x64xf32, #tpu.memory_space<vmem_shared>>) attributes {dimension_semantics = [#tpu.dimension_semantics<core_parallel>, #tpu.dimension_semantics<subcore_parallel>], iteration_bounds = array<i64: 2, 16>, scalar_prefetch = 0 : i64, scratch_operands = 7 : i64, tpu.core_type = #tpu.core_type<sc_vector_subcore>, window_params = [{transform_indices = #map}, {transform_indices = #map}, {transform_indices = #map}, {transform_indices = #map}]} {
    %broadcast_in_dim3A = arith.constant 0.000000e+00 : f32
    %broadcast_in_dim3A_0 = vector.broadcast %broadcast_in_dim3A : f32 to vector<16xf32>
    %scan3A = arith.constant 0 : i32
    %scan3A_1 = arith.constant 0 : i32
    %scan3A_2 = arith.constant 128 : i32
    %scan3A_3 = arith.addi %scan3A_1, %scan3A_2 : i32
    %scan3A_4 = arith.constant 1 : i32
    %scan3A_5 = scf.for %scan3A_73 = %scan3A_1 to %scan3A_3 step %scan3A_4 iter_args(%scan3A_74 = %scan3A) -> (i32)  : i32 {
      %swap3A = arith.index_cast %scan3A_73 : i32 to index
      %swap3A_75 = arith.constant 0 : index
      %swap3A_76 = tpu.vector_load %arg8[%swap3A, %swap3A_75] {strides = array<i32>} : memref<128x64xf32, #tpu.memory_space<vmem>>, vector<16xf32>,
      tpu.vector_store %arg8[%swap3A, %swap3A_75], %broadcast_in_dim3A_0 {strides = array<i32>} : memref<128x64xf32, #tpu.memory_space<vmem>>, vector<16xf32>,
      %swap3A_77 = arith.index_cast %scan3A_73 : i32 to index
      %swap3A_78 = arith.constant 16 : index
      %swap3A_79 = tpu.vector_load %arg8[%swap3A_77, %swap3A_78] {strides = array<i32>} : memref<128x64xf32, #tpu.memory_space<vmem>>, vector<16xf32>,
      tpu.vector_store %arg8[%swap3A_77, %swap3A_78], %broadcast_in_dim3A_0 {strides = array<i32>} : memref<128x64xf32, #tpu.memory_space<vmem>>, vector<16xf32>,
      %swap3A_80 = arith.index_cast %scan3A_73 : i32 to index
      %swap3A_81 = arith.constant 32 : index
      %swap3A_82 = tpu.vector_load %arg8[%swap3A_80, %swap3A_81] {strides = array<i32>} : memref<128x64xf32, #tpu.memory_space<vmem>>, vector<16xf32>,
      tpu.vector_store %arg8[%swap3A_80, %swap3A_81], %broadcast_in_dim3A_0 {strides = array<i32>} : memref<128x64xf32, #tpu.memory_space<vmem>>, vector<16xf32>,
      %swap3A_83 = arith.index_cast %scan3A_73 : i32 to index
      %swap3A_84 = arith.constant 48 : index
      %swap3A_85 = tpu.vector_load %arg8[%swap3A_83, %swap3A_84] {strides = array<i32>} : memref<128x64xf32, #tpu.memory_space<vmem>>, vector<16xf32>,
      tpu.vector_store %arg8[%swap3A_83, %swap3A_84], %broadcast_in_dim3A_0 {strides = array<i32>} : memref<128x64xf32, #tpu.memory_space<vmem>>, vector<16xf32>,
      %scan3A_86 = arith.constant 0 : i32
      scf.yield %scan3A_86 : i32
    }
    %scan3A_6 = arith.constant 128 : i32
    %mul3A = arith.constant 640 : i32
    %mul3A_7 = arith.muli %arg1, %mul3A : i32
    %add3A = arith.constant 0 : i32
    %add3A_8 = arith.addi %mul3A_7, %add3A : i32
    "tpu.region"() ({
      %run_scoped3A = tpu.sem_alloc : memref<!tpu.dma_semaphore, #tpu.memory_space<semaphore_mem>>
      %dma_start3A = arith.constant 0 : i32
      %dma_start3A_73 = arith.constant 0 : i32
      %dma_start3A_74 = tpu.memref_slice %arg8[%dma_start3A, %dma_start3A_73] : memref<128x64xf32, #tpu.memory_space<vmem>> -> memref<128x64xf32, #tpu.memory_space<vmem>>
      %dma_start3A_75 = arith.constant 0 : i32
      %dma_start3A_76 = tpu.memref_slice %arg12[%add3A_8, %dma_start3A_75] : memref<10240x64xf32, #tpu.memory_space<vmem_shared>> -> memref<128x64xf32, #tpu.memory_space<vmem_shared>>
      %dma_start3A_77 = arith.constant 0 : i32
      %dma_start3A_78 = tpu.memref_slice %arg12[%add3A_8, %dma_start3A_77] : memref<10240x64xf32, #tpu.memory_space<vmem_shared>> -> memref<128x64xf32, #tpu.memory_space<vmem_shared>>
      %dma_start3A_79 = arith.constant 0 : i32
      %dma_start3A_80 = arith.constant 0 : i32
      %dma_start3A_81 = tpu.memref_slice %arg8[%dma_start3A_79, %dma_start3A_80] : memref<128x64xf32, #tpu.memory_space<vmem>> -> memref<128x64xf32, #tpu.memory_space<vmem>>
      tpu.enqueue_dma source(%dma_start3A_81 : memref<128x64xf32, #tpu.memory_space<vmem>>) target(%dma_start3A_78 : memref<128x64xf32, #tpu.memory_space<vmem_shared>>) target_semaphore(%run_scoped3A : memref<!tpu.dma_semaphore, #tpu.memory_space<semaphore_mem>>)
      %dma_wait3A = arith.constant 0 : i32
      %dma_wait3A_82 = arith.constant 0 : i32
      %dma_wait3A_83 = tpu.memref_slice %arg8[%dma_wait3A, %dma_wait3A_82] : memref<128x64xf32, #tpu.memory_space<vmem>> -> memref<128x64xf32, #tpu.memory_space<vmem>>
      %dma_wait3A_84 = arith.constant 0 : i32
      %dma_wait3A_85 = tpu.memref_slice %arg12[%add3A_8, %dma_wait3A_84] : memref<10240x64xf32, #tpu.memory_space<vmem_shared>> -> memref<128x64xf32, #tpu.memory_space<vmem_shared>>
      %dma_wait3A_86 = arith.constant 0 : i32
      %dma_wait3A_87 = tpu.memref_slice %arg12[%add3A_8, %dma_wait3A_86] : memref<10240x64xf32, #tpu.memory_space<vmem_shared>> -> memref<128x64xf32, #tpu.memory_space<vmem_shared>>
      %dma_wait3A_88 = arith.constant 0 : i32
      %dma_wait3A_89 = arith.constant 0 : i32
      %dma_wait3A_90 = tpu.memref_slice %arg8[%dma_wait3A_88, %dma_wait3A_89] : memref<128x64xf32, #tpu.memory_space<vmem>> -> memref<128x64xf32, #tpu.memory_space<vmem>>
      tpu.wait_dma2 semaphore(%run_scoped3A : memref<!tpu.dma_semaphore, #tpu.memory_space<semaphore_mem>>) src(%dma_wait3A_90 : memref<128x64xf32, #tpu.memory_space<vmem>>) dst(%dma_wait3A_87 : memref<128x64xf32, #tpu.memory_space<vmem_shared>>)
      tpu.yield
    }) : () -> ()
    %mul3A_9 = arith.constant 640 : i32
    %mul3A_10 = arith.muli %arg1, %mul3A_9 : i32
    %add3A_11 = arith.constant 128 : i32
    %add3A_12 = arith.addi %mul3A_10, %add3A_11 : i32
    "tpu.region"() ({
      %run_scoped3A = tpu.sem_alloc : memref<!tpu.dma_semaphore, #tpu.memory_space<semaphore_mem>>
      %dma_start3A = arith.constant 0 : i32
      %dma_start3A_73 = arith.constant 0 : i32
      %dma_start3A_74 = tpu.memref_slice %arg8[%dma_start3A, %dma_start3A_73] : memref<128x64xf32, #tpu.memory_space<vmem>> -> memref<128x64xf32, #tpu.memory_space<vmem>>
      %dma_start3A_75 = arith.constant 0 : i32
      %dma_start3A_76 = tpu.memref_slice %arg12[%add3A_12, %dma_start3A_75] : memref<10240x64xf32, #tpu.memory_space<vmem_shared>> -> memref<128x64xf32, #tpu.memory_space<vmem_shared>>
      %dma_start3A_77 = arith.constant 0 : i32
      %dma_start3A_78 = tpu.memref_slice %arg12[%add3A_12, %dma_start3A_77] : memref<10240x64xf32, #tpu.memory_space<vmem_shared>> -> memref<128x64xf32, #tpu.memory_space<vmem_shared>>
      %dma_start3A_79 = arith.constant 0 : i32
      %dma_start3A_80 = arith.constant 0 : i32
      %dma_start3A_81 = tpu.memref_slice %arg8[%dma_start3A_79, %dma_start3A_80] : memref<128x64xf32, #tpu.memory_space<vmem>> -> memref<128x64xf32, #tpu.memory_space<vmem>>
      tpu.enqueue_dma source(%dma_start3A_81 : memref<128x64xf32, #tpu.memory_space<vmem>>) target(%dma_start3A_78 : memref<128x64xf32, #tpu.memory_space<vmem_shared>>) target_semaphore(%run_scoped3A : memref<!tpu.dma_semaphore, #tpu.memory_space<semaphore_mem>>)
      %dma_wait3A = arith.constant 0 : i32
      %dma_wait3A_82 = arith.constant 0 : i32
      %dma_wait3A_83 = tpu.memref_slice %arg8[%dma_wait3A, %dma_wait3A_82] : memref<128x64xf32, #tpu.memory_space<vmem>> -> memref<128x64xf32, #tpu.memory_space<vmem>>
      %dma_wait3A_84 = arith.constant 0 : i32
      %dma_wait3A_85 = tpu.memref_slice %arg12[%add3A_12, %dma_wait3A_84] : memref<10240x64xf32, #tpu.memory_space<vmem_shared>> -> memref<128x64xf32, #tpu.memory_space<vmem_shared>>
      %dma_wait3A_86 = arith.constant 0 : i32
      %dma_wait3A_87 = tpu.memref_slice %arg12[%add3A_12, %dma_wait3A_86] : memref<10240x64xf32, #tpu.memory_space<vmem_shared>> -> memref<128x64xf32, #tpu.memory_space<vmem_shared>>
      %dma_wait3A_88 = arith.constant 0 : i32
      %dma_wait3A_89 = arith.constant 0 : i32
      %dma_wait3A_90 = tpu.memref_slice %arg8[%dma_wait3A_88, %dma_wait3A_89] : memref<128x64xf32, #tpu.memory_space<vmem>> -> memref<128x64xf32, #tpu.memory_space<vmem>>
      tpu.wait_dma2 semaphore(%run_scoped3A : memref<!tpu.dma_semaphore, #tpu.memory_space<semaphore_mem>>) src(%dma_wait3A_90 : memref<128x64xf32, #tpu.memory_space<vmem>>) dst(%dma_wait3A_87 : memref<128x64xf32, #tpu.memory_space<vmem_shared>>)
      tpu.yield
    }) : () -> ()
    %mul3A_13 = arith.constant 640 : i32
    %mul3A_14 = arith.muli %arg1, %mul3A_13 : i32
    %add3A_15 = arith.constant 256 : i32
    %add3A_16 = arith.addi %mul3A_14, %add3A_15 : i32
    "tpu.region"() ({
      %run_scoped3A = tpu.sem_alloc : memref<!tpu.dma_semaphore, #tpu.memory_space<semaphore_mem>>
      %dma_start3A = arith.constant 0 : i32
      %dma_start3A_73 = arith.constant 0 : i32
      %dma_start3A_74 = tpu.memref_slice %arg8[%dma_start3A, %dma_start3A_73] : memref<128x64xf32, #tpu.memory_space<vmem>> -> memref<128x64xf32, #tpu.memory_space<vmem>>
      %dma_start3A_75 = arith.constant 0 : i32
      %dma_start3A_76 = tpu.memref_slice %arg12[%add3A_16, %dma_start3A_75] : memref<10240x64xf32, #tpu.memory_space<vmem_shared>> -> memref<128x64xf32, #tpu.memory_space<vmem_shared>>
      %dma_start3A_77 = arith.constant 0 : i32
      %dma_start3A_78 = tpu.memref_slice %arg12[%add3A_16, %dma_start3A_77] : memref<10240x64xf32, #tpu.memory_space<vmem_shared>> -> memref<128x64xf32, #tpu.memory_space<vmem_shared>>
      %dma_start3A_79 = arith.constant 0 : i32
      %dma_start3A_80 = arith.constant 0 : i32
      %dma_start3A_81 = tpu.memref_slice %arg8[%dma_start3A_79, %dma_start3A_80] : memref<128x64xf32, #tpu.memory_space<vmem>> -> memref<128x64xf32, #tpu.memory_space<vmem>>
      tpu.enqueue_dma source(%dma_start3A_81 : memref<128x64xf32, #tpu.memory_space<vmem>>) target(%dma_start3A_78 : memref<128x64xf32, #tpu.memory_space<vmem_shared>>) target_semaphore(%run_scoped3A : memref<!tpu.dma_semaphore, #tpu.memory_space<semaphore_mem>>)
      %dma_wait3A = arith.constant 0 : i32
      %dma_wait3A_82 = arith.constant 0 : i32
      %dma_wait3A_83 = tpu.memref_slice %arg8[%dma_wait3A, %dma_wait3A_82] : memref<128x64xf32, #tpu.memory_space<vmem>> -> memref<128x64xf32, #tpu.memory_space<vmem>>
      %dma_wait3A_84 = arith.constant 0 : i32
      %dma_wait3A_85 = tpu.memref_slice %arg12[%add3A_16, %dma_wait3A_84] : memref<10240x64xf32, #tpu.memory_space<vmem_shared>> -> memref<128x64xf32, #tpu.memory_space<vmem_shared>>
      %dma_wait3A_86 = arith.constant 0 : i32
      %dma_wait3A_87 = tpu.memref_slice %arg12[%add3A_16, %dma_wait3A_86] : memref<10240x64xf32, #tpu.memory_space<vmem_shared>> -> memref<128x64xf32, #tpu.memory_space<vmem_shared>>
      %dma_wait3A_88 = arith.constant 0 : i32
      %dma_wait3A_89 = arith.constant 0 : i32
      %dma_wait3A_90 = tpu.memref_slice %arg8[%dma_wait3A_88, %dma_wait3A_89] : memref<128x64xf32, #tpu.memory_space<vmem>> -> memref<128x64xf32, #tpu.memory_space<vmem>>
      tpu.wait_dma2 semaphore(%run_scoped3A : memref<!tpu.dma_semaphore, #tpu.memory_space<semaphore_mem>>) src(%dma_wait3A_90 : memref<128x64xf32, #tpu.memory_space<vmem>>) dst(%dma_wait3A_87 : memref<128x64xf32, #tpu.memory_space<vmem_shared>>)
      tpu.yield
    }) : () -> ()
    %mul3A_17 = arith.constant 640 : i32
    %mul3A_18 = arith.muli %arg1, %mul3A_17 : i32
    %add3A_19 = arith.constant 384 : i32
    %add3A_20 = arith.addi %mul3A_18, %add3A_19 : i32
    "tpu.region"() ({
      %run_scoped3A = tpu.sem_alloc : memref<!tpu.dma_semaphore, #tpu.memory_space<semaphore_mem>>
      %dma_start3A = arith.constant 0 : i32
      %dma_start3A_73 = arith.constant 0 : i32
      %dma_start3A_74 = tpu.memref_slice %arg8[%dma_start3A, %dma_start3A_73] : memref<128x64xf32, #tpu.memory_space<vmem>> -> memref<128x64xf32, #tpu.memory_space<vmem>>
      %dma_start3A_75 = arith.constant 0 : i32
      %dma_start3A_76 = tpu.memref_slice %arg12[%add3A_20, %dma_start3A_75] : memref<10240x64xf32, #tpu.memory_space<vmem_shared>> -> memref<128x64xf32, #tpu.memory_space<vmem_shared>>
      %dma_start3A_77 = arith.constant 0 : i32
      %dma_start3A_78 = tpu.memref_slice %arg12[%add3A_20, %dma_start3A_77] : memref<10240x64xf32, #tpu.memory_space<vmem_shared>> -> memref<128x64xf32, #tpu.memory_space<vmem_shared>>
      %dma_start3A_79 = arith.constant 0 : i32
      %dma_start3A_80 = arith.constant 0 : i32
      %dma_start3A_81 = tpu.memref_slice %arg8[%dma_start3A_79, %dma_start3A_80] : memref<128x64xf32, #tpu.memory_space<vmem>> -> memref<128x64xf32, #tpu.memory_space<vmem>>
      tpu.enqueue_dma source(%dma_start3A_81 : memref<128x64xf32, #tpu.memory_space<vmem>>) target(%dma_start3A_78 : memref<128x64xf32, #tpu.memory_space<vmem_shared>>) target_semaphore(%run_scoped3A : memref<!tpu.dma_semaphore, #tpu.memory_space<semaphore_mem>>)
      %dma_wait3A = arith.constant 0 : i32
      %dma_wait3A_82 = arith.constant 0 : i32
      %dma_wait3A_83 = tpu.memref_slice %arg8[%dma_wait3A, %dma_wait3A_82] : memref<128x64xf32, #tpu.memory_space<vmem>> -> memref<128x64xf32, #tpu.memory_space<vmem>>
      %dma_wait3A_84 = arith.constant 0 : i32
      %dma_wait3A_85 = tpu.memref_slice %arg12[%add3A_20, %dma_wait3A_84] : memref<10240x64xf32, #tpu.memory_space<vmem_shared>> -> memref<128x64xf32, #tpu.memory_space<vmem_shared>>
      %dma_wait3A_86 = arith.constant 0 : i32
      %dma_wait3A_87 = tpu.memref_slice %arg12[%add3A_20, %dma_wait3A_86] : memref<10240x64xf32, #tpu.memory_space<vmem_shared>> -> memref<128x64xf32, #tpu.memory_space<vmem_shared>>
      %dma_wait3A_88 = arith.constant 0 : i32
      %dma_wait3A_89 = arith.constant 0 : i32
      %dma_wait3A_90 = tpu.memref_slice %arg8[%dma_wait3A_88, %dma_wait3A_89] : memref<128x64xf32, #tpu.memory_space<vmem>> -> memref<128x64xf32, #tpu.memory_space<vmem>>
      tpu.wait_dma2 semaphore(%run_scoped3A : memref<!tpu.dma_semaphore, #tpu.memory_space<semaphore_mem>>) src(%dma_wait3A_90 : memref<128x64xf32, #tpu.memory_space<vmem>>) dst(%dma_wait3A_87 : memref<128x64xf32, #tpu.memory_space<vmem_shared>>)
      tpu.yield
    }) : () -> ()
    %mul3A_21 = arith.constant 640 : i32
    %mul3A_22 = arith.muli %arg1, %mul3A_21 : i32
    %add3A_23 = arith.constant 512 : i32
    %add3A_24 = arith.addi %mul3A_22, %add3A_23 : i32
    "tpu.region"() ({
      %run_scoped3A = tpu.sem_alloc : memref<!tpu.dma_semaphore, #tpu.memory_space<semaphore_mem>>
      %dma_start3A = arith.constant 0 : i32
      %dma_start3A_73 = arith.constant 0 : i32
      %dma_start3A_74 = tpu.memref_slice %arg8[%dma_start3A, %dma_start3A_73] : memref<128x64xf32, #tpu.memory_space<vmem>> -> memref<128x64xf32, #tpu.memory_space<vmem>>
      %dma_start3A_75 = arith.constant 0 : i32
      %dma_start3A_76 = tpu.memref_slice %arg12[%add3A_24, %dma_start3A_75] : memref<10240x64xf32, #tpu.memory_space<vmem_shared>> -> memref<128x64xf32, #tpu.memory_space<vmem_shared>>
      %dma_start3A_77 = arith.constant 0 : i32
      %dma_start3A_78 = tpu.memref_slice %arg12[%add3A_24, %dma_start3A_77] : memref<10240x64xf32, #tpu.memory_space<vmem_shared>> -> memref<128x64xf32, #tpu.memory_space<vmem_shared>>
      %dma_start3A_79 = arith.constant 0 : i32
      %dma_start3A_80 = arith.constant 0 : i32
      %dma_start3A_81 = tpu.memref_slice %arg8[%dma_start3A_79, %dma_start3A_80] : memref<128x64xf32, #tpu.memory_space<vmem>> -> memref<128x64xf32, #tpu.memory_space<vmem>>
      tpu.enqueue_dma source(%dma_start3A_81 : memref<128x64xf32, #tpu.memory_space<vmem>>) target(%dma_start3A_78 : memref<128x64xf32, #tpu.memory_space<vmem_shared>>) target_semaphore(%run_scoped3A : memref<!tpu.dma_semaphore, #tpu.memory_space<semaphore_mem>>)
      %dma_wait3A = arith.constant 0 : i32
      %dma_wait3A_82 = arith.constant 0 : i32
      %dma_wait3A_83 = tpu.memref_slice %arg8[%dma_wait3A, %dma_wait3A_82] : memref<128x64xf32, #tpu.memory_space<vmem>> -> memref<128x64xf32, #tpu.memory_space<vmem>>
      %dma_wait3A_84 = arith.constant 0 : i32
      %dma_wait3A_85 = tpu.memref_slice %arg12[%add3A_24, %dma_wait3A_84] : memref<10240x64xf32, #tpu.memory_space<vmem_shared>> -> memref<128x64xf32, #tpu.memory_space<vmem_shared>>
      %dma_wait3A_86 = arith.constant 0 : i32
      %dma_wait3A_87 = tpu.memref_slice %arg12[%add3A_24, %dma_wait3A_86] : memref<10240x64xf32, #tpu.memory_space<vmem_shared>> -> memref<128x64xf32, #tpu.memory_space<vmem_shared>>
      %dma_wait3A_88 = arith.constant 0 : i32
      %dma_wait3A_89 = arith.constant 0 : i32
      %dma_wait3A_90 = tpu.memref_slice %arg8[%dma_wait3A_88, %dma_wait3A_89] : memref<128x64xf32, #tpu.memory_space<vmem>> -> memref<128x64xf32, #tpu.memory_space<vmem>>
      tpu.wait_dma2 semaphore(%run_scoped3A : memref<!tpu.dma_semaphore, #tpu.memory_space<semaphore_mem>>) src(%dma_wait3A_90 : memref<128x64xf32, #tpu.memory_space<vmem>>) dst(%dma_wait3A_87 : memref<128x64xf32, #tpu.memory_space<vmem_shared>>)
      tpu.yield
    }) : () -> ()
    "tpu.region"() ({
      %run_scoped3A = tpu.sem_alloc : memref<!tpu.dma_semaphore, #tpu.memory_space<semaphore_mem>>
      %dma_start3A = arith.constant 0 : i32
      %dma_start3A_73 = arith.constant 0 : i32
      %dma_start3A_74 = tpu.memref_slice %arg3[%arg1, %dma_start3A, %dma_start3A_73] : memref<16x162x128xi32, #tpu.memory_space<hbm>> -> memref<1x162x128xi32, #tpu.memory_space<hbm>>
      %dma_start3A_75 = tpu.memref_squeeze %dma_start3A_74 : memref<1x162x128xi32, #tpu.memory_space<hbm>> -> memref<162x128xi32, #tpu.memory_space<hbm>>
      %dma_start3A_76 = arith.constant 0 : i32
      %dma_start3A_77 = arith.constant 0 : i32
      %dma_start3A_78 = tpu.memref_slice %arg3[%arg1, %dma_start3A_76, %dma_start3A_77] : memref<16x162x128xi32, #tpu.memory_space<hbm>> -> memref<1x162x128xi32, #tpu.memory_space<hbm>>
      %dma_start3A_79 = tpu.memref_squeeze %dma_start3A_78 : memref<1x162x128xi32, #tpu.memory_space<hbm>> -> memref<162x128xi32, #tpu.memory_space<hbm>>
      tpu.enqueue_dma source(%dma_start3A_79 : memref<162x128xi32, #tpu.memory_space<hbm>>) target(%arg6 : memref<162x128xi32, #tpu.memory_space<vmem>>) target_semaphore(%run_scoped3A : memref<!tpu.dma_semaphore, #tpu.memory_space<semaphore_mem>>)
      %dma_wait3A = arith.constant 0 : i32
      %dma_wait3A_80 = arith.constant 0 : i32
      %dma_wait3A_81 = tpu.memref_slice %arg3[%arg1, %dma_wait3A, %dma_wait3A_80] : memref<16x162x128xi32, #tpu.memory_space<hbm>> -> memref<1x162x128xi32, #tpu.memory_space<hbm>>
      %dma_wait3A_82 = tpu.memref_squeeze %dma_wait3A_81 : memref<1x162x128xi32, #tpu.memory_space<hbm>> -> memref<162x128xi32, #tpu.memory_space<hbm>>
      %dma_wait3A_83 = arith.constant 0 : i32
      %dma_wait3A_84 = arith.constant 0 : i32
      %dma_wait3A_85 = tpu.memref_slice %arg3[%arg1, %dma_wait3A_83, %dma_wait3A_84] : memref<16x162x128xi32, #tpu.memory_space<hbm>> -> memref<1x162x128xi32, #tpu.memory_space<hbm>>
      %dma_wait3A_86 = tpu.memref_squeeze %dma_wait3A_85 : memref<1x162x128xi32, #tpu.memory_space<hbm>> -> memref<162x128xi32, #tpu.memory_space<hbm>>
      tpu.wait_dma2 semaphore(%run_scoped3A : memref<!tpu.dma_semaphore, #tpu.memory_space<semaphore_mem>>) src(%dma_wait3A_86 : memref<162x128xi32, #tpu.memory_space<hbm>>) dst(%arg6 : memref<162x128xi32, #tpu.memory_space<vmem>>)
      tpu.yield
    }) : () -> ()
    "tpu.region"() ({
      %run_scoped3A = tpu.sem_alloc : memref<!tpu.dma_semaphore, #tpu.memory_space<semaphore_mem>>
      %dma_start3A = arith.constant 0 : i32
      %dma_start3A_73 = arith.constant 0 : i32
      %dma_start3A_74 = tpu.memref_slice %arg4[%arg1, %dma_start3A, %dma_start3A_73] : memref<16x162x128xi32, #tpu.memory_space<hbm>> -> memref<1x162x128xi32, #tpu.memory_space<hbm>>
      %dma_start3A_75 = tpu.memref_squeeze %dma_start3A_74 : memref<1x162x128xi32, #tpu.memory_space<hbm>> -> memref<162x128xi32, #tpu.memory_space<hbm>>
      %dma_start3A_76 = arith.constant 0 : i32
      %dma_start3A_77 = arith.constant 0 : i32
      %dma_start3A_78 = tpu.memref_slice %arg4[%arg1, %dma_start3A_76, %dma_start3A_77] : memref<16x162x128xi32, #tpu.memory_space<hbm>> -> memref<1x162x128xi32, #tpu.memory_space<hbm>>
      %dma_start3A_79 = tpu.memref_squeeze %dma_start3A_78 : memref<1x162x128xi32, #tpu.memory_space<hbm>> -> memref<162x128xi32, #tpu.memory_space<hbm>>
      tpu.enqueue_dma source(%dma_start3A_79 : memref<162x128xi32, #tpu.memory_space<hbm>>) target(%arg7 : memref<162x128xi32, #tpu.memory_space<vmem>>) target_semaphore(%run_scoped3A : memref<!tpu.dma_semaphore, #tpu.memory_space<semaphore_mem>>)
      %dma_wait3A = arith.constant 0 : i32
      %dma_wait3A_80 = arith.constant 0 : i32
      %dma_wait3A_81 = tpu.memref_slice %arg4[%arg1, %dma_wait3A, %dma_wait3A_80] : memref<16x162x128xi32, #tpu.memory_space<hbm>> -> memref<1x162x128xi32, #tpu.memory_space<hbm>>
      %dma_wait3A_82 = tpu.memref_squeeze %dma_wait3A_81 : memref<1x162x128xi32, #tpu.memory_space<hbm>> -> memref<162x128xi32, #tpu.memory_space<hbm>>
      %dma_wait3A_83 = arith.constant 0 : i32
      %dma_wait3A_84 = arith.constant 0 : i32
      %dma_wait3A_85 = tpu.memref_slice %arg4[%arg1, %dma_wait3A_83, %dma_wait3A_84] : memref<16x162x128xi32, #tpu.memory_space<hbm>> -> memref<1x162x128xi32, #tpu.memory_space<hbm>>
      %dma_wait3A_86 = tpu.memref_squeeze %dma_wait3A_85 : memref<1x162x128xi32, #tpu.memory_space<hbm>> -> memref<162x128xi32, #tpu.memory_space<hbm>>
      tpu.wait_dma2 semaphore(%run_scoped3A : memref<!tpu.dma_semaphore, #tpu.memory_space<semaphore_mem>>) src(%dma_wait3A_86 : memref<162x128xi32, #tpu.memory_space<hbm>>) dst(%arg7 : memref<162x128xi32, #tpu.memory_space<vmem>>)
      tpu.yield
    }) : () -> ()
    %barrier3A = arith.constant 0 : index
    tpu.barrier barrier_id(%barrier3A)
    %scan3A_25 = arith.constant 0 : i32
    %scan3A_26 = arith.constant 0 : i32
    %scan3A_27 = arith.constant 81 : i32
    %scan3A_28 = arith.addi %scan3A_26, %scan3A_27 : i32
    %scan3A_29 = arith.constant 1 : i32
    %scan3A_30 = scf.for %scan3A_73 = %scan3A_26 to %scan3A_28 step %scan3A_29 iter_args(%scan3A_74 = %scan3A_25) -> (i32)  : i32 {
      %mul3A_75 = arith.constant 2 : i32
      %mul3A_76 = arith.muli %mul3A_75, %scan3A_73 : i32
      %mul3A_77 = arith.constant 2 : i32
      %mul3A_78 = arith.muli %mul3A_77, %scan3A_73 : i32
      %add3A_79 = arith.constant 1 : i32
      %add3A_80 = arith.addi %mul3A_78, %add3A_79 : i32
      %dma_start3A = arith.constant 0 : i32
      %dma_start3A_81 = tpu.memref_slice %arg6[%mul3A_76, %dma_start3A] : memref<162x128xi32, #tpu.memory_space<vmem>> -> memref<1x128xi32, #tpu.memory_space<vmem>>
      %dma_start3A_82 = tpu.memref_squeeze %dma_start3A_81 : memref<1x128xi32, #tpu.memory_space<vmem>> -> memref<128xi32, #tpu.memory_space<vmem>>
      %dma_start3A_83 = arith.constant 0 : i32
      %dma_start3A_84 = arith.constant 0 : i32
      %dma_start3A_85 = tpu.memref_slice %arg2[%arg0, %dma_start3A_83, %dma_start3A_84] : memref<2x10240x64xf32, #tpu.memory_space<hbm>> -> memref<1x10240x64xf32, #tpu.memory_space<hbm>>
      %dma_start3A_86 = tpu.memref_squeeze %dma_start3A_85 : memref<1x10240x64xf32, #tpu.memory_space<hbm>> -> memref<10240x64xf32, #tpu.memory_space<hbm>>
      %dma_start3A_87 = arith.constant 0 : i32
      %dma_start3A_88 = arith.constant 0 : i32
      %dma_start3A_89 = tpu.memref_slice %dma_start3A_86[%dma_start3A_87, %dma_start3A_88] : memref<10240x64xf32, #tpu.memory_space<hbm>> -> memref<10240x64xf32, #tpu.memory_space<hbm>>
      tpu.enqueue_indirect_dma source(%dma_start3A_89 : memref<10240x64xf32, #tpu.memory_space<hbm>>) target(%arg8 : memref<128x64xf32, #tpu.memory_space<vmem>>) offsets(%dma_start3A_82 : memref<128xi32, #tpu.memory_space<vmem>>) semaphore(%arg10 : memref<!tpu.dma_semaphore, #tpu.memory_space<semaphore_mem>>)
      %dma_start3A_90 = arith.constant 0 : i32
      %dma_start3A_91 = tpu.memref_slice %arg6[%add3A_80, %dma_start3A_90] : memref<162x128xi32, #tpu.memory_space<vmem>> -> memref<1x128xi32, #tpu.memory_space<vmem>>
      %dma_start3A_92 = tpu.memref_squeeze %dma_start3A_91 : memref<1x128xi32, #tpu.memory_space<vmem>> -> memref<128xi32, #tpu.memory_space<vmem>>
      %dma_start3A_93 = arith.constant 0 : i32
      %dma_start3A_94 = arith.constant 0 : i32
      %dma_start3A_95 = tpu.memref_slice %arg2[%arg0, %dma_start3A_93, %dma_start3A_94] : memref<2x10240x64xf32, #tpu.memory_space<hbm>> -> memref<1x10240x64xf32, #tpu.memory_space<hbm>>
      %dma_start3A_96 = tpu.memref_squeeze %dma_start3A_95 : memref<1x10240x64xf32, #tpu.memory_space<hbm>> -> memref<10240x64xf32, #tpu.memory_space<hbm>>
      %dma_start3A_97 = arith.constant 0 : i32
      %dma_start3A_98 = arith.constant 0 : i32
      %dma_start3A_99 = tpu.memref_slice %dma_start3A_96[%dma_start3A_97, %dma_start3A_98] : memref<10240x64xf32, #tpu.memory_space<hbm>> -> memref<10240x64xf32, #tpu.memory_space<hbm>>
      tpu.enqueue_indirect_dma source(%dma_start3A_99 : memref<10240x64xf32, #tpu.memory_space<hbm>>) target(%arg9 : memref<128x64xf32, #tpu.memory_space<vmem>>) offsets(%dma_start3A_92 : memref<128xi32, #tpu.memory_space<vmem>>) semaphore(%arg11 : memref<!tpu.dma_semaphore, #tpu.memory_space<semaphore_mem>>)
      %dma_wait3A = arith.constant 0 : i32
      %dma_wait3A_100 = tpu.memref_slice %arg6[%mul3A_76, %dma_wait3A] : memref<162x128xi32, #tpu.memory_space<vmem>> -> memref<1x128xi32, #tpu.memory_space<vmem>>
      %dma_wait3A_101 = tpu.memref_squeeze %dma_wait3A_100 : memref<1x128xi32, #tpu.memory_space<vmem>> -> memref<128xi32, #tpu.memory_space<vmem>>
      %dma_wait3A_102 = arith.constant 0 : i32
      %dma_wait3A_103 = arith.constant 0 : i32
      %dma_wait3A_104 = tpu.memref_slice %arg2[%arg0, %dma_wait3A_102, %dma_wait3A_103] : memref<2x10240x64xf32, #tpu.memory_space<hbm>> -> memref<1x10240x64xf32, #tpu.memory_space<hbm>>
      %dma_wait3A_105 = tpu.memref_squeeze %dma_wait3A_104 : memref<1x10240x64xf32, #tpu.memory_space<hbm>> -> memref<10240x64xf32, #tpu.memory_space<hbm>>
      %dma_wait3A_106 = arith.constant 0 : i32
      %dma_wait3A_107 = arith.constant 0 : i32
      %dma_wait3A_108 = tpu.memref_slice %dma_wait3A_105[%dma_wait3A_106, %dma_wait3A_107] : memref<10240x64xf32, #tpu.memory_space<hbm>> -> memref<10240x64xf32, #tpu.memory_space<hbm>>
      tpu.wait_indirect_dma semaphore(%arg10 : memref<!tpu.dma_semaphore, #tpu.memory_space<semaphore_mem>>) src(%dma_wait3A_108 : memref<10240x64xf32, #tpu.memory_space<hbm>>) dst(%arg8 : memref<128x64xf32, #tpu.memory_space<vmem>>)
      "tpu.region"() ({
        %run_scoped3A = tpu.sem_alloc : memref<!tpu.dma_semaphore, #tpu.memory_space<semaphore_mem>>
        %dma_start3A_120 = arith.constant 0 : i32
        %dma_start3A_121 = tpu.memref_slice %arg7[%mul3A_76, %dma_start3A_120] : memref<162x128xi32, #tpu.memory_space<vmem>> -> memref<1x128xi32, #tpu.memory_space<vmem>>
        %dma_start3A_122 = tpu.memref_squeeze %dma_start3A_121 : memref<1x128xi32, #tpu.memory_space<vmem>> -> memref<128xi32, #tpu.memory_space<vmem>>
        %dma_start3A_123 = arith.constant 0 : i32
        %dma_start3A_124 = arith.constant 0 : i32
        %dma_start3A_125 = tpu.memref_slice %arg12[%dma_start3A_123, %dma_start3A_124] : memref<10240x64xf32, #tpu.memory_space<vmem_shared>> -> memref<10240x64xf32, #tpu.memory_space<vmem_shared>>
        tpu.enqueue_indirect_dma source(%arg8 : memref<128x64xf32, #tpu.memory_space<vmem>>) target(%dma_start3A_125 : memref<10240x64xf32, #tpu.memory_space<vmem_shared>>) offsets(%dma_start3A_122 : memref<128xi32, #tpu.memory_space<vmem>>) semaphore(%run_scoped3A : memref<!tpu.dma_semaphore, #tpu.memory_space<semaphore_mem>>) {add = true}
        %dma_wait3A_126 = arith.constant 0 : i32
        %dma_wait3A_127 = tpu.memref_slice %arg7[%mul3A_76, %dma_wait3A_126] : memref<162x128xi32, #tpu.memory_space<vmem>> -> memref<1x128xi32, #tpu.memory_space<vmem>>
        %dma_wait3A_128 = tpu.memref_squeeze %dma_wait3A_127 : memref<1x128xi32, #tpu.memory_space<vmem>> -> memref<128xi32, #tpu.memory_space<vmem>>
        %dma_wait3A_129 = arith.constant 0 : i32
        %dma_wait3A_130 = arith.constant 0 : i32
        %dma_wait3A_131 = tpu.memref_slice %arg12[%dma_wait3A_129, %dma_wait3A_130] : memref<10240x64xf32, #tpu.memory_space<vmem_shared>> -> memref<10240x64xf32, #tpu.memory_space<vmem_shared>>
        tpu.wait_indirect_dma semaphore(%run_scoped3A : memref<!tpu.dma_semaphore, #tpu.memory_space<semaphore_mem>>) src(%arg8 : memref<128x64xf32, #tpu.memory_space<vmem>>) dst(%dma_wait3A_131 : memref<10240x64xf32, #tpu.memory_space<vmem_shared>>)
        tpu.yield
      }) : () -> ()
      %dma_wait3A_109 = arith.constant 0 : i32
      %dma_wait3A_110 = tpu.memref_slice %arg6[%add3A_80, %dma_wait3A_109] : memref<162x128xi32, #tpu.memory_space<vmem>> -> memref<1x128xi32, #tpu.memory_space<vmem>>
      %dma_wait3A_111 = tpu.memref_squeeze %dma_wait3A_110 : memref<1x128xi32, #tpu.memory_space<vmem>> -> memref<128xi32, #tpu.memory_space<vmem>>
      %dma_wait3A_112 = arith.constant 0 : i32
      %dma_wait3A_113 = arith.constant 0 : i32
      %dma_wait3A_114 = tpu.memref_slice %arg2[%arg0, %dma_wait3A_112, %dma_wait3A_113] : memref<2x10240x64xf32, #tpu.memory_space<hbm>> -> memref<1x10240x64xf32, #tpu.memory_space<hbm>>
      %dma_wait3A_115 = tpu.memref_squeeze %dma_wait3A_114 : memref<1x10240x64xf32, #tpu.memory_space<hbm>> -> memref<10240x64xf32, #tpu.memory_space<hbm>>
      %dma_wait3A_116 = arith.constant 0 : i32
      %dma_wait3A_117 = arith.constant 0 : i32
      %dma_wait3A_118 = tpu.memref_slice %dma_wait3A_115[%dma_wait3A_116, %dma_wait3A_117] : memref<10240x64xf32, #tpu.memory_space<hbm>> -> memref<10240x64xf32, #tpu.memory_space<hbm>>
      tpu.wait_indirect_dma semaphore(%arg11 : memref<!tpu.dma_semaphore, #tpu.memory_space<semaphore_mem>>) src(%dma_wait3A_118 : memref<10240x64xf32, #tpu.memory_space<hbm>>) dst(%arg9 : memref<128x64xf32, #tpu.memory_space<vmem>>)
      "tpu.region"() ({
        %run_scoped3A = tpu.sem_alloc : memref<!tpu.dma_semaphore, #tpu.memory_space<semaphore_mem>>
        %dma_start3A_120 = arith.constant 0 : i32
        %dma_start3A_121 = tpu.memref_slice %arg7[%add3A_80, %dma_start3A_120] : memref<162x128xi32, #tpu.memory_space<vmem>> -> memref<1x128xi32, #tpu.memory_space<vmem>>
        %dma_start3A_122 = tpu.memref_squeeze %dma_start3A_121 : memref<1x128xi32, #tpu.memory_space<vmem>> -> memref<128xi32, #tpu.memory_space<vmem>>
        %dma_start3A_123 = arith.constant 0 : i32
        %dma_start3A_124 = arith.constant 0 : i32
        %dma_start3A_125 = tpu.memref_slice %arg12[%dma_start3A_123, %dma_start3A_124] : memref<10240x64xf32, #tpu.memory_space<vmem_shared>> -> memref<10240x64xf32, #tpu.memory_space<vmem_shared>>
        tpu.enqueue_indirect_dma source(%arg9 : memref<128x64xf32, #tpu.memory_space<vmem>>) target(%dma_start3A_125 : memref<10240x64xf32, #tpu.memory_space<vmem_shared>>) offsets(%dma_start3A_122 : memref<128xi32, #tpu.memory_space<vmem>>) semaphore(%run_scoped3A : memref<!tpu.dma_semaphore, #tpu.memory_space<semaphore_mem>>) {add = true}
        %dma_wait3A_126 = arith.constant 0 : i32
        %dma_wait3A_127 = tpu.memref_slice %arg7[%add3A_80, %dma_wait3A_126] : memref<162x128xi32, #tpu.memory_space<vmem>> -> memref<1x128xi32, #tpu.memory_space<vmem>>
        %dma_wait3A_128 = tpu.memref_squeeze %dma_wait3A_127 : memref<1x128xi32, #tpu.memory_space<vmem>> -> memref<128xi32, #tpu.memory_space<vmem>>
        %dma_wait3A_129 = arith.constant 0 : i32
        %dma_wait3A_130 = arith.constant 0 : i32
        %dma_wait3A_131 = tpu.memref_slice %arg12[%dma_wait3A_129, %dma_wait3A_130] : memref<10240x64xf32, #tpu.memory_space<vmem_shared>> -> memref<10240x64xf32, #tpu.memory_space<vmem_shared>>
        tpu.wait_indirect_dma semaphore(%run_scoped3A : memref<!tpu.dma_semaphore, #tpu.memory_space<semaphore_mem>>) src(%arg9 : memref<128x64xf32, #tpu.memory_space<vmem>>) dst(%dma_wait3A_131 : memref<10240x64xf32, #tpu.memory_space<vmem_shared>>)
        tpu.yield
      }) : () -> ()
      %scan3A_119 = arith.constant 0 : i32
      scf.yield %scan3A_119 : i32
    }
    %scan3A_31 = arith.constant 81 : i32
    %barrier3A_32 = arith.constant 0 : index
    tpu.barrier barrier_id(%barrier3A_32)
    %mul3A_33 = arith.constant 640 : i32
    %mul3A_34 = arith.muli %arg1, %mul3A_33 : i32
    %add3A_35 = arith.constant 0 : i32
    %add3A_36 = arith.addi %mul3A_34, %add3A_35 : i32
    "tpu.region"() ({
      %run_scoped3A = tpu.sem_alloc : memref<!tpu.dma_semaphore, #tpu.memory_space<semaphore_mem>>
      %dma_start3A = arith.constant 0 : i32
      %dma_start3A_73 = arith.constant 0 : i32
      %dma_start3A_74 = tpu.memref_slice %arg8[%dma_start3A, %dma_start3A_73] : memref<128x64xf32, #tpu.memory_space<vmem>> -> memref<128x64xf32, #tpu.memory_space<vmem>>
      %dma_start3A_75 = arith.constant 0 : i32
      %dma_start3A_76 = tpu.memref_slice %arg12[%add3A_36, %dma_start3A_75] : memref<10240x64xf32, #tpu.memory_space<vmem_shared>> -> memref<128x64xf32, #tpu.memory_space<vmem_shared>>
      %dma_start3A_77 = arith.constant 0 : i32
      %dma_start3A_78 = arith.constant 0 : i32
      %dma_start3A_79 = tpu.memref_slice %arg8[%dma_start3A_77, %dma_start3A_78] : memref<128x64xf32, #tpu.memory_space<vmem>> -> memref<128x64xf32, #tpu.memory_space<vmem>>
      %dma_start3A_80 = arith.constant 0 : i32
      %dma_start3A_81 = tpu.memref_slice %arg12[%add3A_36, %dma_start3A_80] : memref<10240x64xf32, #tpu.memory_space<vmem_shared>> -> memref<128x64xf32, #tpu.memory_space<vmem_shared>>
      tpu.enqueue_dma source(%dma_start3A_81 : memref<128x64xf32, #tpu.memory_space<vmem_shared>>) target(%dma_start3A_79 : memref<128x64xf32, #tpu.memory_space<vmem>>) target_semaphore(%run_scoped3A : memref<!tpu.dma_semaphore, #tpu.memory_space<semaphore_mem>>)
      %dma_wait3A = arith.constant 0 : i32
      %dma_wait3A_82 = arith.constant 0 : i32
      %dma_wait3A_83 = tpu.memref_slice %arg8[%dma_wait3A, %dma_wait3A_82] : memref<128x64xf32, #tpu.memory_space<vmem>> -> memref<128x64xf32, #tpu.memory_space<vmem>>
      %dma_wait3A_84 = arith.constant 0 : i32
      %dma_wait3A_85 = tpu.memref_slice %arg12[%add3A_36, %dma_wait3A_84] : memref<10240x64xf32, #tpu.memory_space<vmem_shared>> -> memref<128x64xf32, #tpu.memory_space<vmem_shared>>
      %dma_wait3A_86 = arith.constant 0 : i32
      %dma_wait3A_87 = arith.constant 0 : i32
      %dma_wait3A_88 = tpu.memref_slice %arg8[%dma_wait3A_86, %dma_wait3A_87] : memref<128x64xf32, #tpu.memory_space<vmem>> -> memref<128x64xf32, #tpu.memory_space<vmem>>
      %dma_wait3A_89 = arith.constant 0 : i32
      %dma_wait3A_90 = tpu.memref_slice %arg12[%add3A_36, %dma_wait3A_89] : memref<10240x64xf32, #tpu.memory_space<vmem_shared>> -> memref<128x64xf32, #tpu.memory_space<vmem_shared>>
      tpu.wait_dma2 semaphore(%run_scoped3A : memref<!tpu.dma_semaphore, #tpu.memory_space<semaphore_mem>>) src(%dma_wait3A_90 : memref<128x64xf32, #tpu.memory_space<vmem_shared>>) dst(%dma_wait3A_88 : memref<128x64xf32, #tpu.memory_space<vmem>>)
      tpu.yield
    }) : () -> ()
    %mul3A_37 = arith.constant 640 : i32
    %mul3A_38 = arith.muli %arg1, %mul3A_37 : i32
    %add3A_39 = arith.constant 0 : i32
    %add3A_40 = arith.addi %mul3A_38, %add3A_39 : i32
    "tpu.region"() ({
      %run_scoped3A = tpu.sem_alloc : memref<!tpu.dma_semaphore, #tpu.memory_space<semaphore_mem>>
      %dma_start3A = arith.constant 0 : i32
      %dma_start3A_73 = arith.constant 0 : i32
      %dma_start3A_74 = tpu.memref_slice %arg8[%dma_start3A, %dma_start3A_73] : memref<128x64xf32, #tpu.memory_space<vmem>> -> memref<128x64xf32, #tpu.memory_space<vmem>>
      %dma_start3A_75 = arith.constant 0 : i32
      %dma_start3A_76 = tpu.memref_slice %arg5[%arg0, %add3A_40, %dma_start3A_75] : memref<2x10240x64xf32, #tpu.memory_space<hbm>> -> memref<1x128x64xf32, #tpu.memory_space<hbm>>
      %dma_start3A_77 = tpu.memref_squeeze %dma_start3A_76 : memref<1x128x64xf32, #tpu.memory_space<hbm>> -> memref<128x64xf32, #tpu.memory_space<hbm>>
      %dma_start3A_78 = arith.constant 0 : i32
      %dma_start3A_79 = tpu.memref_slice %arg5[%arg0, %add3A_40, %dma_start3A_78] : memref<2x10240x64xf32, #tpu.memory_space<hbm>> -> memref<1x128x64xf32, #tpu.memory_space<hbm>>
      %dma_start3A_80 = tpu.memref_squeeze %dma_start3A_79 : memref<1x128x64xf32, #tpu.memory_space<hbm>> -> memref<128x64xf32, #tpu.memory_space<hbm>>
      %dma_start3A_81 = arith.constant 0 : i32
      %dma_start3A_82 = arith.constant 0 : i32
      %dma_start3A_83 = tpu.memref_slice %arg8[%dma_start3A_81, %dma_start3A_82] : memref<128x64xf32, #tpu.memory_space<vmem>> -> memref<128x64xf32, #tpu.memory_space<vmem>>
      tpu.enqueue_dma source(%dma_start3A_83 : memref<128x64xf32, #tpu.memory_space<vmem>>) target(%dma_start3A_80 : memref<128x64xf32, #tpu.memory_space<hbm>>) target_semaphore(%run_scoped3A : memref<!tpu.dma_semaphore, #tpu.memory_space<semaphore_mem>>)
      %dma_wait3A = arith.constant 0 : i32
      %dma_wait3A_84 = arith.constant 0 : i32
      %dma_wait3A_85 = tpu.memref_slice %arg8[%dma_wait3A, %dma_wait3A_84] : memref<128x64xf32, #tpu.memory_space<vmem>> -> memref<128x64xf32, #tpu.memory_space<vmem>>
      %dma_wait3A_86 = arith.constant 0 : i32
      %dma_wait3A_87 = tpu.memref_slice %arg5[%arg0, %add3A_40, %dma_wait3A_86] : memref<2x10240x64xf32, #tpu.memory_space<hbm>> -> memref<1x128x64xf32, #tpu.memory_space<hbm>>
      %dma_wait3A_88 = tpu.memref_squeeze %dma_wait3A_87 : memref<1x128x64xf32, #tpu.memory_space<hbm>> -> memref<128x64xf32, #tpu.memory_space<hbm>>
      %dma_wait3A_89 = arith.constant 0 : i32
      %dma_wait3A_90 = tpu.memref_slice %arg5[%arg0, %add3A_40, %dma_wait3A_89] : memref<2x10240x64xf32, #tpu.memory_space<hbm>> -> memref<1x128x64xf32, #tpu.memory_space<hbm>>
      %dma_wait3A_91 = tpu.memref_squeeze %dma_wait3A_90 : memref<1x128x64xf32, #tpu.memory_space<hbm>> -> memref<128x64xf32, #tpu.memory_space<hbm>>
      %dma_wait3A_92 = arith.constant 0 : i32
      %dma_wait3A_93 = arith.constant 0 : i32
      %dma_wait3A_94 = tpu.memref_slice %arg8[%dma_wait3A_92, %dma_wait3A_93] : memref<128x64xf32, #tpu.memory_space<vmem>> -> memref<128x64xf32, #tpu.memory_space<vmem>>
      tpu.wait_dma2 semaphore(%run_scoped3A : memref<!tpu.dma_semaphore, #tpu.memory_space<semaphore_mem>>) src(%dma_wait3A_94 : memref<128x64xf32, #tpu.memory_space<vmem>>) dst(%dma_wait3A_91 : memref<128x64xf32, #tpu.memory_space<hbm>>)
      tpu.yield
    }) : () -> ()
    %mul3A_41 = arith.constant 640 : i32
    %mul3A_42 = arith.muli %arg1, %mul3A_41 : i32
    %add3A_43 = arith.constant 128 : i32
    %add3A_44 = arith.addi %mul3A_42, %add3A_43 : i32
    "tpu.region"() ({
      %run_scoped3A = tpu.sem_alloc : memref<!tpu.dma_semaphore, #tpu.memory_space<semaphore_mem>>
      %dma_start3A = arith.constant 0 : i32
      %dma_start3A_73 = arith.constant 0 : i32
      %dma_start3A_74 = tpu.memref_slice %arg8[%dma_start3A, %dma_start3A_73] : memref<128x64xf32, #tpu.memory_space<vmem>> -> memref<128x64xf32, #tpu.memory_space<vmem>>
      %dma_start3A_75 = arith.constant 0 : i32
      %dma_start3A_76 = tpu.memref_slice %arg12[%add3A_44, %dma_start3A_75] : memref<10240x64xf32, #tpu.memory_space<vmem_shared>> -> memref<128x64xf32, #tpu.memory_space<vmem_shared>>
      %dma_start3A_77 = arith.constant 0 : i32
      %dma_start3A_78 = arith.constant 0 : i32
      %dma_start3A_79 = tpu.memref_slice %arg8[%dma_start3A_77, %dma_start3A_78] : memref<128x64xf32, #tpu.memory_space<vmem>> -> memref<128x64xf32, #tpu.memory_space<vmem>>
      %dma_start3A_80 = arith.constant 0 : i32
      %dma_start3A_81 = tpu.memref_slice %arg12[%add3A_44, %dma_start3A_80] : memref<10240x64xf32, #tpu.memory_space<vmem_shared>> -> memref<128x64xf32, #tpu.memory_space<vmem_shared>>
      tpu.enqueue_dma source(%dma_start3A_81 : memref<128x64xf32, #tpu.memory_space<vmem_shared>>) target(%dma_start3A_79 : memref<128x64xf32, #tpu.memory_space<vmem>>) target_semaphore(%run_scoped3A : memref<!tpu.dma_semaphore, #tpu.memory_space<semaphore_mem>>)
      %dma_wait3A = arith.constant 0 : i32
      %dma_wait3A_82 = arith.constant 0 : i32
      %dma_wait3A_83 = tpu.memref_slice %arg8[%dma_wait3A, %dma_wait3A_82] : memref<128x64xf32, #tpu.memory_space<vmem>> -> memref<128x64xf32, #tpu.memory_space<vmem>>
      %dma_wait3A_84 = arith.constant 0 : i32
      %dma_wait3A_85 = tpu.memref_slice %arg12[%add3A_44, %dma_wait3A_84] : memref<10240x64xf32, #tpu.memory_space<vmem_shared>> -> memref<128x64xf32, #tpu.memory_space<vmem_shared>>
      %dma_wait3A_86 = arith.constant 0 : i32
      %dma_wait3A_87 = arith.constant 0 : i32
      %dma_wait3A_88 = tpu.memref_slice %arg8[%dma_wait3A_86, %dma_wait3A_87] : memref<128x64xf32, #tpu.memory_space<vmem>> -> memref<128x64xf32, #tpu.memory_space<vmem>>
      %dma_wait3A_89 = arith.constant 0 : i32
      %dma_wait3A_90 = tpu.memref_slice %arg12[%add3A_44, %dma_wait3A_89] : memref<10240x64xf32, #tpu.memory_space<vmem_shared>> -> memref<128x64xf32, #tpu.memory_space<vmem_shared>>
      tpu.wait_dma2 semaphore(%run_scoped3A : memref<!tpu.dma_semaphore, #tpu.memory_space<semaphore_mem>>) src(%dma_wait3A_90 : memref<128x64xf32, #tpu.memory_space<vmem_shared>>) dst(%dma_wait3A_88 : memref<128x64xf32, #tpu.memory_space<vmem>>)
      tpu.yield
    }) : () -> ()
    %mul3A_45 = arith.constant 640 : i32
    %mul3A_46 = arith.muli %arg1, %mul3A_45 : i32
    %add3A_47 = arith.constant 128 : i32
    %add3A_48 = arith.addi %mul3A_46, %add3A_47 : i32
    "tpu.region"() ({
      %run_scoped3A = tpu.sem_alloc : memref<!tpu.dma_semaphore, #tpu.memory_space<semaphore_mem>>
      %dma_start3A = arith.constant 0 : i32
      %dma_start3A_73 = arith.constant 0 : i32
      %dma_start3A_74 = tpu.memref_slice %arg8[%dma_start3A, %dma_start3A_73] : memref<128x64xf32, #tpu.memory_space<vmem>> -> memref<128x64xf32, #tpu.memory_space<vmem>>
      %dma_start3A_75 = arith.constant 0 : i32
      %dma_start3A_76 = tpu.memref_slice %arg5[%arg0, %add3A_48, %dma_start3A_75] : memref<2x10240x64xf32, #tpu.memory_space<hbm>> -> memref<1x128x64xf32, #tpu.memory_space<hbm>>
      %dma_start3A_77 = tpu.memref_squeeze %dma_start3A_76 : memref<1x128x64xf32, #tpu.memory_space<hbm>> -> memref<128x64xf32, #tpu.memory_space<hbm>>
      %dma_start3A_78 = arith.constant 0 : i32
      %dma_start3A_79 = tpu.memref_slice %arg5[%arg0, %add3A_48, %dma_start3A_78] : memref<2x10240x64xf32, #tpu.memory_space<hbm>> -> memref<1x128x64xf32, #tpu.memory_space<hbm>>
      %dma_start3A_80 = tpu.memref_squeeze %dma_start3A_79 : memref<1x128x64xf32, #tpu.memory_space<hbm>> -> memref<128x64xf32, #tpu.memory_space<hbm>>
      %dma_start3A_81 = arith.constant 0 : i32
      %dma_start3A_82 = arith.constant 0 : i32
      %dma_start3A_83 = tpu.memref_slice %arg8[%dma_start3A_81, %dma_start3A_82] : memref<128x64xf32, #tpu.memory_space<vmem>> -> memref<128x64xf32, #tpu.memory_space<vmem>>
      tpu.enqueue_dma source(%dma_start3A_83 : memref<128x64xf32, #tpu.memory_space<vmem>>) target(%dma_start3A_80 : memref<128x64xf32, #tpu.memory_space<hbm>>) target_semaphore(%run_scoped3A : memref<!tpu.dma_semaphore, #tpu.memory_space<semaphore_mem>>)
      %dma_wait3A = arith.constant 0 : i32
      %dma_wait3A_84 = arith.constant 0 : i32
      %dma_wait3A_85 = tpu.memref_slice %arg8[%dma_wait3A, %dma_wait3A_84] : memref<128x64xf32, #tpu.memory_space<vmem>> -> memref<128x64xf32, #tpu.memory_space<vmem>>
      %dma_wait3A_86 = arith.constant 0 : i32
      %dma_wait3A_87 = tpu.memref_slice %arg5[%arg0, %add3A_48, %dma_wait3A_86] : memref<2x10240x64xf32, #tpu.memory_space<hbm>> -> memref<1x128x64xf32, #tpu.memory_space<hbm>>
      %dma_wait3A_88 = tpu.memref_squeeze %dma_wait3A_87 : memref<1x128x64xf32, #tpu.memory_space<hbm>> -> memref<128x64xf32, #tpu.memory_space<hbm>>
      %dma_wait3A_89 = arith.constant 0 : i32
      %dma_wait3A_90 = tpu.memref_slice %arg5[%arg0, %add3A_48, %dma_wait3A_89] : memref<2x10240x64xf32, #tpu.memory_space<hbm>> -> memref<1x128x64xf32, #tpu.memory_space<hbm>>
      %dma_wait3A_91 = tpu.memref_squeeze %dma_wait3A_90 : memref<1x128x64xf32, #tpu.memory_space<hbm>> -> memref<128x64xf32, #tpu.memory_space<hbm>>
      %dma_wait3A_92 = arith.constant 0 : i32
      %dma_wait3A_93 = arith.constant 0 : i32
      %dma_wait3A_94 = tpu.memref_slice %arg8[%dma_wait3A_92, %dma_wait3A_93] : memref<128x64xf32, #tpu.memory_space<vmem>> -> memref<128x64xf32, #tpu.memory_space<vmem>>
      tpu.wait_dma2 semaphore(%run_scoped3A : memref<!tpu.dma_semaphore, #tpu.memory_space<semaphore_mem>>) src(%dma_wait3A_94 : memref<128x64xf32, #tpu.memory_space<vmem>>) dst(%dma_wait3A_91 : memref<128x64xf32, #tpu.memory_space<hbm>>)
      tpu.yield
    }) : () -> ()
    %mul3A_49 = arith.constant 640 : i32
    %mul3A_50 = arith.muli %arg1, %mul3A_49 : i32
    %add3A_51 = arith.constant 256 : i32
    %add3A_52 = arith.addi %mul3A_50, %add3A_51 : i32
    "tpu.region"() ({
      %run_scoped3A = tpu.sem_alloc : memref<!tpu.dma_semaphore, #tpu.memory_space<semaphore_mem>>
      %dma_start3A = arith.constant 0 : i32
      %dma_start3A_73 = arith.constant 0 : i32
      %dma_start3A_74 = tpu.memref_slice %arg8[%dma_start3A, %dma_start3A_73] : memref<128x64xf32, #tpu.memory_space<vmem>> -> memref<128x64xf32, #tpu.memory_space<vmem>>
      %dma_start3A_75 = arith.constant 0 : i32
      %dma_start3A_76 = tpu.memref_slice %arg12[%add3A_52, %dma_start3A_75] : memref<10240x64xf32, #tpu.memory_space<vmem_shared>> -> memref<128x64xf32, #tpu.memory_space<vmem_shared>>
      %dma_start3A_77 = arith.constant 0 : i32
      %dma_start3A_78 = arith.constant 0 : i32
      %dma_start3A_79 = tpu.memref_slice %arg8[%dma_start3A_77, %dma_start3A_78] : memref<128x64xf32, #tpu.memory_space<vmem>> -> memref<128x64xf32, #tpu.memory_space<vmem>>
      %dma_start3A_80 = arith.constant 0 : i32
      %dma_start3A_81 = tpu.memref_slice %arg12[%add3A_52, %dma_start3A_80] : memref<10240x64xf32, #tpu.memory_space<vmem_shared>> -> memref<128x64xf32, #tpu.memory_space<vmem_shared>>
      tpu.enqueue_dma source(%dma_start3A_81 : memref<128x64xf32, #tpu.memory_space<vmem_shared>>) target(%dma_start3A_79 : memref<128x64xf32, #tpu.memory_space<vmem>>) target_semaphore(%run_scoped3A : memref<!tpu.dma_semaphore, #tpu.memory_space<semaphore_mem>>)
      %dma_wait3A = arith.constant 0 : i32
      %dma_wait3A_82 = arith.constant 0 : i32
      %dma_wait3A_83 = tpu.memref_slice %arg8[%dma_wait3A, %dma_wait3A_82] : memref<128x64xf32, #tpu.memory_space<vmem>> -> memref<128x64xf32, #tpu.memory_space<vmem>>
      %dma_wait3A_84 = arith.constant 0 : i32
      %dma_wait3A_85 = tpu.memref_slice %arg12[%add3A_52, %dma_wait3A_84] : memref<10240x64xf32, #tpu.memory_space<vmem_shared>> -> memref<128x64xf32, #tpu.memory_space<vmem_shared>>
      %dma_wait3A_86 = arith.constant 0 : i32
      %dma_wait3A_87 = arith.constant 0 : i32
      %dma_wait3A_88 = tpu.memref_slice %arg8[%dma_wait3A_86, %dma_wait3A_87] : memref<128x64xf32, #tpu.memory_space<vmem>> -> memref<128x64xf32, #tpu.memory_space<vmem>>
      %dma_wait3A_89 = arith.constant 0 : i32
      %dma_wait3A_90 = tpu.memref_slice %arg12[%add3A_52, %dma_wait3A_89] : memref<10240x64xf32, #tpu.memory_space<vmem_shared>> -> memref<128x64xf32, #tpu.memory_space<vmem_shared>>
      tpu.wait_dma2 semaphore(%run_scoped3A : memref<!tpu.dma_semaphore, #tpu.memory_space<semaphore_mem>>) src(%dma_wait3A_90 : memref<128x64xf32, #tpu.memory_space<vmem_shared>>) dst(%dma_wait3A_88 : memref<128x64xf32, #tpu.memory_space<vmem>>)
      tpu.yield
    }) : () -> ()
    %mul3A_53 = arith.constant 640 : i32
    %mul3A_54 = arith.muli %arg1, %mul3A_53 : i32
    %add3A_55 = arith.constant 256 : i32
    %add3A_56 = arith.addi %mul3A_54, %add3A_55 : i32
    "tpu.region"() ({
      %run_scoped3A = tpu.sem_alloc : memref<!tpu.dma_semaphore, #tpu.memory_space<semaphore_mem>>
      %dma_start3A = arith.constant 0 : i32
      %dma_start3A_73 = arith.constant 0 : i32
      %dma_start3A_74 = tpu.memref_slice %arg8[%dma_start3A, %dma_start3A_73] : memref<128x64xf32, #tpu.memory_space<vmem>> -> memref<128x64xf32, #tpu.memory_space<vmem>>
      %dma_start3A_75 = arith.constant 0 : i32
      %dma_start3A_76 = tpu.memref_slice %arg5[%arg0, %add3A_56, %dma_start3A_75] : memref<2x10240x64xf32, #tpu.memory_space<hbm>> -> memref<1x128x64xf32, #tpu.memory_space<hbm>>
      %dma_start3A_77 = tpu.memref_squeeze %dma_start3A_76 : memref<1x128x64xf32, #tpu.memory_space<hbm>> -> memref<128x64xf32, #tpu.memory_space<hbm>>
      %dma_start3A_78 = arith.constant 0 : i32
      %dma_start3A_79 = tpu.memref_slice %arg5[%arg0, %add3A_56, %dma_start3A_78] : memref<2x10240x64xf32, #tpu.memory_space<hbm>> -> memref<1x128x64xf32, #tpu.memory_space<hbm>>
      %dma_start3A_80 = tpu.memref_squeeze %dma_start3A_79 : memref<1x128x64xf32, #tpu.memory_space<hbm>> -> memref<128x64xf32, #tpu.memory_space<hbm>>
      %dma_start3A_81 = arith.constant 0 : i32
      %dma_start3A_82 = arith.constant 0 : i32
      %dma_start3A_83 = tpu.memref_slice %arg8[%dma_start3A_81, %dma_start3A_82] : memref<128x64xf32, #tpu.memory_space<vmem>> -> memref<128x64xf32, #tpu.memory_space<vmem>>
      tpu.enqueue_dma source(%dma_start3A_83 : memref<128x64xf32, #tpu.memory_space<vmem>>) target(%dma_start3A_80 : memref<128x64xf32, #tpu.memory_space<hbm>>) target_semaphore(%run_scoped3A : memref<!tpu.dma_semaphore, #tpu.memory_space<semaphore_mem>>)
      %dma_wait3A = arith.constant 0 : i32
      %dma_wait3A_84 = arith.constant 0 : i32
      %dma_wait3A_85 = tpu.memref_slice %arg8[%dma_wait3A, %dma_wait3A_84] : memref<128x64xf32, #tpu.memory_space<vmem>> -> memref<128x64xf32, #tpu.memory_space<vmem>>
      %dma_wait3A_86 = arith.constant 0 : i32
      %dma_wait3A_87 = tpu.memref_slice %arg5[%arg0, %add3A_56, %dma_wait3A_86] : memref<2x10240x64xf32, #tpu.memory_space<hbm>> -> memref<1x128x64xf32, #tpu.memory_space<hbm>>
      %dma_wait3A_88 = tpu.memref_squeeze %dma_wait3A_87 : memref<1x128x64xf32, #tpu.memory_space<hbm>> -> memref<128x64xf32, #tpu.memory_space<hbm>>
      %dma_wait3A_89 = arith.constant 0 : i32
      %dma_wait3A_90 = tpu.memref_slice %arg5[%arg0, %add3A_56, %dma_wait3A_89] : memref<2x10240x64xf32, #tpu.memory_space<hbm>> -> memref<1x128x64xf32, #tpu.memory_space<hbm>>
      %dma_wait3A_91 = tpu.memref_squeeze %dma_wait3A_90 : memref<1x128x64xf32, #tpu.memory_space<hbm>> -> memref<128x64xf32, #tpu.memory_space<hbm>>
      %dma_wait3A_92 = arith.constant 0 : i32
      %dma_wait3A_93 = arith.constant 0 : i32
      %dma_wait3A_94 = tpu.memref_slice %arg8[%dma_wait3A_92, %dma_wait3A_93] : memref<128x64xf32, #tpu.memory_space<vmem>> -> memref<128x64xf32, #tpu.memory_space<vmem>>
      tpu.wait_dma2 semaphore(%run_scoped3A : memref<!tpu.dma_semaphore, #tpu.memory_space<semaphore_mem>>) src(%dma_wait3A_94 : memref<128x64xf32, #tpu.memory_space<vmem>>) dst(%dma_wait3A_91 : memref<128x64xf32, #tpu.memory_space<hbm>>)
      tpu.yield
    }) : () -> ()
    %mul3A_57 = arith.constant 640 : i32
    %mul3A_58 = arith.muli %arg1, %mul3A_57 : i32
    %add3A_59 = arith.constant 384 : i32
    %add3A_60 = arith.addi %mul3A_58, %add3A_59 : i32
    "tpu.region"() ({
      %run_scoped3A = tpu.sem_alloc : memref<!tpu.dma_semaphore, #tpu.memory_space<semaphore_mem>>
      %dma_start3A = arith.constant 0 : i32
      %dma_start3A_73 = arith.constant 0 : i32
      %dma_start3A_74 = tpu.memref_slice %arg8[%dma_start3A, %dma_start3A_73] : memref<128x64xf32, #tpu.memory_space<vmem>> -> memref<128x64xf32, #tpu.memory_space<vmem>>
      %dma_start3A_75 = arith.constant 0 : i32
      %dma_start3A_76 = tpu.memref_slice %arg12[%add3A_60, %dma_start3A_75] : memref<10240x64xf32, #tpu.memory_space<vmem_shared>> -> memref<128x64xf32, #tpu.memory_space<vmem_shared>>
      %dma_start3A_77 = arith.constant 0 : i32
      %dma_start3A_78 = arith.constant 0 : i32
      %dma_start3A_79 = tpu.memref_slice %arg8[%dma_start3A_77, %dma_start3A_78] : memref<128x64xf32, #tpu.memory_space<vmem>> -> memref<128x64xf32, #tpu.memory_space<vmem>>
      %dma_start3A_80 = arith.constant 0 : i32
      %dma_start3A_81 = tpu.memref_slice %arg12[%add3A_60, %dma_start3A_80] : memref<10240x64xf32, #tpu.memory_space<vmem_shared>> -> memref<128x64xf32, #tpu.memory_space<vmem_shared>>
      tpu.enqueue_dma source(%dma_start3A_81 : memref<128x64xf32, #tpu.memory_space<vmem_shared>>) target(%dma_start3A_79 : memref<128x64xf32, #tpu.memory_space<vmem>>) target_semaphore(%run_scoped3A : memref<!tpu.dma_semaphore, #tpu.memory_space<semaphore_mem>>)
      %dma_wait3A = arith.constant 0 : i32
      %dma_wait3A_82 = arith.constant 0 : i32
      %dma_wait3A_83 = tpu.memref_slice %arg8[%dma_wait3A, %dma_wait3A_82] : memref<128x64xf32, #tpu.memory_space<vmem>> -> memref<128x64xf32, #tpu.memory_space<vmem>>
      %dma_wait3A_84 = arith.constant 0 : i32
      %dma_wait3A_85 = tpu.memref_slice %arg12[%add3A_60, %dma_wait3A_84] : memref<10240x64xf32, #tpu.memory_space<vmem_shared>> -> memref<128x64xf32, #tpu.memory_space<vmem_shared>>
      %dma_wait3A_86 = arith.constant 0 : i32
      %dma_wait3A_87 = arith.constant 0 : i32
      %dma_wait3A_88 = tpu.memref_slice %arg8[%dma_wait3A_86, %dma_wait3A_87] : memref<128x64xf32, #tpu.memory_space<vmem>> -> memref<128x64xf32, #tpu.memory_space<vmem>>
      %dma_wait3A_89 = arith.constant 0 : i32
      %dma_wait3A_90 = tpu.memref_slice %arg12[%add3A_60, %dma_wait3A_89] : memref<10240x64xf32, #tpu.memory_space<vmem_shared>> -> memref<128x64xf32, #tpu.memory_space<vmem_shared>>
      tpu.wait_dma2 semaphore(%run_scoped3A : memref<!tpu.dma_semaphore, #tpu.memory_space<semaphore_mem>>) src(%dma_wait3A_90 : memref<128x64xf32, #tpu.memory_space<vmem_shared>>) dst(%dma_wait3A_88 : memref<128x64xf32, #tpu.memory_space<vmem>>)
      tpu.yield
    }) : () -> ()
    %mul3A_61 = arith.constant 640 : i32
    %mul3A_62 = arith.muli %arg1, %mul3A_61 : i32
    %add3A_63 = arith.constant 384 : i32
    %add3A_64 = arith.addi %mul3A_62, %add3A_63 : i32
    "tpu.region"() ({
      %run_scoped3A = tpu.sem_alloc : memref<!tpu.dma_semaphore, #tpu.memory_space<semaphore_mem>>
      %dma_start3A = arith.constant 0 : i32
      %dma_start3A_73 = arith.constant 0 : i32
      %dma_start3A_74 = tpu.memref_slice %arg8[%dma_start3A, %dma_start3A_73] : memref<128x64xf32, #tpu.memory_space<vmem>> -> memref<128x64xf32, #tpu.memory_space<vmem>>
      %dma_start3A_75 = arith.constant 0 : i32
      %dma_start3A_76 = tpu.memref_slice %arg5[%arg0, %add3A_64, %dma_start3A_75] : memref<2x10240x64xf32, #tpu.memory_space<hbm>> -> memref<1x128x64xf32, #tpu.memory_space<hbm>>
      %dma_start3A_77 = tpu.memref_squeeze %dma_start3A_76 : memref<1x128x64xf32, #tpu.memory_space<hbm>> -> memref<128x64xf32, #tpu.memory_space<hbm>>
      %dma_start3A_78 = arith.constant 0 : i32
      %dma_start3A_79 = tpu.memref_slice %arg5[%arg0, %add3A_64, %dma_start3A_78] : memref<2x10240x64xf32, #tpu.memory_space<hbm>> -> memref<1x128x64xf32, #tpu.memory_space<hbm>>
      %dma_start3A_80 = tpu.memref_squeeze %dma_start3A_79 : memref<1x128x64xf32, #tpu.memory_space<hbm>> -> memref<128x64xf32, #tpu.memory_space<hbm>>
      %dma_start3A_81 = arith.constant 0 : i32
      %dma_start3A_82 = arith.constant 0 : i32
      %dma_start3A_83 = tpu.memref_slice %arg8[%dma_start3A_81, %dma_start3A_82] : memref<128x64xf32, #tpu.memory_space<vmem>> -> memref<128x64xf32, #tpu.memory_space<vmem>>
      tpu.enqueue_dma source(%dma_start3A_83 : memref<128x64xf32, #tpu.memory_space<vmem>>) target(%dma_start3A_80 : memref<128x64xf32, #tpu.memory_space<hbm>>) target_semaphore(%run_scoped3A : memref<!tpu.dma_semaphore, #tpu.memory_space<semaphore_mem>>)
      %dma_wait3A = arith.constant 0 : i32
      %dma_wait3A_84 = arith.constant 0 : i32
      %dma_wait3A_85 = tpu.memref_slice %arg8[%dma_wait3A, %dma_wait3A_84] : memref<128x64xf32, #tpu.memory_space<vmem>> -> memref<128x64xf32, #tpu.memory_space<vmem>>
      %dma_wait3A_86 = arith.constant 0 : i32
      %dma_wait3A_87 = tpu.memref_slice %arg5[%arg0, %add3A_64, %dma_wait3A_86] : memref<2x10240x64xf32, #tpu.memory_space<hbm>> -> memref<1x128x64xf32, #tpu.memory_space<hbm>>
      %dma_wait3A_88 = tpu.memref_squeeze %dma_wait3A_87 : memref<1x128x64xf32, #tpu.memory_space<hbm>> -> memref<128x64xf32, #tpu.memory_space<hbm>>
      %dma_wait3A_89 = arith.constant 0 : i32
      %dma_wait3A_90 = tpu.memref_slice %arg5[%arg0, %add3A_64, %dma_wait3A_89] : memref<2x10240x64xf32, #tpu.memory_space<hbm>> -> memref<1x128x64xf32, #tpu.memory_space<hbm>>
      %dma_wait3A_91 = tpu.memref_squeeze %dma_wait3A_90 : memref<1x128x64xf32, #tpu.memory_space<hbm>> -> memref<128x64xf32, #tpu.memory_space<hbm>>
      %dma_wait3A_92 = arith.constant 0 : i32
      %dma_wait3A_93 = arith.constant 0 : i32
      %dma_wait3A_94 = tpu.memref_slice %arg8[%dma_wait3A_92, %dma_wait3A_93] : memref<128x64xf32, #tpu.memory_space<vmem>> -> memref<128x64xf32, #tpu.memory_space<vmem>>
      tpu.wait_dma2 semaphore(%run_scoped3A : memref<!tpu.dma_semaphore, #tpu.memory_space<semaphore_mem>>) src(%dma_wait3A_94 : memref<128x64xf32, #tpu.memory_space<vmem>>) dst(%dma_wait3A_91 : memref<128x64xf32, #tpu.memory_space<hbm>>)
      tpu.yield
    }) : () -> ()
    %mul3A_65 = arith.constant 640 : i32
    %mul3A_66 = arith.muli %arg1, %mul3A_65 : i32
    %add3A_67 = arith.constant 512 : i32
    %add3A_68 = arith.addi %mul3A_66, %add3A_67 : i32
    "tpu.region"() ({
      %run_scoped3A = tpu.sem_alloc : memref<!tpu.dma_semaphore, #tpu.memory_space<semaphore_mem>>
      %dma_start3A = arith.constant 0 : i32
      %dma_start3A_73 = arith.constant 0 : i32
      %dma_start3A_74 = tpu.memref_slice %arg8[%dma_start3A, %dma_start3A_73] : memref<128x64xf32, #tpu.memory_space<vmem>> -> memref<128x64xf32, #tpu.memory_space<vmem>>
      %dma_start3A_75 = arith.constant 0 : i32
      %dma_start3A_76 = tpu.memref_slice %arg12[%add3A_68, %dma_start3A_75] : memref<10240x64xf32, #tpu.memory_space<vmem_shared>> -> memref<128x64xf32, #tpu.memory_space<vmem_shared>>
      %dma_start3A_77 = arith.constant 0 : i32
      %dma_start3A_78 = arith.constant 0 : i32
      %dma_start3A_79 = tpu.memref_slice %arg8[%dma_start3A_77, %dma_start3A_78] : memref<128x64xf32, #tpu.memory_space<vmem>> -> memref<128x64xf32, #tpu.memory_space<vmem>>
      %dma_start3A_80 = arith.constant 0 : i32
      %dma_start3A_81 = tpu.memref_slice %arg12[%add3A_68, %dma_start3A_80] : memref<10240x64xf32, #tpu.memory_space<vmem_shared>> -> memref<128x64xf32, #tpu.memory_space<vmem_shared>>
      tpu.enqueue_dma source(%dma_start3A_81 : memref<128x64xf32, #tpu.memory_space<vmem_shared>>) target(%dma_start3A_79 : memref<128x64xf32, #tpu.memory_space<vmem>>) target_semaphore(%run_scoped3A : memref<!tpu.dma_semaphore, #tpu.memory_space<semaphore_mem>>)
      %dma_wait3A = arith.constant 0 : i32
      %dma_wait3A_82 = arith.constant 0 : i32
      %dma_wait3A_83 = tpu.memref_slice %arg8[%dma_wait3A, %dma_wait3A_82] : memref<128x64xf32, #tpu.memory_space<vmem>> -> memref<128x64xf32, #tpu.memory_space<vmem>>
      %dma_wait3A_84 = arith.constant 0 : i32
      %dma_wait3A_85 = tpu.memref_slice %arg12[%add3A_68, %dma_wait3A_84] : memref<10240x64xf32, #tpu.memory_space<vmem_shared>> -> memref<128x64xf32, #tpu.memory_space<vmem_shared>>
      %dma_wait3A_86 = arith.constant 0 : i32
      %dma_wait3A_87 = arith.constant 0 : i32
      %dma_wait3A_88 = tpu.memref_slice %arg8[%dma_wait3A_86, %dma_wait3A_87] : memref<128x64xf32, #tpu.memory_space<vmem>> -> memref<128x64xf32, #tpu.memory_space<vmem>>
      %dma_wait3A_89 = arith.constant 0 : i32
      %dma_wait3A_90 = tpu.memref_slice %arg12[%add3A_68, %dma_wait3A_89] : memref<10240x64xf32, #tpu.memory_space<vmem_shared>> -> memref<128x64xf32, #tpu.memory_space<vmem_shared>>
      tpu.wait_dma2 semaphore(%run_scoped3A : memref<!tpu.dma_semaphore, #tpu.memory_space<semaphore_mem>>) src(%dma_wait3A_90 : memref<128x64xf32, #tpu.memory_space<vmem_shared>>) dst(%dma_wait3A_88 : memref<128x64xf32, #tpu.memory_space<vmem>>)
      tpu.yield
    }) : () -> ()
    %mul3A_69 = arith.constant 640 : i32
    %mul3A_70 = arith.muli %arg1, %mul3A_69 : i32
    %add3A_71 = arith.constant 512 : i32
    %add3A_72 = arith.addi %mul3A_70, %add3A_71 : i32
    "tpu.region"() ({
      %run_scoped3A = tpu.sem_alloc : memref<!tpu.dma_semaphore, #tpu.memory_space<semaphore_mem>>
      %dma_start3A = arith.constant 0 : i32
      %dma_start3A_73 = arith.constant 0 : i32
      %dma_start3A_74 = tpu.memref_slice %arg8[%dma_start3A, %dma_start3A_73] : memref<128x64xf32, #tpu.memory_space<vmem>> -> memref<128x64xf32, #tpu.memory_space<vmem>>
      %dma_start3A_75 = arith.constant 0 : i32
      %dma_start3A_76 = tpu.memref_slice %arg5[%arg0, %add3A_72, %dma_start3A_75] : memref<2x10240x64xf32, #tpu.memory_space<hbm>> -> memref<1x128x64xf32, #tpu.memory_space<hbm>>
      %dma_start3A_77 = tpu.memref_squeeze %dma_start3A_76 : memref<1x128x64xf32, #tpu.memory_space<hbm>> -> memref<128x64xf32, #tpu.memory_space<hbm>>
      %dma_start3A_78 = arith.constant 0 : i32
      %dma_start3A_79 = tpu.memref_slice %arg5[%arg0, %add3A_72, %dma_start3A_78] : memref<2x10240x64xf32, #tpu.memory_space<hbm>> -> memref<1x128x64xf32, #tpu.memory_space<hbm>>
      %dma_start3A_80 = tpu.memref_squeeze %dma_start3A_79 : memref<1x128x64xf32, #tpu.memory_space<hbm>> -> memref<128x64xf32, #tpu.memory_space<hbm>>
      %dma_start3A_81 = arith.constant 0 : i32
      %dma_start3A_82 = arith.constant 0 : i32
      %dma_start3A_83 = tpu.memref_slice %arg8[%dma_start3A_81, %dma_start3A_82] : memref<128x64xf32, #tpu.memory_space<vmem>> -> memref<128x64xf32, #tpu.memory_space<vmem>>
      tpu.enqueue_dma source(%dma_start3A_83 : memref<128x64xf32, #tpu.memory_space<vmem>>) target(%dma_start3A_80 : memref<128x64xf32, #tpu.memory_space<hbm>>) target_semaphore(%run_scoped3A : memref<!tpu.dma_semaphore, #tpu.memory_space<semaphore_mem>>)
      %dma_wait3A = arith.constant 0 : i32
      %dma_wait3A_84 = arith.constant 0 : i32
      %dma_wait3A_85 = tpu.memref_slice %arg8[%dma_wait3A, %dma_wait3A_84] : memref<128x64xf32, #tpu.memory_space<vmem>> -> memref<128x64xf32, #tpu.memory_space<vmem>>
      %dma_wait3A_86 = arith.constant 0 : i32
      %dma_wait3A_87 = tpu.memref_slice %arg5[%arg0, %add3A_72, %dma_wait3A_86] : memref<2x10240x64xf32, #tpu.memory_space<hbm>> -> memref<1x128x64xf32, #tpu.memory_space<hbm>>
      %dma_wait3A_88 = tpu.memref_squeeze %dma_wait3A_87 : memref<1x128x64xf32, #tpu.memory_space<hbm>> -> memref<128x64xf32, #tpu.memory_space<hbm>>
      %dma_wait3A_89 = arith.constant 0 : i32
      %dma_wait3A_90 = tpu.memref_slice %arg5[%arg0, %add3A_72, %dma_wait3A_89] : memref<2x10240x64xf32, #tpu.memory_space<hbm>> -> memref<1x128x64xf32, #tpu.memory_space<hbm>>
      %dma_wait3A_91 = tpu.memref_squeeze %dma_wait3A_90 : memref<1x128x64xf32, #tpu.memory_space<hbm>> -> memref<128x64xf32, #tpu.memory_space<hbm>>
      %dma_wait3A_92 = arith.constant 0 : i32
      %dma_wait3A_93 = arith.constant 0 : i32
      %dma_wait3A_94 = tpu.memref_slice %arg8[%dma_wait3A_92, %dma_wait3A_93] : memref<128x64xf32, #tpu.memory_space<vmem>> -> memref<128x64xf32, #tpu.memory_space<vmem>>
      tpu.wait_dma2 semaphore(%run_scoped3A : memref<!tpu.dma_semaphore, #tpu.memory_space<semaphore_mem>>) src(%dma_wait3A_94 : memref<128x64xf32, #tpu.memory_space<vmem>>) dst(%dma_wait3A_91 : memref<128x64xf32, #tpu.memory_space<hbm>>)
      tpu.yield
    }) : () -> ()
    return
  }
}

module attributes {stable_mosaic.version = 14 : i64} {
  func.func @_k1_body(%arg0: i32, %arg1: memref<1280x128xf32, #tpu.memory_space<vmem>>, %arg2: memref<128x128xf32, #tpu.memory_space<vmem>>, %arg3: memref<2x1280x1xf32, #tpu.memory_space<vmem>>, %arg4: memref<2x1280x64xf32, #tpu.memory_space<vmem>>) attributes {dimension_semantics = [#tpu.dimension_semantics<arbitrary>], iteration_bounds = array<i64: 8>, scalar_prefetch = 0 : i64, scratch_operands = 0 : i64, tpu.core_type = #tpu.core_type<tc>, window_params = [{transform_indices = @transform_0, window_bounds = array<i64: 1280, 128>}, {pipeline_mode = #tpu.pipeline_mode<synchronous>, transform_indices = @transform_1, window_bounds = array<i64: 128, 128>}, {transform_indices = @transform_2, window_bounds = array<i64: 2, 1280, 1>}, {transform_indices = @transform_3, window_bounds = array<i64: 2, 1280, 64>}]} {
    %get3A = arith.constant 0 : index
    %get3A_0 = arith.constant 0 : index
    %get3A_1 = arith.constant 0 : index
    %get3A_2 = vector.load %arg3[%get3A, %get3A_0, %get3A_1] : memref<2x1280x1xf32, #tpu.memory_space<vmem>>, vector<2x1280x1xf32>
    %slice3A = vector.extract_strided_slice %get3A_2 {offsets = [0, 0, 0], sizes = [1, 1280, 1], strides = [1, 1, 1]} : vector<2x1280x1xf32> to vector<1x1280x1xf32>
    %squeeze3A = vector.shape_cast %slice3A : vector<1x1280x1xf32> to vector<1280x1xf32>
    %slice3A_3 = vector.extract_strided_slice %get3A_2 {offsets = [1, 0, 0], sizes = [1, 1280, 1], strides = [1, 1, 1]} : vector<2x1280x1xf32> to vector<1x1280x1xf32>
    %squeeze3A_4 = vector.shape_cast %slice3A_3 : vector<1x1280x1xf32> to vector<1280x1xf32>
    %add3A = arith.addf %squeeze3A, %squeeze3A_4 : vector<1280x1xf32>
    %max3A = arith.constant 1.000000e+00 : f32
    %max3A_5 = vector.broadcast %max3A : f32 to vector<1280x1xf32>
    %max3A_6 = arith.maximumf %add3A, %max3A_5 : vector<1280x1xf32>
    %rsqrt3A = math.rsqrt %max3A_6 : vector<1280x1xf32>
    %get3A_7 = arith.constant 0 : index
    %get3A_8 = arith.constant 0 : index
    %get3A_9 = vector.load %arg1[%get3A_7, %get3A_8] : memref<1280x128xf32, #tpu.memory_space<vmem>>, vector<1280x128xf32>
    %get3A_10 = arith.constant 0 : index
    %get3A_11 = arith.constant 0 : index
    %get3A_12 = vector.load %arg2[%get3A_10, %get3A_11] : memref<128x128xf32, #tpu.memory_space<vmem>>, vector<128x128xf32>
    %dot_general3A = arith.constant dense<0.000000e+00> : vector<1280x128xf32>
    %dot_general3A_13 = tpu.matmul %get3A_9, %get3A_12, %dot_general3A {dimension_numbers = #tpu.dot_dimension_numbers<[1], [0], [0], [1], [0, 0, 1, 1], [], []>, transpose_lhs_hint = false} : vector<1280x128xf32>, vector<128x128xf32>, vector<1280x128xf32> -> vector<1280x128xf32>
    %mul3A = vector.broadcast %rsqrt3A : vector<1280x1xf32> to vector<1280x128xf32>
    %mul3A_14 = arith.mulf %dot_general3A_13, %mul3A : vector<1280x128xf32>
    %slice3A_15 = vector.extract_strided_slice %mul3A_14 {offsets = [0, 0], sizes = [1280, 64], strides = [1, 1]} : vector<1280x128xf32> to vector<1280x64xf32>
    %swap3A = arith.constant 0 : index
    %swap3A_16 = arith.constant 0 : index
    %swap3A_17 = arith.constant 0 : index
    %swap3A_18 = vector.load %arg4[%swap3A, %swap3A_16, %swap3A_17] : memref<2x1280x64xf32, #tpu.memory_space<vmem>>, vector<1x1280x64xf32>
    %swap3A_19 = vector.shape_cast %swap3A_18 : vector<1x1280x64xf32> to vector<1280x64xf32>
    %swap3A_20 = vector.shape_cast %slice3A_15 : vector<1280x64xf32> to vector<1x1280x64xf32>
    tpu.vector_store %arg4[%swap3A, %swap3A_16, %swap3A_17], %swap3A_20 {strides = array<i32>} : memref<2x1280x64xf32, #tpu.memory_space<vmem>>, vector<1x1280x64xf32>,
    %slice3A_21 = vector.extract_strided_slice %mul3A_14 {offsets = [0, 64], sizes = [1280, 64], strides = [1, 1]} : vector<1280x128xf32> to vector<1280x64xf32>
    %swap3A_22 = arith.constant 1 : index
    %swap3A_23 = arith.constant 0 : index
    %swap3A_24 = arith.constant 0 : index
    %swap3A_25 = vector.load %arg4[%swap3A_22, %swap3A_23, %swap3A_24] : memref<2x1280x64xf32, #tpu.memory_space<vmem>>, vector<1x1280x64xf32>
    %swap3A_26 = vector.shape_cast %swap3A_25 : vector<1x1280x64xf32> to vector<1280x64xf32>
    %swap3A_27 = vector.shape_cast %slice3A_21 : vector<1280x64xf32> to vector<1x1280x64xf32>
    tpu.vector_store %arg4[%swap3A_22, %swap3A_23, %swap3A_24], %swap3A_27 {strides = array<i32>} : memref<2x1280x64xf32, #tpu.memory_space<vmem>>, vector<1x1280x64xf32>,
    return
  }
  func.func @transform_0(%arg0: i32) -> (i32, i32) {
    %c0_i32 = arith.constant 0 : i32
    %c0_i32_0 = arith.constant 0 : i32
    return %arg0, %c0_i32 : i32, i32
  }
  func.func @transform_1(%arg0: i32) -> (i32, i32) {
    %c0_i32 = arith.constant 0 : i32
    %c0_i32_0 = arith.constant 0 : i32
    %c0_i32_1 = arith.constant 0 : i32
    return %c0_i32, %c0_i32_0 : i32, i32
  }
  func.func @transform_2(%arg0: i32) -> (i32, i32, i32) {
    %c0_i32 = arith.constant 0 : i32
    %c0_i32_0 = arith.constant 0 : i32
    %c0_i32_1 = arith.constant 0 : i32
    return %c0_i32, %arg0, %c0_i32_0 : i32, i32, i32
  }
  func.func @transform_3(%arg0: i32) -> (i32, i32, i32) {
    %c0_i32 = arith.constant 0 : i32
    %c0_i32_0 = arith.constant 0 : i32
    %c0_i32_1 = arith.constant 0 : i32
    return %c0_i32, %arg0, %c0_i32_0 : i32, i32, i32
  }
}

module attributes {stable_mosaic.version = 14 : i64} {
  func.func @_k2_body(%arg0: i32, %arg1: memref<2x1280x64xf32, #tpu.memory_space<vmem>>, %arg2: memref<2x1280x1xf32, #tpu.memory_space<vmem>>, %arg3: memref<1x128xf32, #tpu.memory_space<vmem>>, %arg4: memref<128x128xf32, #tpu.memory_space<vmem>>, %arg5: memref<2x1280x64xf32, #tpu.memory_space<vmem>>) attributes {dimension_semantics = [#tpu.dimension_semantics<arbitrary>], iteration_bounds = array<i64: 8>, scalar_prefetch = 0 : i64, scratch_operands = 0 : i64, tpu.core_type = #tpu.core_type<tc>, window_params = [{transform_indices = @transform_0, window_bounds = array<i64: 2, 1280, 64>}, {transform_indices = @transform_1, window_bounds = array<i64: 2, 1280, 1>}, {pipeline_mode = #tpu.pipeline_mode<synchronous>, transform_indices = @transform_2, window_bounds = array<i64: 1, 128>}, {pipeline_mode = #tpu.pipeline_mode<synchronous>, transform_indices = @transform_3, window_bounds = array<i64: 128, 128>}, {transform_indices = @transform_4, window_bounds = array<i64: 2, 1280, 64>}]} {
    %get3A = arith.constant 0 : index
    %get3A_0 = arith.constant 0 : index
    %get3A_1 = arith.constant 0 : index
    %get3A_2 = vector.load %arg2[%get3A, %get3A_0, %get3A_1] : memref<2x1280x1xf32, #tpu.memory_space<vmem>>, vector<2x1280x1xf32>
    %slice3A = vector.extract_strided_slice %get3A_2 {offsets = [0, 0, 0], sizes = [1, 1280, 1], strides = [1, 1, 1]} : vector<2x1280x1xf32> to vector<1x1280x1xf32>
    %squeeze3A = vector.shape_cast %slice3A : vector<1x1280x1xf32> to vector<1280x1xf32>
    %slice3A_3 = vector.extract_strided_slice %get3A_2 {offsets = [1, 0, 0], sizes = [1, 1280, 1], strides = [1, 1, 1]} : vector<2x1280x1xf32> to vector<1x1280x1xf32>
    %squeeze3A_4 = vector.shape_cast %slice3A_3 : vector<1x1280x1xf32> to vector<1280x1xf32>
    %add3A = arith.addf %squeeze3A, %squeeze3A_4 : vector<1280x1xf32>
    %max3A = arith.constant 1.000000e+00 : f32
    %max3A_5 = vector.broadcast %max3A : f32 to vector<1280x1xf32>
    %max3A_6 = arith.maximumf %add3A, %max3A_5 : vector<1280x1xf32>
    %rsqrt3A = math.rsqrt %max3A_6 : vector<1280x1xf32>
    %get3A_7 = arith.constant 0 : index
    %get3A_8 = arith.constant 0 : index
    %get3A_9 = arith.constant 0 : index
    %get3A_10 = vector.load %arg1[%get3A_7, %get3A_8, %get3A_9] : memref<2x1280x64xf32, #tpu.memory_space<vmem>>, vector<1x1280x64xf32>
    %get3A_11 = vector.shape_cast %get3A_10 : vector<1x1280x64xf32> to vector<1280x64xf32>
    %get3A_12 = arith.constant 1 : index
    %get3A_13 = arith.constant 0 : index
    %get3A_14 = arith.constant 0 : index
    %get3A_15 = vector.load %arg1[%get3A_12, %get3A_13, %get3A_14] : memref<2x1280x64xf32, #tpu.memory_space<vmem>>, vector<1x1280x64xf32>
    %get3A_16 = vector.shape_cast %get3A_15 : vector<1x1280x64xf32> to vector<1280x64xf32>
    %concatenate3A = tpu.concatenate %get3A_11, %get3A_16 in 1 : vector<1280x64xf32>, vector<1280x64xf32> -> vector<1280x128xf32>
    %mul3A = vector.broadcast %rsqrt3A : vector<1280x1xf32> to vector<1280x128xf32>
    %mul3A_17 = arith.mulf %concatenate3A, %mul3A : vector<1280x128xf32>
    %get3A_18 = arith.constant 0 : index
    %get3A_19 = arith.constant 0 : index
    %get3A_20 = vector.load %arg3[%get3A_18, %get3A_19] : memref<1x128xf32, #tpu.memory_space<vmem>>, vector<1x128xf32>
    %add3A_21 = vector.broadcast %get3A_20 : vector<1x128xf32> to vector<1280x128xf32>
    %add3A_22 = arith.addf %mul3A_17, %add3A_21 : vector<1280x128xf32>
    %max3A_23 = arith.constant 0.000000e+00 : f32
    %max3A_24 = vector.broadcast %max3A_23 : f32 to vector<1280x128xf32>
    %max3A_25 = arith.maximumf %add3A_22, %max3A_24 : vector<1280x128xf32>
    %get3A_26 = arith.constant 0 : index
    %get3A_27 = arith.constant 0 : index
    %get3A_28 = vector.load %arg4[%get3A_26, %get3A_27] : memref<128x128xf32, #tpu.memory_space<vmem>>, vector<128x128xf32>
    %dot_general3A = arith.constant dense<0.000000e+00> : vector<1280x128xf32>
    %dot_general3A_29 = tpu.matmul %max3A_25, %get3A_28, %dot_general3A {dimension_numbers = #tpu.dot_dimension_numbers<[1], [0], [0], [1], [0, 0, 1, 1], [], []>, transpose_lhs_hint = false} : vector<1280x128xf32>, vector<128x128xf32>, vector<1280x128xf32> -> vector<1280x128xf32>
    %mul3A_30 = vector.broadcast %rsqrt3A : vector<1280x1xf32> to vector<1280x128xf32>
    %mul3A_31 = arith.mulf %dot_general3A_29, %mul3A_30 : vector<1280x128xf32>
    %mul3A_32 = arith.constant 1280 : i32
    %mul3A_33 = arith.muli %arg0, %mul3A_32 : i32
    %iota3A = tpu.iota {dimensions = array<i32: 0>} : vector<1280x1xi32>
    %add3A_34 = vector.broadcast %mul3A_33 : i32 to vector<1280x1xi32>
    %add3A_35 = arith.addi %add3A_34, %iota3A : vector<1280x1xi32>
    %lt3A = arith.constant 10000 : i32
    %lt3A_36 = vector.broadcast %lt3A : i32 to vector<1280x1xi32>
    %lt3A_37 = arith.cmpi slt, %add3A_35, %lt3A_36 : vector<1280x1xi32>
    %jit3A = arith.constant 0.000000e+00 : f32
    %broadcast_in_dim3A = vector.shape_cast %lt3A_37 : vector<1280x1xi1> to vector<1280x1xi1>
    %broadcast_in_dim3A_38 = vector.broadcast %broadcast_in_dim3A : vector<1280x1xi1> to vector<1280x128xi1>
    %broadcast_in_dim3A_39 = vector.broadcast %jit3A : f32 to vector<1280x128xf32>
    %select_n3A = arith.select %broadcast_in_dim3A_38, %mul3A_31, %broadcast_in_dim3A_39 : vector<1280x128xi1>, vector<1280x128xf32>
    %slice3A_40 = vector.extract_strided_slice %select_n3A {offsets = [0, 0], sizes = [1280, 64], strides = [1, 1]} : vector<1280x128xf32> to vector<1280x64xf32>
    %swap3A = arith.constant 0 : index
    %swap3A_41 = arith.constant 0 : index
    %swap3A_42 = arith.constant 0 : index
    %swap3A_43 = vector.load %arg5[%swap3A, %swap3A_41, %swap3A_42] : memref<2x1280x64xf32, #tpu.memory_space<vmem>>, vector<1x1280x64xf32>
    %swap3A_44 = vector.shape_cast %swap3A_43 : vector<1x1280x64xf32> to vector<1280x64xf32>
    %swap3A_45 = vector.shape_cast %slice3A_40 : vector<1280x64xf32> to vector<1x1280x64xf32>
    tpu.vector_store %arg5[%swap3A, %swap3A_41, %swap3A_42], %swap3A_45 {strides = array<i32>} : memref<2x1280x64xf32, #tpu.memory_space<vmem>>, vector<1x1280x64xf32>,
    %slice3A_46 = vector.extract_strided_slice %select_n3A {offsets = [0, 64], sizes = [1280, 64], strides = [1, 1]} : vector<1280x128xf32> to vector<1280x64xf32>
    %swap3A_47 = arith.constant 1 : index
    %swap3A_48 = arith.constant 0 : index
    %swap3A_49 = arith.constant 0 : index
    %swap3A_50 = vector.load %arg5[%swap3A_47, %swap3A_48, %swap3A_49] : memref<2x1280x64xf32, #tpu.memory_space<vmem>>, vector<1x1280x64xf32>
    %swap3A_51 = vector.shape_cast %swap3A_50 : vector<1x1280x64xf32> to vector<1280x64xf32>
    %swap3A_52 = vector.shape_cast %slice3A_46 : vector<1280x64xf32> to vector<1x1280x64xf32>
    tpu.vector_store %arg5[%swap3A_47, %swap3A_48, %swap3A_49], %swap3A_52 {strides = array<i32>} : memref<2x1280x64xf32, #tpu.memory_space<vmem>>, vector<1x1280x64xf32>,
    return
  }
  func.func @transform_0(%arg0: i32) -> (i32, i32, i32) {
    %c0_i32 = arith.constant 0 : i32
    %c0_i32_0 = arith.constant 0 : i32
    %c0_i32_1 = arith.constant 0 : i32
    return %c0_i32, %arg0, %c0_i32_0 : i32, i32, i32
  }
  func.func @transform_1(%arg0: i32) -> (i32, i32, i32) {
    %c0_i32 = arith.constant 0 : i32
    %c0_i32_0 = arith.constant 0 : i32
    %c0_i32_1 = arith.constant 0 : i32
    return %c0_i32, %arg0, %c0_i32_0 : i32, i32, i32
  }
  func.func @transform_2(%arg0: i32) -> (i32, i32) {
    %c0_i32 = arith.constant 0 : i32
    %c0_i32_0 = arith.constant 0 : i32
    %c0_i32_1 = arith.constant 0 : i32
    return %c0_i32, %c0_i32_0 : i32, i32
  }
  func.func @transform_3(%arg0: i32) -> (i32, i32) {
    %c0_i32 = arith.constant 0 : i32
    %c0_i32_0 = arith.constant 0 : i32
    %c0_i32_1 = arith.constant 0 : i32
    return %c0_i32, %c0_i32_0 : i32, i32
  }
  func.func @transform_4(%arg0: i32) -> (i32, i32, i32) {
    %c0_i32 = arith.constant 0 : i32
    %c0_i32_0 = arith.constant 0 : i32
    %c0_i32_1 = arith.constant 0 : i32
    return %c0_i32, %arg0, %c0_i32_0 : i32, i32, i32
  }
}

module attributes {stable_mosaic.version = 14 : i64} {
  func.func @_k3_body(%arg0: i32, %arg1: memref<2x1280x64xf32, #tpu.memory_space<vmem>>, %arg2: memref<2x1280x1xf32, #tpu.memory_space<vmem>>, %arg3: memref<1x128xf32, #tpu.memory_space<vmem>>, %arg4: memref<128x768xf32, #tpu.memory_space<vmem>>, %arg5: memref<1x768xf32, #tpu.memory_space<vmem>>, %arg6: memref<128x16xf32, #tpu.memory_space<vmem>>, %arg7: memref<1x16xf32, #tpu.memory_space<vmem>>, %arg8: memref<1280x256xf32, #tpu.memory_space<vmem>>, %arg9: memref<1280x256xf32, #tpu.memory_space<vmem>>, %arg10: memref<1280x256xf32, #tpu.memory_space<vmem>>, %arg11: memref<1x16xf32, #tpu.memory_space<vmem>>, %arg12: memref<1x128xf32, #tpu.memory_space<vmem>>) attributes {dimension_semantics = [#tpu.dimension_semantics<arbitrary>], iteration_bounds = array<i64: 8>, scalar_prefetch = 0 : i64, scratch_operands = 1 : i64, tpu.core_type = #tpu.core_type<tc>, window_params = [{transform_indices = @transform_0, window_bounds = array<i64: 2, 1280, 64>}, {transform_indices = @transform_1, window_bounds = array<i64: 2, 1280, 1>}, {pipeline_mode = #tpu.pipeline_mode<synchronous>, transform_indices = @transform_2, window_bounds = array<i64: 1, 128>}, {pipeline_mode = #tpu.pipeline_mode<synchronous>, transform_indices = @transform_3, window_bounds = array<i64: 128, 768>}, {pipeline_mode = #tpu.pipeline_mode<synchronous>, transform_indices = @transform_4, window_bounds = array<i64: 1, 768>}, {pipeline_mode = #tpu.pipeline_mode<synchronous>, transform_indices = @transform_5, window_bounds = array<i64: 128, 16>}, {pipeline_mode = #tpu.pipeline_mode<synchronous>, transform_indices = @transform_6, window_bounds = array<i64: 1, 16>}, {transform_indices = @transform_7, window_bounds = array<i64: 1280, 256>}, {transform_indices = @transform_8, window_bounds = array<i64: 1280, 256>}, {transform_indices = @transform_9, window_bounds = array<i64: 1280, 256>}, {pipeline_mode = #tpu.pipeline_mode<synchronous>, transform_indices = @transform_10, window_bounds = array<i64: 1, 16>}]} {
    %get3A = arith.constant 0 : index
    %get3A_0 = arith.constant 0 : index
    %get3A_1 = arith.constant 0 : index
    %get3A_2 = vector.load %arg2[%get3A, %get3A_0, %get3A_1] : memref<2x1280x1xf32, #tpu.memory_space<vmem>>, vector<2x1280x1xf32>
    %slice3A = vector.extract_strided_slice %get3A_2 {offsets = [0, 0, 0], sizes = [1, 1280, 1], strides = [1, 1, 1]} : vector<2x1280x1xf32> to vector<1x1280x1xf32>
    %squeeze3A = vector.shape_cast %slice3A : vector<1x1280x1xf32> to vector<1280x1xf32>
    %slice3A_3 = vector.extract_strided_slice %get3A_2 {offsets = [1, 0, 0], sizes = [1, 1280, 1], strides = [1, 1, 1]} : vector<2x1280x1xf32> to vector<1x1280x1xf32>
    %squeeze3A_4 = vector.shape_cast %slice3A_3 : vector<1x1280x1xf32> to vector<1280x1xf32>
    %add3A = arith.addf %squeeze3A, %squeeze3A_4 : vector<1280x1xf32>
    %max3A = arith.constant 1.000000e+00 : f32
    %max3A_5 = vector.broadcast %max3A : f32 to vector<1280x1xf32>
    %max3A_6 = arith.maximumf %add3A, %max3A_5 : vector<1280x1xf32>
    %rsqrt3A = math.rsqrt %max3A_6 : vector<1280x1xf32>
    %get3A_7 = arith.constant 0 : index
    %get3A_8 = arith.constant 0 : index
    %get3A_9 = arith.constant 0 : index
    %get3A_10 = vector.load %arg1[%get3A_7, %get3A_8, %get3A_9] : memref<2x1280x64xf32, #tpu.memory_space<vmem>>, vector<1x1280x64xf32>
    %get3A_11 = vector.shape_cast %get3A_10 : vector<1x1280x64xf32> to vector<1280x64xf32>
    %get3A_12 = arith.constant 1 : index
    %get3A_13 = arith.constant 0 : index
    %get3A_14 = arith.constant 0 : index
    %get3A_15 = vector.load %arg1[%get3A_12, %get3A_13, %get3A_14] : memref<2x1280x64xf32, #tpu.memory_space<vmem>>, vector<1x1280x64xf32>
    %get3A_16 = vector.shape_cast %get3A_15 : vector<1x1280x64xf32> to vector<1280x64xf32>
    %concatenate3A = tpu.concatenate %get3A_11, %get3A_16 in 1 : vector<1280x64xf32>, vector<1280x64xf32> -> vector<1280x128xf32>
    %mul3A = vector.broadcast %rsqrt3A : vector<1280x1xf32> to vector<1280x128xf32>
    %mul3A_17 = arith.mulf %concatenate3A, %mul3A : vector<1280x128xf32>
    %get3A_18 = arith.constant 0 : index
    %get3A_19 = arith.constant 0 : index
    %get3A_20 = vector.load %arg3[%get3A_18, %get3A_19] : memref<1x128xf32, #tpu.memory_space<vmem>>, vector<1x128xf32>
    %add3A_21 = vector.broadcast %get3A_20 : vector<1x128xf32> to vector<1280x128xf32>
    %add3A_22 = arith.addf %mul3A_17, %add3A_21 : vector<1280x128xf32>
    %max3A_23 = arith.constant 0.000000e+00 : f32
    %max3A_24 = vector.broadcast %max3A_23 : f32 to vector<1280x128xf32>
    %max3A_25 = arith.maximumf %add3A_22, %max3A_24 : vector<1280x128xf32>
    %mul3A_26 = arith.constant 1280 : i32
    %mul3A_27 = arith.muli %arg0, %mul3A_26 : i32
    %iota3A = tpu.iota {dimensions = array<i32: 0>} : vector<1280x1xi32>
    %add3A_28 = vector.broadcast %mul3A_27 : i32 to vector<1280x1xi32>
    %add3A_29 = arith.addi %add3A_28, %iota3A : vector<1280x1xi32>
    %lt3A = arith.constant 10000 : i32
    %lt3A_30 = vector.broadcast %lt3A : i32 to vector<1280x1xi32>
    %lt3A_31 = arith.cmpi slt, %add3A_29, %lt3A_30 : vector<1280x1xi32>
    %jit3A = arith.constant 0.000000e+00 : f32
    %broadcast_in_dim3A = vector.shape_cast %lt3A_31 : vector<1280x1xi1> to vector<1280x1xi1>
    %broadcast_in_dim3A_32 = vector.broadcast %broadcast_in_dim3A : vector<1280x1xi1> to vector<1280x128xi1>
    %broadcast_in_dim3A_33 = vector.broadcast %jit3A : f32 to vector<1280x128xf32>
    %select_n3A = arith.select %broadcast_in_dim3A_32, %max3A_25, %broadcast_in_dim3A_33 : vector<1280x128xi1>, vector<1280x128xf32>
    %eq3A = arith.constant 0 : i32
    %eq3A_34 = arith.cmpi eq, %arg0, %eq3A : i32
    %convert_element_type3A = arith.extui %eq3A_34 : i1 to i32
    %cond3A = arith.constant 0 : i32
    %cond3A_35 = arith.cmpi ne, %convert_element_type3A, %cond3A : i32
    scf.if %cond3A_35 {
      %broadcast_in_dim3A_70 = arith.constant 0.000000e+00 : f32
      %broadcast_in_dim3A_71 = vector.broadcast %broadcast_in_dim3A_70 : f32 to vector<1x128xf32>
      %swap3A_72 = arith.constant 0 : index
      %swap3A_73 = arith.constant 0 : index
      %swap3A_74 = vector.load %arg12[%swap3A_72, %swap3A_73] : memref<1x128xf32, #tpu.memory_space<vmem>>, vector<1x128xf32>
      tpu.vector_store %arg12[%swap3A_72, %swap3A_73], %broadcast_in_dim3A_71 {strides = array<i32>} : memref<1x128xf32, #tpu.memory_space<vmem>>, vector<1x128xf32>,
    } else {
    }
    %get3A_36 = arith.constant 0 : index
    %get3A_37 = arith.constant 0 : index
    %get3A_38 = vector.load %arg12[%get3A_36, %get3A_37] : memref<1x128xf32, #tpu.memory_space<vmem>>, vector<1x128xf32>
    %reduce_sum3A = arith.constant dense<0.000000e+00> : vector<128xf32>
    %reduce_sum3A_39 = vector.multi_reduction <add>, %select_n3A, %reduce_sum3A [0] : vector<1280x128xf32> to vector<128xf32>
    %broadcast_in_dim3A_40 = vector.shape_cast %reduce_sum3A_39 : vector<128xf32> to vector<1x128xf32>
    %add3A_41 = arith.addf %get3A_38, %broadcast_in_dim3A_40 : vector<1x128xf32>
    %swap3A = arith.constant 0 : index
    %swap3A_42 = arith.constant 0 : index
    %swap3A_43 = vector.load %arg12[%swap3A, %swap3A_42] : memref<1x128xf32, #tpu.memory_space<vmem>>, vector<1x128xf32>
    tpu.vector_store %arg12[%swap3A, %swap3A_42], %add3A_41 {strides = array<i32>} : memref<1x128xf32, #tpu.memory_space<vmem>>, vector<1x128xf32>,
    %get3A_44 = arith.constant 0 : index
    %get3A_45 = arith.constant 0 : index
    %get3A_46 = vector.load %arg4[%get3A_44, %get3A_45] : memref<128x768xf32, #tpu.memory_space<vmem>>, vector<128x768xf32>
    %dot_general3A = arith.constant dense<0.000000e+00> : vector<1280x768xf32>
    %dot_general3A_47 = tpu.matmul %max3A_25, %get3A_46, %dot_general3A {dimension_numbers = #tpu.dot_dimension_numbers<[1], [0], [0], [1], [0, 0, 1, 1], [], []>, transpose_lhs_hint = false} : vector<1280x128xf32>, vector<128x768xf32>, vector<1280x768xf32> -> vector<1280x768xf32>
    %get3A_48 = arith.constant 0 : index
    %get3A_49 = arith.constant 0 : index
    %get3A_50 = vector.load %arg5[%get3A_48, %get3A_49] : memref<1x768xf32, #tpu.memory_space<vmem>>, vector<1x768xf32>
    %add3A_51 = vector.broadcast %get3A_50 : vector<1x768xf32> to vector<1280x768xf32>
    %add3A_52 = arith.addf %dot_general3A_47, %add3A_51 : vector<1280x768xf32>
    %slice3A_53 = vector.extract_strided_slice %add3A_52 {offsets = [0, 0], sizes = [1280, 256], strides = [1, 1]} : vector<1280x768xf32> to vector<1280x256xf32>
    %swap3A_54 = arith.constant 0 : index
    %swap3A_55 = arith.constant 0 : index
    %swap3A_56 = vector.load %arg8[%swap3A_54, %swap3A_55] : memref<1280x256xf32, #tpu.memory_space<vmem>>, vector<1280x256xf32>
    tpu.vector_store %arg8[%swap3A_54, %swap3A_55], %slice3A_53 {strides = array<i32>} : memref<1280x256xf32, #tpu.memory_space<vmem>>, vector<1280x256xf32>,
    %slice3A_57 = vector.extract_strided_slice %add3A_52 {offsets = [0, 256], sizes = [1280, 256], strides = [1, 1]} : vector<1280x768xf32> to vector<1280x256xf32>
    %swap3A_58 = arith.constant 0 : index
    %swap3A_59 = arith.constant 0 : index
    %swap3A_60 = vector.load %arg9[%swap3A_58, %swap3A_59] : memref<1280x256xf32, #tpu.memory_space<vmem>>, vector<1280x256xf32>
    tpu.vector_store %arg9[%swap3A_58, %swap3A_59], %slice3A_57 {strides = array<i32>} : memref<1280x256xf32, #tpu.memory_space<vmem>>, vector<1280x256xf32>,
    %slice3A_61 = vector.extract_strided_slice %add3A_52 {offsets = [0, 512], sizes = [1280, 256], strides = [1, 1]} : vector<1280x768xf32> to vector<1280x256xf32>
    %swap3A_62 = arith.constant 0 : index
    %swap3A_63 = arith.constant 0 : index
    %swap3A_64 = vector.load %arg10[%swap3A_62, %swap3A_63] : memref<1280x256xf32, #tpu.memory_space<vmem>>, vector<1280x256xf32>
    tpu.vector_store %arg10[%swap3A_62, %swap3A_63], %slice3A_61 {strides = array<i32>} : memref<1280x256xf32, #tpu.memory_space<vmem>>, vector<1280x256xf32>,
    %eq3A_65 = arith.constant 7 : i32
    %eq3A_66 = arith.cmpi eq, %arg0, %eq3A_65 : i32
    %convert_element_type3A_67 = arith.extui %eq3A_66 : i1 to i32
    %cond3A_68 = arith.constant 0 : i32
    %cond3A_69 = arith.cmpi ne, %convert_element_type3A_67, %cond3A_68 : i32
    scf.if %cond3A_69 {
      %get3A_70 = arith.constant 0 : index
      %get3A_71 = arith.constant 0 : index
      %get3A_72 = vector.load %arg12[%get3A_70, %get3A_71] : memref<1x128xf32, #tpu.memory_space<vmem>>, vector<1x128xf32>
      %mul3A_73 = arith.constant 9.99999974E-5 : f32
      %mul3A_74 = vector.broadcast %mul3A_73 : f32 to vector<1x128xf32>
      %mul3A_75 = arith.mulf %get3A_72, %mul3A_74 : vector<1x128xf32>
      %get3A_76 = arith.constant 0 : index
      %get3A_77 = arith.constant 0 : index
      %get3A_78 = vector.load %arg6[%get3A_76, %get3A_77] : memref<128x16xf32, #tpu.memory_space<vmem>>, vector<128x16xf32>
      %dot_general3A_79 = arith.constant dense<0.000000e+00> : vector<1x16xf32>
      %dot_general3A_80 = tpu.matmul %mul3A_75, %get3A_78, %dot_general3A_79 {dimension_numbers = #tpu.dot_dimension_numbers<[1], [0], [0], [1], [0, 0, 1, 1], [], []>, transpose_lhs_hint = false} : vector<1x128xf32>, vector<128x16xf32>, vector<1x16xf32> -> vector<1x16xf32>
      %get3A_81 = arith.constant 0 : index
      %get3A_82 = arith.constant 0 : index
      %get3A_83 = vector.load %arg7[%get3A_81, %get3A_82] : memref<1x16xf32, #tpu.memory_space<vmem>>, vector<1x16xf32>
      %add3A_84 = arith.addf %dot_general3A_80, %get3A_83 : vector<1x16xf32>
      %swap3A_85 = arith.constant 0 : index
      %swap3A_86 = arith.constant 0 : index
      %swap3A_87 = vector.load %arg11[%swap3A_85, %swap3A_86] : memref<1x16xf32, #tpu.memory_space<vmem>>, vector<1x16xf32>
      tpu.vector_store %arg11[%swap3A_85, %swap3A_86], %add3A_84 {strides = array<i32>} : memref<1x16xf32, #tpu.memory_space<vmem>>, vector<1x16xf32>,
    } else {
    }
    return
  }
  func.func @transform_0(%arg0: i32) -> (i32, i32, i32) {
    %c0_i32 = arith.constant 0 : i32
    %c0_i32_0 = arith.constant 0 : i32
    %c0_i32_1 = arith.constant 0 : i32
    return %c0_i32, %arg0, %c0_i32_0 : i32, i32, i32
  }
  func.func @transform_1(%arg0: i32) -> (i32, i32, i32) {
    %c0_i32 = arith.constant 0 : i32
    %c0_i32_0 = arith.constant 0 : i32
    %c0_i32_1 = arith.constant 0 : i32
    return %c0_i32, %arg0, %c0_i32_0 : i32, i32, i32
  }
  func.func @transform_2(%arg0: i32) -> (i32, i32) {
    %c0_i32 = arith.constant 0 : i32
    %c0_i32_0 = arith.constant 0 : i32
    %c0_i32_1 = arith.constant 0 : i32
    return %c0_i32, %c0_i32_0 : i32, i32
  }
  func.func @transform_3(%arg0: i32) -> (i32, i32) {
    %c0_i32 = arith.constant 0 : i32
    %c0_i32_0 = arith.constant 0 : i32
    %c0_i32_1 = arith.constant 0 : i32
    return %c0_i32, %c0_i32_0 : i32, i32
  }
  func.func @transform_4(%arg0: i32) -> (i32, i32) {
    %c0_i32 = arith.constant 0 : i32
    %c0_i32_0 = arith.constant 0 : i32
    %c0_i32_1 = arith.constant 0 : i32
    return %c0_i32, %c0_i32_0 : i32, i32
  }
  func.func @transform_5(%arg0: i32) -> (i32, i32) {
    %c0_i32 = arith.constant 0 : i32
    %c0_i32_0 = arith.constant 0 : i32
    %c0_i32_1 = arith.constant 0 : i32
    return %c0_i32, %c0_i32_0 : i32, i32
  }
  func.func @transform_6(%arg0: i32) -> (i32, i32) {
    %c0_i32 = arith.constant 0 : i32
    %c0_i32_0 = arith.constant 0 : i32
    %c0_i32_1 = arith.constant 0 : i32
    return %c0_i32, %c0_i32_0 : i32, i32
  }
  func.func @transform_7(%arg0: i32) -> (i32, i32) {
    %c0_i32 = arith.constant 0 : i32
    %c0_i32_0 = arith.constant 0 : i32
    return %arg0, %c0_i32 : i32, i32
  }
  func.func @transform_8(%arg0: i32) -> (i32, i32) {
    %c0_i32 = arith.constant 0 : i32
    %c0_i32_0 = arith.constant 0 : i32
    return %arg0, %c0_i32 : i32, i32
  }
  func.func @transform_9(%arg0: i32) -> (i32, i32) {
    %c0_i32 = arith.constant 0 : i32
    %c0_i32_0 = arith.constant 0 : i32
    return %arg0, %c0_i32 : i32, i32
  }
  func.func @transform_10(%arg0: i32) -> (i32, i32) {
    %c0_i32 = arith.constant 0 : i32
    %c0_i32_0 = arith.constant 0 : i32
    %c0_i32_1 = arith.constant 0 : i32
    return %c0_i32, %c0_i32_0 : i32, i32
  }
}

</mosaic_0001>

<sc_bundles>
// kernel: kernel.11.cloned.1.call-start
scs
__scs_entry_jumppad:
0x0: {  	(pc) =	sbr.rel $0x88, $3  }
0x1: {  	(tag) =	ssettag $0x0;
	lr =	simm.s32 $0x1  }
0x2: {  	[smem:$0x3F8D] =	sst lr;
	_ =	strace $0xD0000000  }
0x3: {  	_ = 	snop  }
0x4: {  	_ = 	snop  }
0x5: {  	_ = 	snop  }
0x6: {  	_ = 	snop  }
0x7: {  	_ = 	snop  }
__scs_overlays_trampoline_lowered:
0x8: {  	[smem:$0x3F9C] =	sst s0  }
0x9: {  	[smem:$0x3F9D] =	sst s1  }
0xa: {  	[smem:$0x3F9E] =	sst s2  }
0xb: {  	[smem:$0x3F9F] =	sst s3  }
0xc: {  	[smem:$0x3FA0] =	sst s4  }
0xd: {  	[smem:$0x3FA1] =	sst s5  }
0xe: {  	[smem:$0x3FA2] =	sst s6  }
0xf: {  	[smem:$0x3FA3] =	sst s7  }
0x10: {  	[smem:$0x3FA4] =	sst s8  }
0x11: {  	[smem:$0x3FA5] =	sst s9;
	s0 =	simm.s32 @!p0 $0x0  }
0x12: {  	s1 =	sld [smem:$0x3F8B];
	s0 =	simm.s32 @p0 $0x1  }
0x13: {  	[smem:$0x3FA6] =	sst s0;
	s0 =	simm.s32 @!p1 $0x0  }
0x14: {  	s2 =	sld [smem:$0x3F8A];
	s0 =	simm.s32 @p1 $0x1  }
0x15: {  	[smem:$0x3FA7] =	sst s0;
	s0 =	simm.s32 @!p2 $0x0  }
0x16: {  	s3 =	sld [smem:$0x3FDB];
	s0 =	simm.s32 @p2 $0x1  }
0x17: {  	s4 =	simm.s32 $0x1BF5;
	[smem:$0x3FA9] =	sst s0  }
0x18: {  	s0 =	sld [smem:$0x3F8C];
	_ =	swait.ge [sflag:s4], $0x0  }
0x19: {  	s7 =	sld [smem:$0x3F8D]  }
0x1a: {  	s8 =	sadd.s32 $0xFFFFE003, lr  }
0x1b: {  	s9 =	sadd.s32 $0xFFFFFEF7, lr;
	s5 =	simm.s32 $0xFFFFFFFF;
	p2 =	slt.u32 s8, $0xFFFFF086  }
0x1c: {  	p1 =	slt.u32 s9, $0xF7A;
	s5 =	simm.s32 @!p2 $0x0  }
0x1d: {  	s5 =	simm.s32 @p1 $0x1;
	p0 =	seq.s32 s7, s2  }
0x1e: {  	s7 =	smul.u32 @!p0 $0xF7A, s2;
	p2 =	seq.s32 @!p0 s5, $0x0  }
0x1f: {  	s9 =	smul.u32 $0xF7A, s1;
	s8 =	simm.s32 @!p0 $0x1BF5;
	p2 =	por !p2, p0  }
0x20: {  	[sflag:s8] =	ssyncset.s32 @!p0 $0xFFFFF086;
	s6 =	sadd.s32 @!p0 s3, s7;
	s7 =	simm.s32 @!p0 $0x108  }
0x21: {  	s3 =	sadd.s32 s3, s9;
	s6 =	sadd.s32 @!p0 $0x88, s6;
	s7 =	simm.s32 @p2 $0x1082  }
0x22: {  	[simem:s7], [sflag:s8] =	dma.local @!p0 [hbm:s6], $0xF7A  }
0x23: {  	s9 =	sor.u32 $0xD0000000, s2;
	s6 =	simm.s32 $0x108;
	_ =	swait.ge @!p0 [sflag:s8], $0x0  }
0x24: {  	s3 =	sadd.s32 $0x88, s3;
	s6 =	simm.s32 @!p1 $0x1082;
	[sflag:s4] =	ssyncset.s32 $0xFFFFF086  }
0x25: {  	[simem:s6], [sflag:s4] =	dma.local [hbm:s3], $0xF7A  }
0x26: {  	[smem:$0x3F8D] =	sst s1;
	(tag) =	ssettag s2;
	_ =	strace s9  }
0x27: {  	s1 =	sld [smem:$0x3F9D]  }
0x28: {  	s2 =	sld [smem:$0x3F9E]  }
0x29: {  	s4 =	sld [smem:$0x3FA0]  }
0x2a: {  	p0 =	seq.s32 s5, $0x0;
	s5 =	sld [smem:$0x3FA1]  }
0x2b: {  	s6 =	sld [smem:$0x3FA2]  }
0x2c: {  	s7 =	sld [smem:$0x3FA3]  }
0x2d: {  	s3 =	simm.s32 $0x108;
	s8 =	sld [smem:$0x3FA4]  }
0x2e: {  	s3 =	simm.s32 @!p0 $0x1082;
	s9 =	sld [smem:$0x3FA5]  }
0x2f: {  	lr =	sadd.s32 s0, s3;
	s0 =	sld [smem:$0x3F9C]  }
0x30: {  	s3 =	sld [smem:$0x3F9F]  }
0x31: {  	[smem:$0x3FA8] =	sst s10  }
0x32: {  	s10 =	sld [smem:$0x3FA6];
	_ =	sdelay $0x3  }
0x33: {  	p0 =	seq.s32 s10, $0x1;
	s10 =	sld [smem:$0x3FA8];
	_ =	sdelay $0x3  }
0x34: {  	[smem:$0x3FA8] =	sst s10  }
0x35: {  	s10 =	sld [smem:$0x3FA7];
	_ =	sdelay $0x3  }
0x36: {  	p1 =	seq.s32 s10, $0x1;
	s10 =	sld [smem:$0x3FA8];
	_ =	sdelay $0x3  }
0x37: {  	[smem:$0x3FA8] =	sst s10  }
0x38: {  	s10 =	sld [smem:$0x3FA9]  }
0x39: {  	_ = 	snop;
	(pc) =	sbr.ind lr, $3  }
0x3a: {  	_ = 	snop  }
0x3b: {  	_ = 	snop  }
0x3c: {  	p2 =	seq.s32 s10, $0x1;
	s10 =	sld [smem:$0x3FA8]  }
0x3d: {  	_ =	shalt  }
0x3e: {  	_ =	shalt  }
0x3f: {  	_ =	shalt  }
0x40: {  	_ =	shalt  }
0x41: {  	_ =	shalt  }
0x42: {  	_ =	shalt  }
0x43: {  	_ =	shalt  }
0x44: {  	_ =	shalt  }
0x45: {  	_ =	shalt  }
0x46: {  	_ =	shalt  }
0x47: {  	_ =	shalt  }
0x48: {  	_ =	shalt  }
0x49: {  	_ =	shalt  }
0x4a: {  	_ =	shalt  }
0x4b: {  	_ =	shalt  }
0x4c: {  	_ =	shalt  }
0x4d: {  	_ =	shalt  }
0x4e: {  	_ =	shalt  }
0x4f: {  	_ =	shalt  }
0x50: {  	_ =	shalt  }
0x51: {  	_ =	shalt  }
0x52: {  	_ =	shalt  }
0x53: {  	_ =	shalt  }
0x54: {  	_ =	shalt  }
0x55: {  	_ =	shalt  }
0x56: {  	_ =	shalt  }
0x57: {  	_ =	shalt  }
0x58: {  	_ =	shalt  }
0x59: {  	_ =	shalt  }
0x5a: {  	_ =	shalt  }
0x5b: {  	_ =	shalt  }
0x5c: {  	_ =	shalt  }
0x5d: {  	_ =	shalt  }
0x5e: {  	_ =	shalt  }
0x5f: {  	_ =	shalt  }
0x60: {  	_ =	shalt  }
0x61: {  	_ =	shalt  }
0x62: {  	_ =	shalt  }
0x63: {  	_ =	shalt  }
0x64: {  	_ =	shalt  }
0x65: {  	_ =	shalt  }
0x66: {  	_ =	shalt  }
0x67: {  	_ =	shalt  }
0x68: {  	_ =	shalt  }
0x69: {  	_ =	shalt  }
0x6a: {  	_ =	shalt  }
0x6b: {  	_ =	shalt  }
0x6c: {  	_ =	shalt  }
0x6d: {  	_ =	shalt  }
0x6e: {  	_ =	shalt  }
0x6f: {  	_ =	shalt  }
0x70: {  	_ =	shalt  }
0x71: {  	_ =	shalt  }
0x72: {  	_ =	shalt  }
0x73: {  	_ =	shalt  }
0x74: {  	_ =	shalt  }
0x75: {  	_ =	shalt  }
0x76: {  	_ =	shalt  }
0x77: {  	_ =	shalt  }
0x78: {  	_ =	shalt  }
0x79: {  	_ =	shalt  }
0x7a: {  	_ =	shalt  }
0x7b: {  	_ =	shalt  }
0x7c: {  	_ =	shalt  }
0x7d: {  	_ =	shalt  }
0x7e: {  	_ =	shalt  }
0x7f: {  	_ =	shalt  }
0x80: {  	_ =	shalt  }
0x81: {  	_ =	shalt  }
0x82: {  	_ =	shalt  }
0x83: {  	_ =	shalt  }
0x84: {  	_ =	shalt  }
0x85: {  	_ =	shalt  }
0x86: {  	_ =	shalt  }
0x87: {  	_ =	shalt  }
.Lfunc_end0:
.L_simem_size_0:
called_computation.1_lowered:
.L_overlay_start_0:
0x88: {  	s2 =	sld [smem:$0x3FD9]  }
0x89: {  	s3 =	sld [smem:$0x3FFE];
	_ =	sdelay $0x1  }
0x8a: {  	s1 =	srdreg.scid  }
0x8b: {  	s0 =	sand.u32 $0x1, s1  }
0x8c: {  	s14 =	sshll.u32 s0, $0xA;
	s2 =	sadd.s32 s3, s2  }
0x8d: {  	s2 =	sadd.s32 s2, s14  }
0x8e: {  	[smem:$0x3FB4] =	sst s2  }
0x8f: {  	_ = 	snop  }
0x90: {  	s2 =	sld [smem:$0x3FD0];
	_ =	sdelay $0x2  }
0x91: {  	s15 =	simm.s32 $0xA;
	s4 =	simm.s32 $0x10  }
0x92: {  	[smem:s4], [sflag:s15] =	dma.local [hbm:s2], $0x1  }
0x93: {  	_ =	swait.eq [sflag:s15], $0x1  }
0x94: {  	s16 =	sld [smem:$0x13];
	[sflag:s15] =	ssyncset.done $0x0  }
0x95: {  	s17 =	sld [smem:$0x14];
	[sflag:s15] =	ssyncadd.s32 $0xFFFFFFFF  }
0x96: {  	s18 =	sld [smem:$0x15];
	(tm) =	ssettm $0x1  }
0x97: {  	s5 =	sld [smem:$0x3FFB];
	_ =	sdelay $0x3  }
0x98: {  	_ =	strace s5  }
0x99: {  	s5 =	sld [smem:$0x3FFC];
	_ =	sdelay $0x3  }
0x9a: {  	_ =	strace s5  }
0x9b: {  	s5 =	sld [smem:$0x3FFD];
	_ =	sdelay $0x3  }
0x9c: {  	_ =	strace s5  }
0x9d: {  	_ =	strace $0x8FFFFFFF  }
0x9e: {  	s19 =	sld [smem:$0x3FDB];
	_ =	sdelay $0x1  }
0x9f: {  	s6 =	simm.s32 $_scs_section_size  }
0xa0: {  	s7 =	simm.s32 $_size__tile_overlayer_lowered;
	s8 =	simm.s32 $_tile_overlayer_lowered  }
0xa1: {  	s22 =	simm.s32 $0x1BFF;
	s21 =	sshll.u32 s8, $0x1;
	s5 =	sadd.s32 s6, s19  }
0xa2: {  	s9 =	simm.s32 $0x0;
	s20 =	sshll.u32 s7, $0x1;
	s7 =	sadd.s32 s21, s5  }
0xa3: {  	[timem:s9], [sflag:s22] =	dma.local [hbm:s7], s20  }
0xa4: {  	_ =	swait.ge [sflag:s22], s20  }
0xa5: {  	s6 =	ssub.s32 $0x0, s20;
	[sflag:s22] =	ssyncset.done $0x0  }
0xa6: {  	[sflag:s22] =	ssyncadd.s32 s6;
	_ =	sdelay $0x1  }
0xa7: {  	s23 =	simm.s32 $0x1B8B  }
0xa8: {  	_ =	swait.ge [sflag:s23], $0x1  }
0xa9: {  	[sflag:s23] =	ssyncset.done $0x0  }
0xaa: {  	s25 =	simm.s32 $0x1B8E;
	s24 =	sld [smem:$0x3FFE];
	[sflag:s23] =	ssyncadd.s32 $0xFFFFFFFF  }
0xab: {  	s26 =	simm.s32 $execute0_lowered;
	[smem:$0x3FD2] =	sst s25  }
0xac: {  	s7 =	sshll.u32 s26, $0x1;
	_ =	strace $0x80000049;
	[dreg:$0x1] =	wrdreg $0xFFFFFFFF  }
0xad: {  	s28 =	simm.s32 $_size_execute0_lowered;
	s5 =	sadd.s32 s5, s7;
	[dreg:$0x0] =	wrdreg $0x0  }
0xae: {  	s7 =	sshll.u32 s28, $0x1;
	[dreg:$0x2] =	wrdreg s5  }
0xaf: {  	[dreg:$0x3] =	wrdreg s7  }
0xb0: {  	[dreg:$0x4] =	wrdreg $0xC0  }
0xb1: {  	_ =	task [dreg:s9], $0x5FFFF  }
0xb2: {  	[dreg:$0x1] =	wrdreg $0xFFFFFFFF  }
0xb3: {  	[dreg:$0x0] =	wrdreg $0x60  }
0xb4: {  	[dreg:$0x2] =	wrdreg s18  }
0xb5: {  	[dreg:$0x3] =	wrdreg s24  }
0xb6: {  	[dreg:$0x4] =	wrdreg s16  }
0xb7: {  	[dreg:$0x5] =	wrdreg s17  }
0xb8: {  	[dreg:$0x6] =	wrdreg $0xE2000  }
0xb9: {  	[dreg:$0x7] =	wrdreg $0x9  }
0xba: {  	_ =	task.clear_ibuf [dreg:s9], $0x8FFFF;
	_ =	strace $0x90000049  }
0xbb: {  	s29 =	simm.s32 $0x9;
	_ =	strace $0x8000004B  }
0xbc: {  	_ =	swait.ge [sflag:s29], $0x1  }
0xbd: {  	[sflag:s29] =	ssyncadd.s32 $0xFFFFFFFF  }
0xbe: {  	_ =	strace $0x9000004B  }
0xbf: {  	_ =	sfence  }
0xc0: {  	s30 =	sld [smem:$0x0];
	_ =	sdelay $0x2  }
0xc1: {  	s31 =	sshll.u32 s1, $0xD;
	s1 =	sshrl.u32 s1, $0x2  }
0xc2: {  	s3 =	sand.u32 $0x4000, s31;
	s1 =	sadd.s32 s1, s30  }
0xc3: {  	s0 =	sor.u32 s3, s0;
	s1 =	sshll.u32 s1, $0x11  }
0xc4: {  	s0 =	sor.u32 s1, s0  }
0xc5: {  	s0 =	sadd.s32 $0x8F2B, s0  }
0xc6: {  	[sflag:s0] =	ssyncadd.remote.s32 $0x1  }
0xc7: {  	_ =	sfence.sel $0xFFFF  }
0xc8: {  	[dreg:$0x0] =	wrdreg $0xFFFFFFFF;
	(pc) =	sbr.abs _section_cstart, $3  }
0xc9: {  	[dreg:$0x1] =	wrdreg $0xFFFFFFFF  }
0xca: {  	_ =	task.clear_ibuf [dreg:s9], $0x2FFFF;
	_ =	strace $0x9FFFFFFF  }
0xcb: {  	(tm) =	ssettm $0x7FFFFFFF  }
tec
execute0_lowered:
.L_overlay_start_1:
0x0: {  	(tag) =	ssettag $0x1  }
0x1: {  	s11 =	rddreg [dreg:$0x0]  }
0x2: {  	s4 =	rddreg [dreg:$0x1]  }
0x3: {  	s10 =	rddreg [dreg:$0x2]  }
0x4: {  	s16 =	rddreg [dreg:$0x3]  }
0x5: {  	s2 =	rddreg [dreg:$0x4]  }
0x6: {  	s0 =	rddreg [dreg:$0x5]  }
0x7: {  	s1 =	stileid.u32;
	s5 =	srdreg.scid  }
0x8: {  	s3 =	simm.s32 $0x0;
	s22 =	simm.s32 $0xC200;
	s12 =	smul.u32 $0xA20, s1  }
0x9: {  	s23 =	simm.s32 $0x1;
	s13 =	sand.u32 $0x1, s5;
	s14 =	smul.u32 $0xA000, s1  }
0xa: {  	s24 =	simm.s32 $0x2;
	[smem:$0x7FF] =	sst s3;
	s21 =	smul.u32 $0xA0000, s13  }
0xb: {  	s5 =	ssub.s32 $0x2, s13;
	_ =	strace $0x8000004A;
	s13 =	smul.u32 $0x14000, s13  }
0xc: {  	s9 =	sadd.s32 s12, s4;
	s25 =	sshrl.u32 s5, $0x1;
	s15 =	sadd.s32 $0x2000, s14  }
0xd: {  	s18 =	sadd.s32 $0x4000, s14;
	s4 =	sadd.s32 s14, s2;
	s19 =	sadd.s32 $0x6000, s14  }
0xe: {  	s20 =	sadd.s32 $0x8000, s14;
	s10 =	sadd.s32 s10, s12;
	s17 =	ssub.s32 s5, s25  }
0xf: {  	s5 =	sadd.s32 s15, s2;
	s6 =	sadd.s32 s18, s2;
	s7 =	sadd.s32 s19, s2  }
0x10: {  	s8 =	sadd.s32 s20, s2;
	s9 =	sadd.s32 $0x3C00, s9;
	s14 =	sadd.s32 s14, s21  }
0x11: {  	s15 =	sadd.s32 s21, s15;
	s11 =	sadd.s32 s11, s13;
	s29 =	sadd.s32 s21, s18  }
0x12: {  	s30 =	sadd.s32 s21, s19;
	s31 =	sadd.s32 s21, s20;
	s19 =	simm.s32 $0x3  }
0x13: {  	s20 =	simm.s32 $0x5100;
	s21 =	simm.s32 $0x80;
	s25 =	simm.s32 $0x0  }
0x14: {  	s26 =	sshrl.u32 s14, $0x3;
	s28 =	sshrl.u32 s15, $0x3;
	s14 =	sshrl.u32 s29, $0x3  }
0x15: {  	s15 =	sshrl.u32 s30, $0x3;
	s18 =	sshrl.u32 s31, $0x3;
	s17 =	smax.u32 s17, $0x1  }
0x16: {  	s12 =	sadd.s32 s16, s26;
	s13 =	sadd.s32 s16, s28;
	s14 =	sadd.s32 s16, s14  }
0x17: {  	v0 =	vimm.f32 $0.0e+00;
	s15 =	sadd.s32 s16, s15;
	s16 =	sadd.s32 s16, s18;
	s18 =	simm.s32 $0xA200  }
.LBB2_1:
0x18: {  	s28 =	simm.s32 $0x100;
	s26 =	simm.s32 $0x0  }
.LBB2_2:
0x19: {  	p0 =	sne.s32 s28, $0x7F00;
	[tilespmem:s26+$0xA230] =	vst v0;
	s29 =	smov.u32 s28;
	s28 =	sadd.s32 $0x100, s28  }
.Ltmp0:
0x1a: {  	[tilespmem:s26+$0xA220] =	vst v0;
	(pc) =	sbr.rel @p0 .LBB2_2-.Ltmp0, $3  }
0x1b: {  	[tilespmem:s26+$0xA200] =	vst v0  }
0x1c: {  	[tilespmem:s26+$0xA210] =	vst v0;
	_ =	sdelay $0x1  }
0x1d: {  	s26 =	sshra.s32 s29, $0x2  }
0x1e: {  	[tilespmem:s26+$0xA230] =	vst v0  }
0x1f: {  	[tilespmem:s26+$0xA220] =	vst v0  }
0x20: {  	[tilespmem:s26+$0xA200] =	vst v0  }
0x21: {  	[tilespmem:s26+$0xA210] =	vst v0  }
0x22: {  	[spmem:s4] =	stream.linear.scatter [tilespmem:s18], [sflag:$0x3], $0x2000, $0x38;
	[tilespmem:$0x18200] =	vst v63  }
0x23: {  	_ =	swait.ge [sflag:s19], $0x2000  }
0x24: {  	[sflag:s19] =	ssyncset.done $0x0  }
0x25: {  	[sflag:s19] =	ssyncadd.s32 $0xFFFFE000  }
0x26: {  	[spmem:s5] =	stream.linear.scatter [tilespmem:s18], [sflag:$0x3], $0x2000, $0x38;
	[tilespmem:$0x18200] =	vst v63  }
0x27: {  	_ =	swait.ge [sflag:s19], $0x2000  }
0x28: {  	[sflag:s19] =	ssyncset.done $0x0  }
0x29: {  	[sflag:s19] =	ssyncadd.s32 $0xFFFFE000  }
0x2a: {  	[spmem:s6] =	stream.linear.scatter [tilespmem:s18], [sflag:$0x3], $0x2000, $0x38;
	[tilespmem:$0x18200] =	vst v63  }
0x2b: {  	_ =	swait.ge [sflag:s19], $0x2000  }
0x2c: {  	[sflag:s19] =	ssyncset.done $0x0  }
0x2d: {  	[sflag:s19] =	ssyncadd.s32 $0xFFFFE000  }
0x2e: {  	[spmem:s7] =	stream.linear.scatter [tilespmem:s18], [sflag:$0x3], $0x2000, $0x38;
	[tilespmem:$0x18200] =	vst v63  }
0x2f: {  	_ =	swait.ge [sflag:s19], $0x2000  }
0x30: {  	[sflag:s19] =	ssyncset.done $0x0  }
0x31: {  	[sflag:s19] =	ssyncadd.s32 $0xFFFFE000  }
0x32: {  	[spmem:s8] =	stream.linear.scatter [tilespmem:s18], [sflag:$0x3], $0x2000, $0x38;
	[tilespmem:$0x18200] =	vst v63  }
0x33: {  	_ =	swait.ge [sflag:s19], $0x2000  }
0x34: {  	[sflag:s19] =	ssyncset.done $0x0  }
0x35: {  	s30 =	simm.s32 $0x0;
	[sflag:s19] =	ssyncadd.s32 $0xFFFFE000  }
0x36: {  	[tilespmem:s30], [sflag:$0x3] =	stream.linear.gather [hbm4b:s9+s30], $0x5100, $0x38;
	[tilespmem:$0x18200] =	vst v63  }
0x37: {  	_ =	swait.ge [sflag:s19], $0x5100  }
0x38: {  	[sflag:s19] =	ssyncset.done $0x0  }
0x39: {  	[sflag:s19] =	ssyncadd.s32 $0xFFFFAF00  }
0x3a: {  	[tilespmem:s20], [sflag:$0x3] =	stream.linear.gather [hbm4b:s10+s30], $0x5100, $0x38;
	[tilespmem:$0x18200] =	vst v63  }
0x3b: {  	_ =	swait.ge [sflag:s19], $0x5100  }
0x3c: {  	[sflag:s19] =	ssyncset.done $0x0  }
0x3d: {  	[sflag:s19] =	ssyncadd.s32 $0xFFFFAF00  }
0x3e: {  	s31 =	simm.s32 $0x0;
	[bflag:$0x0] =	sbarrier.arrive $0xFFFF  }
0x3f: {  	[tilespmem:s18], [sflag:$0x1] =	stream.indirect.gather [hbm4b:s11+s21], $0x40, s31, s21, $0xb8;
	[tilespmem:$0x18200] =	vst v63  }
0x40: {  	s29 =	simm.s32 $0x80  }
0x41: {  	[tilespmem:s22], [sflag:$0x2] =	stream.indirect.gather [hbm4b:s11+s21], $0x40, s29, s21, $0xb8;
	[tilespmem:$0x18200] =	vst v63  }
0x42: {  	_ =	swait.ge [sflag:s23], $0x2000  }
0x43: {  	[sflag:s23] =	ssyncset.done $0x0  }
0x44: {  	s30 =	simm.s32 $0x5100;
	[sflag:s23] =	ssyncadd.s32 $0xFFFFE000  }
0x45: {  	[spmem:s2] =	stream.indirect.scatter.add.f32 [tilespmem:s18], [sflag:$0x3], $0x40, s30, s21, $0xb8;
	[tilespmem:$0x18200] =	vst v63  }
0x46: {  	_ =	swait.ge [sflag:s19], $0x2000  }
0x47: {  	[sflag:s19] =	ssyncset.done $0x0  }
0x48: {  	[sflag:s19] =	ssyncadd.s32 $0xFFFFE000  }
0x49: {  	_ =	swait.ge [sflag:s24], $0x2000  }
0x4a: {  	[sflag:s24] =	ssyncset.done $0x0  }
0x4b: {  	s31 =	simm.s32 $0x5180;
	[sflag:s24] =	ssyncadd.s32 $0xFFFFE000  }
0x4c: {  	[spmem:s2] =	stream.indirect.scatter.add.f32 [tilespmem:s22], [sflag:$0x3], $0x40, s31, s21, $0xb8;
	[tilespmem:$0x18200] =	vst v63  }
0x4d: {  	_ =	swait.ge [sflag:s19], $0x2000  }
0x4e: {  	s26 =	simm.s32 $0x400;
	s28 =	simm.s32 $0x800;
	[sflag:s19] =	ssyncset.done $0x0  }
.LBB2_4:
0x4f: {  	s29 =	sshra.s32 s26, $0x2  }
0x50: {  	[sflag:s19] =	ssyncadd.s32 $0xFFFFE000;
	s26 =	smov.u32 s28;
	s30 =	sadd.s32 $0x400, s28  }
0x51: {  	[tilespmem:s18], [sflag:$0x1] =	stream.indirect.gather [hbm4b:s11+s21], $0x40, s29, s21, $0xb8;
	[tilespmem:$0x18200] =	vst v63  }
0x52: {  	p0 =	sne.s32 s28, $0x14000;
	s28 =	sadd.s32 $0x80, s29  }
0x53: {  	[tilespmem:s22], [sflag:$0x2] =	stream.indirect.gather [hbm4b:s11+s21], $0x40, s28, s21, $0xb8;
	[tilespmem:$0x18200] =	vst v63  }
0x54: {  	_ =	swait.ge [sflag:s23], $0x2000  }
0x55: {  	[sflag:s23] =	ssyncset.done $0x0  }
0x56: {  	s28 =	sadd.s32 $0x5100, s29;
	[sflag:s23] =	ssyncadd.s32 $0xFFFFE000  }
0x57: {  	[spmem:s2] =	stream.indirect.scatter.add.f32 [tilespmem:s18], [sflag:$0x3], $0x40, s28, s21, $0xb8;
	[tilespmem:$0x18200] =	vst v63  }
0x58: {  	_ =	swait.ge [sflag:s19], $0x2000  }
0x59: {  	[sflag:s19] =	ssyncset.done $0x0  }
0x5a: {  	[sflag:s19] =	ssyncadd.s32 $0xFFFFE000  }
0x5b: {  	_ =	swait.ge [sflag:s24], $0x2000  }
.Ltmp1:
0x5c: {  	[sflag:s24] =	ssyncset.done $0x0;
	(pc) =	sbr.rel @p0 .LBB2_4-.Ltmp1, $4  }
0x5d: {  	s28 =	sadd.s32 $0x5180, s29;
	[sflag:s24] =	ssyncadd.s32 $0xFFFFE000  }
0x5e: {  	[spmem:s2] =	stream.indirect.scatter.add.f32 [tilespmem:s22], [sflag:$0x3], $0x40, s28, s21, $0xb8;
	[tilespmem:$0x18200] =	vst v63  }
0x5f: {  	_ =	swait.ge [sflag:s19], $0x2000  }
0x60: {  	s28 =	smov.u32 s30;
	[sflag:s19] =	ssyncset.done $0x0  }
0x61: {  	s26 =	sshra.s32 s26, $0x2;
	[sflag:s19] =	ssyncadd.s32 $0xFFFFE000  }
0x62: {  	[tilespmem:s18], [sflag:$0x1] =	stream.indirect.gather [hbm4b:s11+s21], $0x40, s26, s21, $0xb8;
	[tilespmem:$0x18200] =	vst v63  }
0x63: {  	s28 =	sadd.s32 $0x80, s26  }
0x64: {  	[tilespmem:s22], [sflag:$0x2] =	stream.indirect.gather [hbm4b:s11+s21], $0x40, s28, s21, $0xb8;
	[tilespmem:$0x18200] =	vst v63  }
0x65: {  	_ =	swait.ge [sflag:s23], $0x2000  }
0x66: {  	[sflag:s23] =	ssyncset.done $0x0  }
0x67: {  	s31 =	sadd.s32 $0x5100, s26;
	[sflag:s23] =	ssyncadd.s32 $0xFFFFE000  }
0x68: {  	[spmem:s2] =	stream.indirect.scatter.add.f32 [tilespmem:s18], [sflag:$0x3], $0x40, s31, s21, $0xb8;
	[tilespmem:$0x18200] =	vst v63  }
0x69: {  	_ =	swait.ge [sflag:s19], $0x2000  }
0x6a: {  	[sflag:s19] =	ssyncset.done $0x0  }
0x6b: {  	[sflag:s19] =	ssyncadd.s32 $0xFFFFE000  }
0x6c: {  	_ =	swait.ge [sflag:s24], $0x2000  }
0x6d: {  	[sflag:s24] =	ssyncset.done $0x0  }
0x6e: {  	s26 =	sadd.s32 $0x5180, s26;
	[sflag:s24] =	ssyncadd.s32 $0xFFFFE000  }
0x6f: {  	[spmem:s2] =	stream.indirect.scatter.add.f32 [tilespmem:s22], [sflag:$0x3], $0x40, s26, s21, $0xb8;
	[tilespmem:$0x18200] =	vst v63  }
0x70: {  	_ =	swait.ge [sflag:s19], $0x2000  }
0x71: {  	[sflag:s19] =	ssyncset.done $0x0  }
0x72: {  	[sflag:s19] =	ssyncadd.s32 $0xFFFFE000  }
0x73: {  	[bflag:$0x0] =	sbarrier.arrive $0xFFFF  }
0x74: {  	[tilespmem:s18], [sflag:$0x3] =	stream.linear.gather [spmem:s4], $0x2000, $0x38;
	[tilespmem:$0x18200] =	vst v63  }
0x75: {  	_ =	swait.ge [sflag:s19], $0x2000  }
0x76: {  	[sflag:s19] =	ssyncset.done $0x0  }
0x77: {  	[sflag:s19] =	ssyncadd.s32 $0xFFFFE000  }
0x78: {  	[hbm4b:s12+s3] =	stream.linear.scatter [tilespmem:s18], [sflag:$0x3], $0x2000, $0x38;
	[tilespmem:$0x18200] =	vst v63  }
0x79: {  	_ =	swait.ge [sflag:s19], $0x2000  }
0x7a: {  	[sflag:s19] =	ssyncset.done $0x0  }
0x7b: {  	[sflag:s19] =	ssyncadd.s32 $0xFFFFE000  }
0x7c: {  	[tilespmem:s18], [sflag:$0x3] =	stream.linear.gather [spmem:s5], $0x2000, $0x38;
	[tilespmem:$0x18200] =	vst v63  }
0x7d: {  	_ =	swait.ge [sflag:s19], $0x2000  }
0x7e: {  	[sflag:s19] =	ssyncset.done $0x0  }
0x7f: {  	[sflag:s19] =	ssyncadd.s32 $0xFFFFE000  }
0x80: {  	[hbm4b:s13+s3] =	stream.linear.scatter [tilespmem:s18], [sflag:$0x3], $0x2000, $0x38;
	[tilespmem:$0x18200] =	vst v63  }
0x81: {  	_ =	swait.ge [sflag:s19], $0x2000  }
0x82: {  	[sflag:s19] =	ssyncset.done $0x0  }
0x83: {  	[sflag:s19] =	ssyncadd.s32 $0xFFFFE000  }
0x84: {  	[tilespmem:s18], [sflag:$0x3] =	stream.linear.gather [spmem:s6], $0x2000, $0x38;
	[tilespmem:$0x18200] =	vst v63  }
0x85: {  	_ =	swait.ge [sflag:s19], $0x2000  }
0x86: {  	[sflag:s19] =	ssyncset.done $0x0  }
0x87: {  	[sflag:s19] =	ssyncadd.s32 $0xFFFFE000  }
0x88: {  	[hbm4b:s14+s3] =	stream.linear.scatter [tilespmem:s18], [sflag:$0x3], $0x2000, $0x38;
	[tilespmem:$0x18200] =	vst v63  }
0x89: {  	_ =	swait.ge [sflag:s19], $0x2000  }
0x8a: {  	[sflag:s19] =	ssyncset.done $0x0  }
0x8b: {  	[sflag:s19] =	ssyncadd.s32 $0xFFFFE000  }
0x8c: {  	[tilespmem:s18], [sflag:$0x3] =	stream.linear.gather [spmem:s7], $0x2000, $0x38;
	[tilespmem:$0x18200] =	vst v63  }
0x8d: {  	_ =	swait.ge [sflag:s19], $0x2000  }
0x8e: {  	[sflag:s19] =	ssyncset.done $0x0  }
0x8f: {  	[sflag:s19] =	ssyncadd.s32 $0xFFFFE000  }
0x90: {  	[hbm4b:s15+s3] =	stream.linear.scatter [tilespmem:s18], [sflag:$0x3], $0x2000, $0x38;
	[tilespmem:$0x18200] =	vst v63  }
0x91: {  	_ =	swait.ge [sflag:s19], $0x2000  }
0x92: {  	[sflag:s19] =	ssyncset.done $0x0  }
0x93: {  	[sflag:s19] =	ssyncadd.s32 $0xFFFFE000  }
0x94: {  	[tilespmem:s18], [sflag:$0x3] =	stream.linear.gather [spmem:s8], $0x2000, $0x38;
	[tilespmem:$0x18200] =	vst v63  }
0x95: {  	s25 =	sadd.s32 $0x1, s25;
	_ =	swait.ge [sflag:s19], $0x2000  }
0x96: {  	p0 =	sne.s32 s25, s17;
	[sflag:s19] =	ssyncset.done $0x0  }
.Ltmp2:
0x97: {  	[sflag:s19] =	ssyncadd.s32 $0xFFFFE000;
	(pc) =	sbr.rel @p0 .LBB2_1-.Ltmp2, $4  }
0x98: {  	[hbm4b:s16+s3] =	stream.linear.scatter [tilespmem:s18], [sflag:$0x3], $0x2000, $0x38;
	[tilespmem:$0x18200] =	vst v63  }
0x99: {  	_ =	swait.ge [sflag:s19], $0x2000  }
0x9a: {  	[sflag:s19] =	ssyncset.done $0x0  }
0x9b: {  	[sflag:s19] =	ssyncadd.s32 $0xFFFFE000  }
0x9c: {  	_ =	sfence.sel $0x180000  }
0x9d: {  	[bflag:$0x0] =	sbarrier.arrive $0xFFFF  }
0x9e: {  	p0 =	sne.s32 s1, $0x0;
	_ =	strace $0x9000004A  }
0x9f: {  	s0 =	sadd.s32 @!p0 $0x100000, s0;
	[bflag:$0x2] =	sbarrier.arrive $0xFFFF  }
0xa0: {  	[sflag:s0] =	ssyncadd.tile.s32 @!p0 $0x1;
	_ =	shalt  }
.Lfunc_end2:
_tile_overlayer_lowered:
.L_overlay_start_2:
0xa1: {  	(tag) =	ssettag $0x2  }
0xa2: {  	s0 =	rddreg [dreg:$0x0];
	s2 =	stileid.u32  }
0xa3: {  	s1 =	rddreg [dreg:$0x1];
	p0 =	sne.s32 s2, $0x0  }
0xa4: {  	s3 =	rddreg [dreg:$0x2];
	[bflag:$0x3] =	sbarrier.arrive $0xFFFF;
	s2 =	simm.s32 @!p0 $0x1C03  }
0xa5: {  	[timem:s3], [sflag:s2] =	dma.local @!p0 [hbm:s0], s1  }
0xa6: {  	s0 =	simm.s32 @!p0 $0x3  }
0xa7: {  	_ =	swait.ge @!p0 [sflag:s0], s1  }
0xa8: {  	s1 =	ssub.s32 @!p0 $0x0, s1;
	[sflag:s0] =	ssyncset.done @!p0 $0x0  }
0xa9: {  	[sflag:s0] =	ssyncadd.s32 @!p0 s1  }
0xaa: {  	[bflag:$0x3] =	sbarrier.arrive $0xFFFF  }
0xab: {  	_ =	shalt  }

// kernel: kernel.14.cloned.1.call-start
scs
__scs_entry_jumppad:
0x0: {  	(pc) =	sbr.rel $0x88, $3  }
0x1: {  	(tag) =	ssettag $0x0;
	lr =	simm.s32 $0x1  }
0x2: {  	[smem:$0x3F8D] =	sst lr;
	_ =	strace $0xD0000000  }
0x3: {  	_ = 	snop  }
0x4: {  	_ = 	snop  }
0x5: {  	_ = 	snop  }
0x6: {  	_ = 	snop  }
0x7: {  	_ = 	snop  }
__scs_overlays_trampoline_lowered:
0x8: {  	[smem:$0x3F9C] =	sst s0  }
0x9: {  	[smem:$0x3F9D] =	sst s1  }
0xa: {  	[smem:$0x3F9E] =	sst s2  }
0xb: {  	[smem:$0x3F9F] =	sst s3  }
0xc: {  	[smem:$0x3FA0] =	sst s4  }
0xd: {  	[smem:$0x3FA1] =	sst s5  }
0xe: {  	[smem:$0x3FA2] =	sst s6  }
0xf: {  	[smem:$0x3FA3] =	sst s7  }
0x10: {  	[smem:$0x3FA4] =	sst s8  }
0x11: {  	[smem:$0x3FA5] =	sst s9;
	s0 =	simm.s32 @!p0 $0x0  }
0x12: {  	s1 =	sld [smem:$0x3F8B];
	s0 =	simm.s32 @p0 $0x1  }
0x13: {  	[smem:$0x3FA6] =	sst s0;
	s0 =	simm.s32 @!p1 $0x0  }
0x14: {  	s2 =	sld [smem:$0x3F8A];
	s0 =	simm.s32 @p1 $0x1  }
0x15: {  	[smem:$0x3FA7] =	sst s0;
	s0 =	simm.s32 @!p2 $0x0  }
0x16: {  	s3 =	sld [smem:$0x3FDB];
	s0 =	simm.s32 @p2 $0x1  }
0x17: {  	s4 =	simm.s32 $0x1BF5;
	[smem:$0x3FA9] =	sst s0  }
0x18: {  	s0 =	sld [smem:$0x3F8C];
	_ =	swait.ge [sflag:s4], $0x0  }
0x19: {  	s7 =	sld [smem:$0x3F8D]  }
0x1a: {  	s8 =	sadd.s32 $0xFFFFE003, lr  }
0x1b: {  	s9 =	sadd.s32 $0xFFFFFEF7, lr;
	s5 =	simm.s32 $0xFFFFFFFF;
	p2 =	slt.u32 s8, $0xFFFFF086  }
0x1c: {  	p1 =	slt.u32 s9, $0xF7A;
	s5 =	simm.s32 @!p2 $0x0  }
0x1d: {  	s5 =	simm.s32 @p1 $0x1;
	p0 =	seq.s32 s7, s2  }
0x1e: {  	s7 =	smul.u32 @!p0 $0xF7A, s2;
	p2 =	seq.s32 @!p0 s5, $0x0  }
0x1f: {  	s9 =	smul.u32 $0xF7A, s1;
	s8 =	simm.s32 @!p0 $0x1BF5;
	p2 =	por !p2, p0  }
0x20: {  	[sflag:s8] =	ssyncset.s32 @!p0 $0xFFFFF086;
	s6 =	sadd.s32 @!p0 s3, s7;
	s7 =	simm.s32 @!p0 $0x108  }
0x21: {  	s3 =	sadd.s32 s3, s9;
	s6 =	sadd.s32 @!p0 $0x88, s6;
	s7 =	simm.s32 @p2 $0x1082  }
0x22: {  	[simem:s7], [sflag:s8] =	dma.local @!p0 [hbm:s6], $0xF7A  }
0x23: {  	s9 =	sor.u32 $0xD0000000, s2;
	s6 =	simm.s32 $0x108;
	_ =	swait.ge @!p0 [sflag:s8], $0x0  }
0x24: {  	s3 =	sadd.s32 $0x88, s3;
	s6 =	simm.s32 @!p1 $0x1082;
	[sflag:s4] =	ssyncset.s32 $0xFFFFF086  }
0x25: {  	[simem:s6], [sflag:s4] =	dma.local [hbm:s3], $0xF7A  }
0x26: {  	[smem:$0x3F8D] =	sst s1;
	(tag) =	ssettag s2;
	_ =	strace s9  }
0x27: {  	s1 =	sld [smem:$0x3F9D]  }
0x28: {  	s2 =	sld [smem:$0x3F9E]  }
0x29: {  	s4 =	sld [smem:$0x3FA0]  }
0x2a: {  	p0 =	seq.s32 s5, $0x0;
	s5 =	sld [smem:$0x3FA1]  }
0x2b: {  	s6 =	sld [smem:$0x3FA2]  }
0x2c: {  	s7 =	sld [smem:$0x3FA3]  }
0x2d: {  	s3 =	simm.s32 $0x108;
	s8 =	sld [smem:$0x3FA4]  }
0x2e: {  	s3 =	simm.s32 @!p0 $0x1082;
	s9 =	sld [smem:$0x3FA5]  }
0x2f: {  	lr =	sadd.s32 s0, s3;
	s0 =	sld [smem:$0x3F9C]  }
0x30: {  	s3 =	sld [smem:$0x3F9F]  }
0x31: {  	[smem:$0x3FA8] =	sst s10  }
0x32: {  	s10 =	sld [smem:$0x3FA6];
	_ =	sdelay $0x3  }
0x33: {  	p0 =	seq.s32 s10, $0x1;
	s10 =	sld [smem:$0x3FA8];
	_ =	sdelay $0x3  }
0x34: {  	[smem:$0x3FA8] =	sst s10  }
0x35: {  	s10 =	sld [smem:$0x3FA7];
	_ =	sdelay $0x3  }
0x36: {  	p1 =	seq.s32 s10, $0x1;
	s10 =	sld [smem:$0x3FA8];
	_ =	sdelay $0x3  }
0x37: {  	[smem:$0x3FA8] =	sst s10  }
0x38: {  	s10 =	sld [smem:$0x3FA9]  }
0x39: {  	_ = 	snop;
	(pc) =	sbr.ind lr, $3  }
0x3a: {  	_ = 	snop  }
0x3b: {  	_ = 	snop  }
0x3c: {  	p2 =	seq.s32 s10, $0x1;
	s10 =	sld [smem:$0x3FA8]  }
0x3d: {  	_ =	shalt  }
0x3e: {  	_ =	shalt  }
0x3f: {  	_ =	shalt  }
0x40: {  	_ =	shalt  }
0x41: {  	_ =	shalt  }
0x42: {  	_ =	shalt  }
0x43: {  	_ =	shalt  }
0x44: {  	_ =	shalt  }
0x45: {  	_ =	shalt  }
0x46: {  	_ =	shalt  }
0x47: {  	_ =	shalt  }
0x48: {  	_ =	shalt  }
0x49: {  	_ =	shalt  }
0x4a: {  	_ =	shalt  }
0x4b: {  	_ =	shalt  }
0x4c: {  	_ =	shalt  }
0x4d: {  	_ =	shalt  }
0x4e: {  	_ =	shalt  }
0x4f: {  	_ =	shalt  }
0x50: {  	_ =	shalt  }
0x51: {  	_ =	shalt  }
0x52: {  	_ =	shalt  }
0x53: {  	_ =	shalt  }
0x54: {  	_ =	shalt  }
0x55: {  	_ =	shalt  }
0x56: {  	_ =	shalt  }
0x57: {  	_ =	shalt  }
0x58: {  	_ =	shalt  }
0x59: {  	_ =	shalt  }
0x5a: {  	_ =	shalt  }
0x5b: {  	_ =	shalt  }
0x5c: {  	_ =	shalt  }
0x5d: {  	_ =	shalt  }
0x5e: {  	_ =	shalt  }
0x5f: {  	_ =	shalt  }
0x60: {  	_ =	shalt  }
0x61: {  	_ =	shalt  }
0x62: {  	_ =	shalt  }
0x63: {  	_ =	shalt  }
0x64: {  	_ =	shalt  }
0x65: {  	_ =	shalt  }
0x66: {  	_ =	shalt  }
0x67: {  	_ =	shalt  }
0x68: {  	_ =	shalt  }
0x69: {  	_ =	shalt  }
0x6a: {  	_ =	shalt  }
0x6b: {  	_ =	shalt  }
0x6c: {  	_ =	shalt  }
0x6d: {  	_ =	shalt  }
0x6e: {  	_ =	shalt  }
0x6f: {  	_ =	shalt  }
0x70: {  	_ =	shalt  }
0x71: {  	_ =	shalt  }
0x72: {  	_ =	shalt  }
0x73: {  	_ =	shalt  }
0x74: {  	_ =	shalt  }
0x75: {  	_ =	shalt  }
0x76: {  	_ =	shalt  }
0x77: {  	_ =	shalt  }
0x78: {  	_ =	shalt  }
0x79: {  	_ =	shalt  }
0x7a: {  	_ =	shalt  }
0x7b: {  	_ =	shalt  }
0x7c: {  	_ =	shalt  }
0x7d: {  	_ =	shalt  }
0x7e: {  	_ =	shalt  }
0x7f: {  	_ =	shalt  }
0x80: {  	_ =	shalt  }
0x81: {  	_ =	shalt  }
0x82: {  	_ =	shalt  }
0x83: {  	_ =	shalt  }
0x84: {  	_ =	shalt  }
0x85: {  	_ =	shalt  }
0x86: {  	_ =	shalt  }
0x87: {  	_ =	shalt  }
.Lfunc_end0:
.L_simem_size_0:
called_computation.2_lowered:
.L_overlay_start_0:
0x88: {  	s2 =	sld [smem:$0x3FD9]  }
0x89: {  	s3 =	sld [smem:$0x3FFE];
	_ =	sdelay $0x1  }
0x8a: {  	s1 =	srdreg.scid  }
0x8b: {  	s0 =	sand.u32 $0x1, s1  }
0x8c: {  	s14 =	sshll.u32 s0, $0xA;
	s2 =	sadd.s32 s3, s2  }
0x8d: {  	s2 =	sadd.s32 s2, s14  }
0x8e: {  	[smem:$0x3FB4] =	sst s2  }
0x8f: {  	_ = 	snop  }
0x90: {  	s2 =	sld [smem:$0x3FD0];
	_ =	sdelay $0x2  }
0x91: {  	s15 =	simm.s32 $0xA;
	s4 =	simm.s32 $0x10  }
0x92: {  	[smem:s4], [sflag:s15] =	dma.local [hbm:s2], $0x1  }
0x93: {  	_ =	swait.eq [sflag:s15], $0x1  }
0x94: {  	s16 =	sld [smem:$0x13];
	[sflag:s15] =	ssyncset.done $0x0  }
0x95: {  	s17 =	sld [smem:$0x14];
	[sflag:s15] =	ssyncadd.s32 $0xFFFFFFFF  }
0x96: {  	s18 =	sld [smem:$0x15];
	(tm) =	ssettm $0x1  }
0x97: {  	s5 =	sld [smem:$0x3FFB];
	_ =	sdelay $0x3  }
0x98: {  	_ =	strace s5  }
0x99: {  	s5 =	sld [smem:$0x3FFC];
	_ =	sdelay $0x3  }
0x9a: {  	_ =	strace s5  }
0x9b: {  	s5 =	sld [smem:$0x3FFD];
	_ =	sdelay $0x3  }
0x9c: {  	_ =	strace s5  }
0x9d: {  	_ =	strace $0x8FFFFFFF  }
0x9e: {  	s19 =	sld [smem:$0x3FDB];
	_ =	sdelay $0x1  }
0x9f: {  	s6 =	simm.s32 $_scs_section_size  }
0xa0: {  	s7 =	simm.s32 $_size__tile_overlayer_lowered;
	s8 =	simm.s32 $_tile_overlayer_lowered  }
0xa1: {  	s22 =	simm.s32 $0x1BFF;
	s21 =	sshll.u32 s8, $0x1;
	s5 =	sadd.s32 s6, s19  }
0xa2: {  	s9 =	simm.s32 $0x0;
	s20 =	sshll.u32 s7, $0x1;
	s7 =	sadd.s32 s21, s5  }
0xa3: {  	[timem:s9], [sflag:s22] =	dma.local [hbm:s7], s20  }
0xa4: {  	_ =	swait.ge [sflag:s22], s20  }
0xa5: {  	s6 =	ssub.s32 $0x0, s20;
	[sflag:s22] =	ssyncset.done $0x0  }
0xa6: {  	[sflag:s22] =	ssyncadd.s32 s6;
	_ =	sdelay $0x1  }
0xa7: {  	s23 =	simm.s32 $0x1B8B  }
0xa8: {  	_ =	swait.ge [sflag:s23], $0x1  }
0xa9: {  	[sflag:s23] =	ssyncset.done $0x0  }
0xaa: {  	s25 =	simm.s32 $0x1B8E;
	s24 =	sld [smem:$0x3FFE];
	[sflag:s23] =	ssyncadd.s32 $0xFFFFFFFF  }
0xab: {  	s26 =	simm.s32 $execute0_lowered;
	[smem:$0x3FD2] =	sst s25  }
0xac: {  	s7 =	sshll.u32 s26, $0x1;
	_ =	strace $0x8000004C;
	[dreg:$0x1] =	wrdreg $0xFFFFFFFF  }
0xad: {  	s28 =	simm.s32 $_size_execute0_lowered;
	s5 =	sadd.s32 s5, s7;
	[dreg:$0x0] =	wrdreg $0x0  }
0xae: {  	s7 =	sshll.u32 s28, $0x1;
	[dreg:$0x2] =	wrdreg s5  }
0xaf: {  	[dreg:$0x3] =	wrdreg s7  }
0xb0: {  	[dreg:$0x4] =	wrdreg $0xC0  }
0xb1: {  	_ =	task [dreg:s9], $0x5FFFF  }
0xb2: {  	[dreg:$0x1] =	wrdreg $0xFFFFFFFF  }
0xb3: {  	[dreg:$0x0] =	wrdreg $0x60  }
0xb4: {  	[dreg:$0x2] =	wrdreg s18  }
0xb5: {  	[dreg:$0x3] =	wrdreg s24  }
0xb6: {  	[dreg:$0x4] =	wrdreg s16  }
0xb7: {  	[dreg:$0x5] =	wrdreg s17  }
0xb8: {  	[dreg:$0x6] =	wrdreg $0xE2000  }
0xb9: {  	[dreg:$0x7] =	wrdreg $0x9  }
0xba: {  	_ =	task.clear_ibuf [dreg:s9], $0x8FFFF;
	_ =	strace $0x9000004C  }
0xbb: {  	s29 =	simm.s32 $0x9;
	_ =	strace $0x8000004E  }
0xbc: {  	_ =	swait.ge [sflag:s29], $0x1  }
0xbd: {  	[sflag:s29] =	ssyncadd.s32 $0xFFFFFFFF  }
0xbe: {  	_ =	strace $0x9000004E  }
0xbf: {  	_ =	sfence  }
0xc0: {  	s30 =	sld [smem:$0x0];
	_ =	sdelay $0x2  }
0xc1: {  	s31 =	sshll.u32 s1, $0xD;
	s1 =	sshrl.u32 s1, $0x2  }
0xc2: {  	s3 =	sand.u32 $0x4000, s31;
	s1 =	sadd.s32 s1, s30  }
0xc3: {  	s0 =	sor.u32 s3, s0;
	s1 =	sshll.u32 s1, $0x11  }
0xc4: {  	s0 =	sor.u32 s1, s0  }
0xc5: {  	s0 =	sadd.s32 $0x8F2B, s0  }
0xc6: {  	[sflag:s0] =	ssyncadd.remote.s32 $0x1  }
0xc7: {  	_ =	sfence.sel $0xFFFF  }
0xc8: {  	[dreg:$0x0] =	wrdreg $0xFFFFFFFF;
	(pc) =	sbr.abs _section_cstart, $3  }
0xc9: {  	[dreg:$0x1] =	wrdreg $0xFFFFFFFF  }
0xca: {  	_ =	task.clear_ibuf [dreg:s9], $0x2FFFF;
	_ =	strace $0x9FFFFFFF  }
0xcb: {  	(tm) =	ssettm $0x7FFFFFFF  }
tec
execute0_lowered:
.L_overlay_start_1:
0x0: {  	(tag) =	ssettag $0x1  }
0x1: {  	s11 =	rddreg [dreg:$0x0]  }
0x2: {  	s4 =	rddreg [dreg:$0x1]  }
0x3: {  	s10 =	rddreg [dreg:$0x2]  }
0x4: {  	s16 =	rddreg [dreg:$0x3]  }
0x5: {  	s2 =	rddreg [dreg:$0x4]  }
0x6: {  	s0 =	rddreg [dreg:$0x5]  }
0x7: {  	s1 =	stileid.u32;
	s5 =	srdreg.scid  }
0x8: {  	s3 =	simm.s32 $0x0;
	s22 =	simm.s32 $0xC200;
	s12 =	smul.u32 $0xA20, s1  }
0x9: {  	s23 =	simm.s32 $0x1;
	s13 =	sand.u32 $0x1, s5;
	s14 =	smul.u32 $0xA000, s1  }
0xa: {  	s24 =	simm.s32 $0x2;
	[smem:$0x7FF] =	sst s3;
	s21 =	smul.u32 $0xA0000, s13  }
0xb: {  	s5 =	ssub.s32 $0x2, s13;
	_ =	strace $0x8000004D;
	s13 =	smul.u32 $0x14000, s13  }
0xc: {  	s9 =	sadd.s32 s12, s4;
	s25 =	sshrl.u32 s5, $0x1;
	s15 =	sadd.s32 $0x2000, s14  }
0xd: {  	s18 =	sadd.s32 $0x4000, s14;
	s4 =	sadd.s32 s14, s2;
	s19 =	sadd.s32 $0x6000, s14  }
0xe: {  	s20 =	sadd.s32 $0x8000, s14;
	s10 =	sadd.s32 s10, s12;
	s17 =	ssub.s32 s5, s25  }
0xf: {  	s5 =	sadd.s32 s15, s2;
	s6 =	sadd.s32 s18, s2;
	s7 =	sadd.s32 s19, s2  }
0x10: {  	s8 =	sadd.s32 s20, s2;
	s9 =	sadd.s32 $0x3C00, s9;
	s14 =	sadd.s32 s14, s21  }
0x11: {  	s15 =	sadd.s32 s21, s15;
	s11 =	sadd.s32 s11, s13;
	s29 =	sadd.s32 s21, s18  }
0x12: {  	s30 =	sadd.s32 s21, s19;
	s31 =	sadd.s32 s21, s20;
	s19 =	simm.s32 $0x3  }
0x13: {  	s20 =	simm.s32 $0x5100;
	s21 =	simm.s32 $0x80;
	s25 =	simm.s32 $0x0  }
0x14: {  	s26 =	sshrl.u32 s14, $0x3;
	s28 =	sshrl.u32 s15, $0x3;
	s14 =	sshrl.u32 s29, $0x3  }
0x15: {  	s15 =	sshrl.u32 s30, $0x3;
	s18 =	sshrl.u32 s31, $0x3;
	s17 =	smax.u32 s17, $0x1  }
0x16: {  	s12 =	sadd.s32 s16, s26;
	s13 =	sadd.s32 s16, s28;
	s14 =	sadd.s32 s16, s14  }
0x17: {  	v0 =	vimm.f32 $0.0e+00;
	s15 =	sadd.s32 s16, s15;
	s16 =	sadd.s32 s16, s18;
	s18 =	simm.s32 $0xA200  }
.LBB2_1:
0x18: {  	s28 =	simm.s32 $0x100;
	s26 =	simm.s32 $0x0  }
.LBB2_2:
0x19: {  	p0 =	sne.s32 s28, $0x7F00;
	[tilespmem:s26+$0xA230] =	vst v0;
	s29 =	smov.u32 s28;
	s28 =	sadd.s32 $0x100, s28  }
.Ltmp0:
0x1a: {  	[tilespmem:s26+$0xA220] =	vst v0;
	(pc) =	sbr.rel @p0 .LBB2_2-.Ltmp0, $3  }
0x1b: {  	[tilespmem:s26+$0xA200] =	vst v0  }
0x1c: {  	[tilespmem:s26+$0xA210] =	vst v0;
	_ =	sdelay $0x1  }
0x1d: {  	s26 =	sshra.s32 s29, $0x2  }
0x1e: {  	[tilespmem:s26+$0xA230] =	vst v0  }
0x1f: {  	[tilespmem:s26+$0xA220] =	vst v0  }
0x20: {  	[tilespmem:s26+$0xA200] =	vst v0  }
0x21: {  	[tilespmem:s26+$0xA210] =	vst v0  }
0x22: {  	[spmem:s4] =	stream.linear.scatter [tilespmem:s18], [sflag:$0x3], $0x2000, $0x38;
	[tilespmem:$0x18200] =	vst v63  }
0x23: {  	_ =	swait.ge [sflag:s19], $0x2000  }
0x24: {  	[sflag:s19] =	ssyncset.done $0x0  }
0x25: {  	[sflag:s19] =	ssyncadd.s32 $0xFFFFE000  }
0x26: {  	[spmem:s5] =	stream.linear.scatter [tilespmem:s18], [sflag:$0x3], $0x2000, $0x38;
	[tilespmem:$0x18200] =	vst v63  }
0x27: {  	_ =	swait.ge [sflag:s19], $0x2000  }
0x28: {  	[sflag:s19] =	ssyncset.done $0x0  }
0x29: {  	[sflag:s19] =	ssyncadd.s32 $0xFFFFE000  }
0x2a: {  	[spmem:s6] =	stream.linear.scatter [tilespmem:s18], [sflag:$0x3], $0x2000, $0x38;
	[tilespmem:$0x18200] =	vst v63  }
0x2b: {  	_ =	swait.ge [sflag:s19], $0x2000  }
0x2c: {  	[sflag:s19] =	ssyncset.done $0x0  }
0x2d: {  	[sflag:s19] =	ssyncadd.s32 $0xFFFFE000  }
0x2e: {  	[spmem:s7] =	stream.linear.scatter [tilespmem:s18], [sflag:$0x3], $0x2000, $0x38;
	[tilespmem:$0x18200] =	vst v63  }
0x2f: {  	_ =	swait.ge [sflag:s19], $0x2000  }
0x30: {  	[sflag:s19] =	ssyncset.done $0x0  }
0x31: {  	[sflag:s19] =	ssyncadd.s32 $0xFFFFE000  }
0x32: {  	[spmem:s8] =	stream.linear.scatter [tilespmem:s18], [sflag:$0x3], $0x2000, $0x38;
	[tilespmem:$0x18200] =	vst v63  }
0x33: {  	_ =	swait.ge [sflag:s19], $0x2000  }
0x34: {  	[sflag:s19] =	ssyncset.done $0x0  }
0x35: {  	s30 =	simm.s32 $0x0;
	[sflag:s19] =	ssyncadd.s32 $0xFFFFE000  }
0x36: {  	[tilespmem:s30], [sflag:$0x3] =	stream.linear.gather [hbm4b:s9+s30], $0x5100, $0x38;
	[tilespmem:$0x18200] =	vst v63  }
0x37: {  	_ =	swait.ge [sflag:s19], $0x5100  }
0x38: {  	[sflag:s19] =	ssyncset.done $0x0  }
0x39: {  	[sflag:s19] =	ssyncadd.s32 $0xFFFFAF00  }
0x3a: {  	[tilespmem:s20], [sflag:$0x3] =	stream.linear.gather [hbm4b:s10+s30], $0x5100, $0x38;
	[tilespmem:$0x18200] =	vst v63  }
0x3b: {  	_ =	swait.ge [sflag:s19], $0x5100  }
0x3c: {  	[sflag:s19] =	ssyncset.done $0x0  }
0x3d: {  	[sflag:s19] =	ssyncadd.s32 $0xFFFFAF00  }
0x3e: {  	s31 =	simm.s32 $0x0;
	[bflag:$0x0] =	sbarrier.arrive $0xFFFF  }
0x3f: {  	[tilespmem:s18], [sflag:$0x1] =	stream.indirect.gather [hbm4b:s11+s21], $0x40, s31, s21, $0xb8;
	[tilespmem:$0x18200] =	vst v63  }
0x40: {  	s29 =	simm.s32 $0x80  }
0x41: {  	[tilespmem:s22], [sflag:$0x2] =	stream.indirect.gather [hbm4b:s11+s21], $0x40, s29, s21, $0xb8;
	[tilespmem:$0x18200] =	vst v63  }
0x42: {  	_ =	swait.ge [sflag:s23], $0x2000  }
0x43: {  	[sflag:s23] =	ssyncset.done $0x0  }
0x44: {  	s30 =	simm.s32 $0x5100;
	[sflag:s23] =	ssyncadd.s32 $0xFFFFE000  }
0x45: {  	[spmem:s2] =	stream.indirect.scatter.add.f32 [tilespmem:s18], [sflag:$0x3], $0x40, s30, s21, $0xb8;
	[tilespmem:$0x18200] =	vst v63  }
0x46: {  	_ =	swait.ge [sflag:s19], $0x2000  }
0x47: {  	[sflag:s19] =	ssyncset.done $0x0  }
0x48: {  	[sflag:s19] =	ssyncadd.s32 $0xFFFFE000  }
0x49: {  	_ =	swait.ge [sflag:s24], $0x2000  }
0x4a: {  	[sflag:s24] =	ssyncset.done $0x0  }
0x4b: {  	s31 =	simm.s32 $0x5180;
	[sflag:s24] =	ssyncadd.s32 $0xFFFFE000  }
0x4c: {  	[spmem:s2] =	stream.indirect.scatter.add.f32 [tilespmem:s22], [sflag:$0x3], $0x40, s31, s21, $0xb8;
	[tilespmem:$0x18200] =	vst v63  }
0x4d: {  	_ =	swait.ge [sflag:s19], $0x2000  }
0x4e: {  	s26 =	simm.s32 $0x400;
	s28 =	simm.s32 $0x800;
	[sflag:s19] =	ssyncset.done $0x0  }
.LBB2_4:
0x4f: {  	s29 =	sshra.s32 s26, $0x2  }
0x50: {  	[sflag:s19] =	ssyncadd.s32 $0xFFFFE000;
	s26 =	smov.u32 s28;
	s30 =	sadd.s32 $0x400, s28  }
0x51: {  	[tilespmem:s18], [sflag:$0x1] =	stream.indirect.gather [hbm4b:s11+s21], $0x40, s29, s21, $0xb8;
	[tilespmem:$0x18200] =	vst v63  }
0x52: {  	p0 =	sne.s32 s28, $0x14000;
	s28 =	sadd.s32 $0x80, s29  }
0x53: {  	[tilespmem:s22], [sflag:$0x2] =	stream.indirect.gather [hbm4b:s11+s21], $0x40, s28, s21, $0xb8;
	[tilespmem:$0x18200] =	vst v63  }
0x54: {  	_ =	swait.ge [sflag:s23], $0x2000  }
0x55: {  	[sflag:s23] =	ssyncset.done $0x0  }
0x56: {  	s28 =	sadd.s32 $0x5100, s29;
	[sflag:s23] =	ssyncadd.s32 $0xFFFFE000  }
0x57: {  	[spmem:s2] =	stream.indirect.scatter.add.f32 [tilespmem:s18], [sflag:$0x3], $0x40, s28, s21, $0xb8;
	[tilespmem:$0x18200] =	vst v63  }
0x58: {  	_ =	swait.ge [sflag:s19], $0x2000  }
0x59: {  	[sflag:s19] =	ssyncset.done $0x0  }
0x5a: {  	[sflag:s19] =	ssyncadd.s32 $0xFFFFE000  }
0x5b: {  	_ =	swait.ge [sflag:s24], $0x2000  }
.Ltmp1:
0x5c: {  	[sflag:s24] =	ssyncset.done $0x0;
	(pc) =	sbr.rel @p0 .LBB2_4-.Ltmp1, $4  }
0x5d: {  	s28 =	sadd.s32 $0x5180, s29;
	[sflag:s24] =	ssyncadd.s32 $0xFFFFE000  }
0x5e: {  	[spmem:s2] =	stream.indirect.scatter.add.f32 [tilespmem:s22], [sflag:$0x3], $0x40, s28, s21, $0xb8;
	[tilespmem:$0x18200] =	vst v63  }
0x5f: {  	_ =	swait.ge [sflag:s19], $0x2000  }
0x60: {  	s28 =	smov.u32 s30;
	[sflag:s19] =	ssyncset.done $0x0  }
0x61: {  	s26 =	sshra.s32 s26, $0x2;
	[sflag:s19] =	ssyncadd.s32 $0xFFFFE000  }
0x62: {  	[tilespmem:s18], [sflag:$0x1] =	stream.indirect.gather [hbm4b:s11+s21], $0x40, s26, s21, $0xb8;
	[tilespmem:$0x18200] =	vst v63  }
0x63: {  	s28 =	sadd.s32 $0x80, s26  }
0x64: {  	[tilespmem:s22], [sflag:$0x2] =	stream.indirect.gather [hbm4b:s11+s21], $0x40, s28, s21, $0xb8;
	[tilespmem:$0x18200] =	vst v63  }
0x65: {  	_ =	swait.ge [sflag:s23], $0x2000  }
0x66: {  	[sflag:s23] =	ssyncset.done $0x0  }
0x67: {  	s31 =	sadd.s32 $0x5100, s26;
	[sflag:s23] =	ssyncadd.s32 $0xFFFFE000  }
0x68: {  	[spmem:s2] =	stream.indirect.scatter.add.f32 [tilespmem:s18], [sflag:$0x3], $0x40, s31, s21, $0xb8;
	[tilespmem:$0x18200] =	vst v63  }
0x69: {  	_ =	swait.ge [sflag:s19], $0x2000  }
0x6a: {  	[sflag:s19] =	ssyncset.done $0x0  }
0x6b: {  	[sflag:s19] =	ssyncadd.s32 $0xFFFFE000  }
0x6c: {  	_ =	swait.ge [sflag:s24], $0x2000  }
0x6d: {  	[sflag:s24] =	ssyncset.done $0x0  }
0x6e: {  	s26 =	sadd.s32 $0x5180, s26;
	[sflag:s24] =	ssyncadd.s32 $0xFFFFE000  }
0x6f: {  	[spmem:s2] =	stream.indirect.scatter.add.f32 [tilespmem:s22], [sflag:$0x3], $0x40, s26, s21, $0xb8;
	[tilespmem:$0x18200] =	vst v63  }
0x70: {  	_ =	swait.ge [sflag:s19], $0x2000  }
0x71: {  	[sflag:s19] =	ssyncset.done $0x0  }
0x72: {  	[sflag:s19] =	ssyncadd.s32 $0xFFFFE000  }
0x73: {  	[bflag:$0x0] =	sbarrier.arrive $0xFFFF  }
0x74: {  	[tilespmem:s18], [sflag:$0x3] =	stream.linear.gather [spmem:s4], $0x2000, $0x38;
	[tilespmem:$0x18200] =	vst v63  }
0x75: {  	_ =	swait.ge [sflag:s19], $0x2000  }
0x76: {  	[sflag:s19] =	ssyncset.done $0x0  }
0x77: {  	[sflag:s19] =	ssyncadd.s32 $0xFFFFE000  }
0x78: {  	[hbm4b:s12+s3] =	stream.linear.scatter [tilespmem:s18], [sflag:$0x3], $0x2000, $0x38;
	[tilespmem:$0x18200] =	vst v63  }
0x79: {  	_ =	swait.ge [sflag:s19], $0x2000  }
0x7a: {  	[sflag:s19] =	ssyncset.done $0x0  }
0x7b: {  	[sflag:s19] =	ssyncadd.s32 $0xFFFFE000  }
0x7c: {  	[tilespmem:s18], [sflag:$0x3] =	stream.linear.gather [spmem:s5], $0x2000, $0x38;
	[tilespmem:$0x18200] =	vst v63  }
0x7d: {  	_ =	swait.ge [sflag:s19], $0x2000  }
0x7e: {  	[sflag:s19] =	ssyncset.done $0x0  }
0x7f: {  	[sflag:s19] =	ssyncadd.s32 $0xFFFFE000  }
0x80: {  	[hbm4b:s13+s3] =	stream.linear.scatter [tilespmem:s18], [sflag:$0x3], $0x2000, $0x38;
	[tilespmem:$0x18200] =	vst v63  }
0x81: {  	_ =	swait.ge [sflag:s19], $0x2000  }
0x82: {  	[sflag:s19] =	ssyncset.done $0x0  }
0x83: {  	[sflag:s19] =	ssyncadd.s32 $0xFFFFE000  }
0x84: {  	[tilespmem:s18], [sflag:$0x3] =	stream.linear.gather [spmem:s6], $0x2000, $0x38;
	[tilespmem:$0x18200] =	vst v63  }
0x85: {  	_ =	swait.ge [sflag:s19], $0x2000  }
0x86: {  	[sflag:s19] =	ssyncset.done $0x0  }
0x87: {  	[sflag:s19] =	ssyncadd.s32 $0xFFFFE000  }
0x88: {  	[hbm4b:s14+s3] =	stream.linear.scatter [tilespmem:s18], [sflag:$0x3], $0x2000, $0x38;
	[tilespmem:$0x18200] =	vst v63  }
0x89: {  	_ =	swait.ge [sflag:s19], $0x2000  }
0x8a: {  	[sflag:s19] =	ssyncset.done $0x0  }
0x8b: {  	[sflag:s19] =	ssyncadd.s32 $0xFFFFE000  }
0x8c: {  	[tilespmem:s18], [sflag:$0x3] =	stream.linear.gather [spmem:s7], $0x2000, $0x38;
	[tilespmem:$0x18200] =	vst v63  }
0x8d: {  	_ =	swait.ge [sflag:s19], $0x2000  }
0x8e: {  	[sflag:s19] =	ssyncset.done $0x0  }
0x8f: {  	[sflag:s19] =	ssyncadd.s32 $0xFFFFE000  }
0x90: {  	[hbm4b:s15+s3] =	stream.linear.scatter [tilespmem:s18], [sflag:$0x3], $0x2000, $0x38;
	[tilespmem:$0x18200] =	vst v63  }
0x91: {  	_ =	swait.ge [sflag:s19], $0x2000  }
0x92: {  	[sflag:s19] =	ssyncset.done $0x0  }
0x93: {  	[sflag:s19] =	ssyncadd.s32 $0xFFFFE000  }
0x94: {  	[tilespmem:s18], [sflag:$0x3] =	stream.linear.gather [spmem:s8], $0x2000, $0x38;
	[tilespmem:$0x18200] =	vst v63  }
0x95: {  	s25 =	sadd.s32 $0x1, s25;
	_ =	swait.ge [sflag:s19], $0x2000  }
0x96: {  	p0 =	sne.s32 s25, s17;
	[sflag:s19] =	ssyncset.done $0x0  }
.Ltmp2:
0x97: {  	[sflag:s19] =	ssyncadd.s32 $0xFFFFE000;
	(pc) =	sbr.rel @p0 .LBB2_1-.Ltmp2, $4  }
0x98: {  	[hbm4b:s16+s3] =	stream.linear.scatter [tilespmem:s18], [sflag:$0x3], $0x2000, $0x38;
	[tilespmem:$0x18200] =	vst v63  }
0x99: {  	_ =	swait.ge [sflag:s19], $0x2000  }
0x9a: {  	[sflag:s19] =	ssyncset.done $0x0  }
0x9b: {  	[sflag:s19] =	ssyncadd.s32 $0xFFFFE000  }
0x9c: {  	_ =	sfence.sel $0x180000  }
0x9d: {  	[bflag:$0x0] =	sbarrier.arrive $0xFFFF  }
0x9e: {  	p0 =	sne.s32 s1, $0x0;
	_ =	strace $0x9000004D  }
0x9f: {  	s0 =	sadd.s32 @!p0 $0x100000, s0;
	[bflag:$0x2] =	sbarrier.arrive $0xFFFF  }
0xa0: {  	[sflag:s0] =	ssyncadd.tile.s32 @!p0 $0x1;
	_ =	shalt  }
.Lfunc_end2:
_tile_overlayer_lowered:
.L_overlay_start_2:
0xa1: {  	(tag) =	ssettag $0x2  }
0xa2: {  	s0 =	rddreg [dreg:$0x0];
	s2 =	stileid.u32  }
0xa3: {  	s1 =	rddreg [dreg:$0x1];
	p0 =	sne.s32 s2, $0x0  }
0xa4: {  	s3 =	rddreg [dreg:$0x2];
	[bflag:$0x3] =	sbarrier.arrive $0xFFFF;
	s2 =	simm.s32 @!p0 $0x1C03  }
0xa5: {  	[timem:s3], [sflag:s2] =	dma.local @!p0 [hbm:s0], s1  }
0xa6: {  	s0 =	simm.s32 @!p0 $0x3  }
0xa7: {  	_ =	swait.ge @!p0 [sflag:s0], s1  }
0xa8: {  	s1 =	ssub.s32 @!p0 $0x0, s1;
	[sflag:s0] =	ssyncset.done @!p0 $0x0  }
0xa9: {  	[sflag:s0] =	ssyncadd.s32 @!p0 s1  }
0xaa: {  	[bflag:$0x3] =	sbarrier.arrive $0xFFFF  }
0xab: {  	_ =	shalt  }

// kernel: kernel.8.cloned.1.call-start
scs
__scs_entry_jumppad:
0x0: {  	(pc) =	sbr.rel $0x88, $3  }
0x1: {  	(tag) =	ssettag $0x0;
	lr =	simm.s32 $0x1  }
0x2: {  	[smem:$0x3F8D] =	sst lr;
	_ =	strace $0xD0000000  }
0x3: {  	_ = 	snop  }
0x4: {  	_ = 	snop  }
0x5: {  	_ = 	snop  }
0x6: {  	_ = 	snop  }
0x7: {  	_ = 	snop  }
__scs_overlays_trampoline_lowered:
0x8: {  	[smem:$0x3F9C] =	sst s0  }
0x9: {  	[smem:$0x3F9D] =	sst s1  }
0xa: {  	[smem:$0x3F9E] =	sst s2  }
0xb: {  	[smem:$0x3F9F] =	sst s3  }
0xc: {  	[smem:$0x3FA0] =	sst s4  }
0xd: {  	[smem:$0x3FA1] =	sst s5  }
0xe: {  	[smem:$0x3FA2] =	sst s6  }
0xf: {  	[smem:$0x3FA3] =	sst s7  }
0x10: {  	[smem:$0x3FA4] =	sst s8  }
0x11: {  	[smem:$0x3FA5] =	sst s9;
	s0 =	simm.s32 @!p0 $0x0  }
0x12: {  	s1 =	sld [smem:$0x3F8B];
	s0 =	simm.s32 @p0 $0x1  }
0x13: {  	[smem:$0x3FA6] =	sst s0;
	s0 =	simm.s32 @!p1 $0x0  }
0x14: {  	s2 =	sld [smem:$0x3F8A];
	s0 =	simm.s32 @p1 $0x1  }
0x15: {  	[smem:$0x3FA7] =	sst s0;
	s0 =	simm.s32 @!p2 $0x0  }
0x16: {  	s3 =	sld [smem:$0x3FDB];
	s0 =	simm.s32 @p2 $0x1  }
0x17: {  	s4 =	simm.s32 $0x1BF5;
	[smem:$0x3FA9] =	sst s0  }
0x18: {  	s0 =	sld [smem:$0x3F8C];
	_ =	swait.ge [sflag:s4], $0x0  }
0x19: {  	s7 =	sld [smem:$0x3F8D]  }
0x1a: {  	s8 =	sadd.s32 $0xFFFFE003, lr  }
0x1b: {  	s9 =	sadd.s32 $0xFFFFFEF7, lr;
	s5 =	simm.s32 $0xFFFFFFFF;
	p2 =	slt.u32 s8, $0xFFFFF086  }
0x1c: {  	p1 =	slt.u32 s9, $0xF7A;
	s5 =	simm.s32 @!p2 $0x0  }
0x1d: {  	s5 =	simm.s32 @p1 $0x1;
	p0 =	seq.s32 s7, s2  }
0x1e: {  	s7 =	smul.u32 @!p0 $0xF7A, s2;
	p2 =	seq.s32 @!p0 s5, $0x0  }
0x1f: {  	s9 =	smul.u32 $0xF7A, s1;
	s8 =	simm.s32 @!p0 $0x1BF5;
	p2 =	por !p2, p0  }
0x20: {  	[sflag:s8] =	ssyncset.s32 @!p0 $0xFFFFF086;
	s6 =	sadd.s32 @!p0 s3, s7;
	s7 =	simm.s32 @!p0 $0x108  }
0x21: {  	s3 =	sadd.s32 s3, s9;
	s6 =	sadd.s32 @!p0 $0x88, s6;
	s7 =	simm.s32 @p2 $0x1082  }
0x22: {  	[simem:s7], [sflag:s8] =	dma.local @!p0 [hbm:s6], $0xF7A  }
0x23: {  	s9 =	sor.u32 $0xD0000000, s2;
	s6 =	simm.s32 $0x108;
	_ =	swait.ge @!p0 [sflag:s8], $0x0  }
0x24: {  	s3 =	sadd.s32 $0x88, s3;
	s6 =	simm.s32 @!p1 $0x1082;
	[sflag:s4] =	ssyncset.s32 $0xFFFFF086  }
0x25: {  	[simem:s6], [sflag:s4] =	dma.local [hbm:s3], $0xF7A  }
0x26: {  	[smem:$0x3F8D] =	sst s1;
	(tag) =	ssettag s2;
	_ =	strace s9  }
0x27: {  	s1 =	sld [smem:$0x3F9D]  }
0x28: {  	s2 =	sld [smem:$0x3F9E]  }
0x29: {  	s4 =	sld [smem:$0x3FA0]  }
0x2a: {  	p0 =	seq.s32 s5, $0x0;
	s5 =	sld [smem:$0x3FA1]  }
0x2b: {  	s6 =	sld [smem:$0x3FA2]  }
0x2c: {  	s7 =	sld [smem:$0x3FA3]  }
0x2d: {  	s3 =	simm.s32 $0x108;
	s8 =	sld [smem:$0x3FA4]  }
0x2e: {  	s3 =	simm.s32 @!p0 $0x1082;
	s9 =	sld [smem:$0x3FA5]  }
0x2f: {  	lr =	sadd.s32 s0, s3;
	s0 =	sld [smem:$0x3F9C]  }
0x30: {  	s3 =	sld [smem:$0x3F9F]  }
0x31: {  	[smem:$0x3FA8] =	sst s10  }
0x32: {  	s10 =	sld [smem:$0x3FA6];
	_ =	sdelay $0x3  }
0x33: {  	p0 =	seq.s32 s10, $0x1;
	s10 =	sld [smem:$0x3FA8];
	_ =	sdelay $0x3  }
0x34: {  	[smem:$0x3FA8] =	sst s10  }
0x35: {  	s10 =	sld [smem:$0x3FA7];
	_ =	sdelay $0x3  }
0x36: {  	p1 =	seq.s32 s10, $0x1;
	s10 =	sld [smem:$0x3FA8];
	_ =	sdelay $0x3  }
0x37: {  	[smem:$0x3FA8] =	sst s10  }
0x38: {  	s10 =	sld [smem:$0x3FA9]  }
0x39: {  	_ = 	snop;
	(pc) =	sbr.ind lr, $3  }
0x3a: {  	_ = 	snop  }
0x3b: {  	_ = 	snop  }
0x3c: {  	p2 =	seq.s32 s10, $0x1;
	s10 =	sld [smem:$0x3FA8]  }
0x3d: {  	_ =	shalt  }
0x3e: {  	_ =	shalt  }
0x3f: {  	_ =	shalt  }
0x40: {  	_ =	shalt  }
0x41: {  	_ =	shalt  }
0x42: {  	_ =	shalt  }
0x43: {  	_ =	shalt  }
0x44: {  	_ =	shalt  }
0x45: {  	_ =	shalt  }
0x46: {  	_ =	shalt  }
0x47: {  	_ =	shalt  }
0x48: {  	_ =	shalt  }
0x49: {  	_ =	shalt  }
0x4a: {  	_ =	shalt  }
0x4b: {  	_ =	shalt  }
0x4c: {  	_ =	shalt  }
0x4d: {  	_ =	shalt  }
0x4e: {  	_ =	shalt  }
0x4f: {  	_ =	shalt  }
0x50: {  	_ =	shalt  }
0x51: {  	_ =	shalt  }
0x52: {  	_ =	shalt  }
0x53: {  	_ =	shalt  }
0x54: {  	_ =	shalt  }
0x55: {  	_ =	shalt  }
0x56: {  	_ =	shalt  }
0x57: {  	_ =	shalt  }
0x58: {  	_ =	shalt  }
0x59: {  	_ =	shalt  }
0x5a: {  	_ =	shalt  }
0x5b: {  	_ =	shalt  }
0x5c: {  	_ =	shalt  }
0x5d: {  	_ =	shalt  }
0x5e: {  	_ =	shalt  }
0x5f: {  	_ =	shalt  }
0x60: {  	_ =	shalt  }
0x61: {  	_ =	shalt  }
0x62: {  	_ =	shalt  }
0x63: {  	_ =	shalt  }
0x64: {  	_ =	shalt  }
0x65: {  	_ =	shalt  }
0x66: {  	_ =	shalt  }
0x67: {  	_ =	shalt  }
0x68: {  	_ =	shalt  }
0x69: {  	_ =	shalt  }
0x6a: {  	_ =	shalt  }
0x6b: {  	_ =	shalt  }
0x6c: {  	_ =	shalt  }
0x6d: {  	_ =	shalt  }
0x6e: {  	_ =	shalt  }
0x6f: {  	_ =	shalt  }
0x70: {  	_ =	shalt  }
0x71: {  	_ =	shalt  }
0x72: {  	_ =	shalt  }
0x73: {  	_ =	shalt  }
0x74: {  	_ =	shalt  }
0x75: {  	_ =	shalt  }
0x76: {  	_ =	shalt  }
0x77: {  	_ =	shalt  }
0x78: {  	_ =	shalt  }
0x79: {  	_ =	shalt  }
0x7a: {  	_ =	shalt  }
0x7b: {  	_ =	shalt  }
0x7c: {  	_ =	shalt  }
0x7d: {  	_ =	shalt  }
0x7e: {  	_ =	shalt  }
0x7f: {  	_ =	shalt  }
0x80: {  	_ =	shalt  }
0x81: {  	_ =	shalt  }
0x82: {  	_ =	shalt  }
0x83: {  	_ =	shalt  }
0x84: {  	_ =	shalt  }
0x85: {  	_ =	shalt  }
0x86: {  	_ =	shalt  }
0x87: {  	_ =	shalt  }
.Lfunc_end0:
.L_simem_size_0:
called_computation_lowered:
.L_overlay_start_0:
0x88: {  	s2 =	sld [smem:$0x3FD9]  }
0x89: {  	s3 =	sld [smem:$0x3FFE];
	_ =	sdelay $0x1  }
0x8a: {  	s1 =	srdreg.scid  }
0x8b: {  	s0 =	sand.u32 $0x1, s1  }
0x8c: {  	s15 =	sshll.u32 s0, $0xA;
	s2 =	sadd.s32 s3, s2  }
0x8d: {  	s2 =	sadd.s32 s2, s15  }
0x8e: {  	[smem:$0x3FB4] =	sst s2  }
0x8f: {  	_ = 	snop  }
0x90: {  	s2 =	sld [smem:$0x3FD0];
	_ =	sdelay $0x2  }
0x91: {  	s16 =	simm.s32 $0xA;
	s4 =	simm.s32 $0x10  }
0x92: {  	[smem:s4], [sflag:s16] =	dma.local [hbm:s2], $0x1  }
0x93: {  	_ =	swait.eq [sflag:s16], $0x1  }
0x94: {  	[sflag:s16] =	ssyncset.done $0x0  }
0x95: {  	s17 =	sld [smem:$0x13];
	[sflag:s16] =	ssyncadd.s32 $0xFFFFFFFF  }
0x96: {  	s18 =	sld [smem:$0x15];
	(tm) =	ssettm $0x1  }
0x97: {  	s19 =	sld [smem:$0x3FFB];
	_ =	sdelay $0x3  }
0x98: {  	_ =	strace s19  }
0x99: {  	s4 =	sld [smem:$0x3FFC];
	_ =	sdelay $0x3  }
0x9a: {  	_ =	strace s4  }
0x9b: {  	s4 =	sld [smem:$0x3FFD];
	_ =	sdelay $0x3  }
0x9c: {  	_ =	strace s4  }
0x9d: {  	_ =	strace $0x8FFFFFFF  }
0x9e: {  	s20 =	sld [smem:$0x3FDB];
	_ =	sdelay $0x1  }
0x9f: {  	s5 =	simm.s32 $_scs_section_size  }
0xa0: {  	s6 =	simm.s32 $_size__tile_overlayer_lowered;
	s7 =	simm.s32 $_tile_overlayer_lowered  }
0xa1: {  	s23 =	simm.s32 $0x1BFF;
	s22 =	sshll.u32 s7, $0x1;
	s4 =	sadd.s32 s5, s20  }
0xa2: {  	s8 =	simm.s32 $0x0;
	s21 =	sshll.u32 s6, $0x1;
	s6 =	sadd.s32 s22, s4  }
0xa3: {  	[timem:s8], [sflag:s23] =	dma.local [hbm:s6], s21  }
0xa4: {  	_ =	swait.ge [sflag:s23], s21  }
0xa5: {  	s5 =	ssub.s32 $0x0, s21;
	[sflag:s23] =	ssyncset.done $0x0  }
0xa6: {  	[sflag:s23] =	ssyncadd.s32 s5;
	_ =	sdelay $0x1  }
0xa7: {  	s24 =	simm.s32 $0x1B8B  }
0xa8: {  	_ =	swait.ge [sflag:s24], $0x1  }
0xa9: {  	[sflag:s24] =	ssyncset.done $0x0  }
0xaa: {  	s25 =	simm.s32 $0x1B8E;
	[sflag:s24] =	ssyncadd.s32 $0xFFFFFFFF  }
0xab: {  	s26 =	simm.s32 $execute0_lowered;
	[smem:$0x3FD2] =	sst s25  }
0xac: {  	s5 =	sshll.u32 s26, $0x1;
	_ =	strace $0x80000046;
	[dreg:$0x1] =	wrdreg $0xFFFFFFFF  }
0xad: {  	s28 =	simm.s32 $_size_execute0_lowered;
	s4 =	sadd.s32 s4, s5;
	[dreg:$0x0] =	wrdreg $0x0  }
0xae: {  	s5 =	sshll.u32 s28, $0x1;
	[dreg:$0x2] =	wrdreg s4  }
0xaf: {  	[dreg:$0x3] =	wrdreg s5  }
0xb0: {  	[dreg:$0x4] =	wrdreg $0xC0  }
0xb1: {  	_ =	task [dreg:s8], $0x5FFFF  }
0xb2: {  	[dreg:$0x1] =	wrdreg $0xFFFFFFFF  }
0xb3: {  	[dreg:$0x0] =	wrdreg $0x60  }
0xb4: {  	[dreg:$0x2] =	wrdreg s17  }
0xb5: {  	[dreg:$0x3] =	wrdreg s18  }
0xb6: {  	[dreg:$0x4] =	wrdreg $0x55800  }
0xb7: {  	[dreg:$0x5] =	wrdreg $0x9  }
0xb8: {  	_ =	task.clear_ibuf [dreg:s8], $0x6FFFF;
	_ =	strace $0x90000046  }
0xb9: {  	s29 =	simm.s32 $0x9;
	_ =	strace $0x80000048  }
0xba: {  	_ =	swait.ge [sflag:s29], $0x1  }
0xbb: {  	[sflag:s29] =	ssyncadd.s32 $0xFFFFFFFF  }
0xbc: {  	_ =	strace $0x90000048  }
0xbd: {  	_ =	sfence  }
0xbe: {  	s30 =	sld [smem:$0x0];
	_ =	sdelay $0x2  }
0xbf: {  	s31 =	sshll.u32 s1, $0xD;
	s1 =	sshrl.u32 s1, $0x2  }
0xc0: {  	s3 =	sand.u32 $0x4000, s31;
	s1 =	sadd.s32 s1, s30  }
0xc1: {  	s0 =	sor.u32 s3, s0;
	s1 =	sshll.u32 s1, $0x11  }
0xc2: {  	s0 =	sor.u32 s1, s0  }
0xc3: {  	s0 =	sadd.s32 $0x8F2B, s0  }
0xc4: {  	[sflag:s0] =	ssyncadd.remote.s32 $0x1  }
0xc5: {  	_ =	sfence.sel $0xFFFF  }
0xc6: {  	[dreg:$0x0] =	wrdreg $0xFFFFFFFF;
	(pc) =	sbr.abs _section_cstart, $3  }
0xc7: {  	[dreg:$0x1] =	wrdreg $0xFFFFFFFF  }
0xc8: {  	_ =	task.clear_ibuf [dreg:s8], $0x2FFFF;
	_ =	strace $0x9FFFFFFF  }
0xc9: {  	(tm) =	ssettm $0x7FFFFFFF  }
tec
execute0_lowered:
.L_overlay_start_1:
0x0: {  	(tag) =	ssettag $0x1  }
0x1: {  	s4 =	rddreg [dreg:$0x0]  }
0x2: {  	s21 =	rddreg [dreg:$0x1]  }
0x3: {  	s5 =	rddreg [dreg:$0x2]  }
0x4: {  	s0 =	rddreg [dreg:$0x3];
	s3 =	srdreg.scid  }
0x5: {  	s2 =	simm.s32 $0x0;
	s1 =	stileid.u32;
	s24 =	simm.s32 $0x2880  }
0x6: {  	s25 =	simm.s32 $0x5080;
	s26 =	simm.s32 $0x5300;
	s28 =	simm.s32 $0x0  }
0x7: {  	s12 =	sand.u32 $0x1, s3;
	[smem:$0x7FF] =	sst s2;
	s6 =	smul.u32 $0xA000, s1  }
0x8: {  	s17 =	smul.u32 $0x280, s1;
	s3 =	sshll.u32 s12, $0x4;
	s7 =	ssub.s32 $0x2, s12  }
0x9: {  	_ =	strace $0x80000047;
	s18 =	smul.u32 $0x2800, s12;
	s3 =	sor.u32 s1, s3  }
0xa: {  	s8 =	sshrl.u32 s7, $0x1;
	s6 =	sshrl.u32 s6, $0x2;
	s9 =	smul.u32 $0x510, s3  }
0xb: {  	s22 =	ssub.s32 s7, s8;
	s3 =	sadd.s32 s17, s5;
	s5 =	sadd.s32 s6, s5  }
0xc: {  	s19 =	sadd.s32 s17, s18;
	s6 =	sadd.s32 $0x2800, s3;
	s7 =	sadd.s32 $0x5000, s3  }
0xd: {  	s8 =	sadd.s32 $0x7800, s3;
	s10 =	sadd.s32 $0xC800, s3;
	s11 =	sadd.s32 $0xF000, s3  }
0xe: {  	s12 =	sadd.s32 $0x11800, s3;
	s13 =	sadd.s32 $0x14000, s3;
	s14 =	sadd.s32 $0x16800, s3  }
0xf: {  	s15 =	sadd.s32 $0x19000, s3;
	s16 =	sadd.s32 $0x1B800, s3;
	s17 =	sadd.s32 $0x1E000, s3  }
0x10: {  	s18 =	sadd.s32 $0x20800, s3;
	s23 =	sshrl.u32 s19, $0x3;
	s19 =	sadd.s32 $0x23000, s3  }
0x11: {  	s20 =	sadd.s32 $0x25800, s3;
	s22 =	smax.u32 s22, $0x1;
	s4 =	sadd.s32 s4, s9  }
0x12: {  	v0 =	vimm.f32 $0.0e+00;
	v1 =	vimm.f32 $1.000000000e+00;
	s9 =	sadd.s32 $0xA000, s3;
	s21 =	sadd.s32 s21, s23;
	s23 =	simm.s32 $0x1  }
.LBB2_1:
0x13: {  	[tilespmem:s2], [sflag:$0x1] =	stream.linear.gather [hbm4b:s4+s2], $0x2880, $0x38;
	[tilespmem:$0x7D80] =	vst v63  }
0x14: {  	_ =	swait.ge [sflag:s23], $0x2880  }
0x15: {  	[sflag:s23] =	ssyncset.done $0x0  }
0x16: {  	s29 =	simm.s32 $0x0;
	[sflag:s23] =	ssyncadd.s32 $0xFFFFD780  }
.LBB2_2:
0x17: {  	p0 =	sne.s32 s29, $0x9FC0  }
.Ltmp0:
0x18: {  	_ = 	snop;
	(pc) =	sbr.rel @p0 .LBB2_2-.Ltmp0, $3  }
0x19: {  	_ =	sdelay $0x1  }
0x1a: {  	s30 =	sshra.s32 s29, $0x2  }
0x1b: {  	s29 =	sadd.s32 $0x40, s29;
	[tilespmem:s30+$0x2880] =	vst v0  }
0x1c: {  	s30 =	simm.s32 $0x0;
	s29 =	simm.s32 $0x40  }
.LBB2_4:
0x1d: {  	p0 =	sne.s32 s29, $0xA1C0;
	v2 =	vld [tilespmem:s30+$0x0];
	_ =	sdelay $0x3  }
.Ltmp1:
0x1e: {  	(pc) =	sbr.rel @p0 .LBB2_4-.Ltmp1, $2  }
0x1f: {  	_ =	sdelay $0x2  }
0x20: {  	s30 =	sshra.s32 s29, $0x2;
	s29 =	sadd.s32 $0x40, s29;
	[tilespmem:v2+s24+$0x0] =	vst.idx.add.f32.msk $0xffff, v1  }
0x21: {  	v2 =	vld [tilespmem:s30+$0x0];
	_ =	sdelay $0x7  }
0x22: {  	[tilespmem:v2+s24+$0x0] =	vst.idx.add.f32.msk $0xffff, v1  }
0x23: {  	[spmem:s5] =	stream.linear.scatter [tilespmem:s24], [sflag:$0x1], $0x2800, $0x38;
	[tilespmem:$0x7D80] =	vst v63  }
0x24: {  	_ =	swait.ge [sflag:s23], $0x2800  }
0x25: {  	[sflag:s23] =	ssyncset.done $0x0  }
0x26: {  	[sflag:s23] =	ssyncadd.s32 $0xFFFFD800  }
0x27: {  	[bflag:$0x0] =	sbarrier.arrive $0xFFFF  }
0x28: {  	[tilespmem:$0x5300] =	vst v0  }
0x29: {  	[tilespmem:$0x5310] =	vst v0  }
0x2a: {  	[tilespmem:$0x5320] =	vst v0  }
0x2b: {  	[tilespmem:$0x5330] =	vst v0  }
0x2c: {  	[tilespmem:$0x5340] =	vst v0  }
0x2d: {  	[tilespmem:$0x5350] =	vst v0  }
0x2e: {  	[tilespmem:$0x5360] =	vst v0  }
0x2f: {  	[tilespmem:$0x5370] =	vst v0  }
0x30: {  	[tilespmem:$0x5380] =	vst v0  }
0x31: {  	[tilespmem:$0x5390] =	vst v0  }
0x32: {  	[tilespmem:$0x53A0] =	vst v0  }
0x33: {  	[tilespmem:$0x53B0] =	vst v0  }
0x34: {  	[tilespmem:$0x53C0] =	vst v0  }
0x35: {  	[tilespmem:$0x53D0] =	vst v0  }
0x36: {  	[tilespmem:$0x53E0] =	vst v0  }
0x37: {  	[tilespmem:$0x53F0] =	vst v0  }
0x38: {  	[tilespmem:$0x5400] =	vst v0  }
0x39: {  	[tilespmem:$0x5410] =	vst v0  }
0x3a: {  	[tilespmem:$0x5420] =	vst v0  }
0x3b: {  	[tilespmem:$0x5430] =	vst v0  }
0x3c: {  	[tilespmem:$0x5440] =	vst v0  }
0x3d: {  	[tilespmem:$0x5450] =	vst v0  }
0x3e: {  	[tilespmem:$0x5460] =	vst v0  }
0x3f: {  	[tilespmem:$0x5470] =	vst v0  }
0x40: {  	[tilespmem:$0x5480] =	vst v0  }
0x41: {  	[tilespmem:$0x5490] =	vst v0  }
0x42: {  	[tilespmem:$0x54A0] =	vst v0  }
0x43: {  	[tilespmem:$0x54B0] =	vst v0  }
0x44: {  	[tilespmem:$0x54C0] =	vst v0  }
0x45: {  	[tilespmem:$0x54D0] =	vst v0  }
0x46: {  	[tilespmem:$0x54E0] =	vst v0  }
0x47: {  	[tilespmem:$0x54F0] =	vst v0  }
0x48: {  	[tilespmem:$0x5500] =	vst v0  }
0x49: {  	[tilespmem:$0x5510] =	vst v0  }
0x4a: {  	[tilespmem:$0x5520] =	vst v0  }
0x4b: {  	[tilespmem:$0x5530] =	vst v0  }
0x4c: {  	[tilespmem:$0x5540] =	vst v0  }
0x4d: {  	[tilespmem:$0x5550] =	vst v0  }
0x4e: {  	[tilespmem:$0x5560] =	vst v0  }
0x4f: {  	[tilespmem:$0x5570] =	vst v0  }
0x50: {  	[tilespmem:s25], [sflag:$0x1] =	stream.linear.gather [spmem:s3], $0x280, $0x38;
	[tilespmem:$0x7D80] =	vst v63  }
0x51: {  	_ =	swait.ge [sflag:s23], $0x280  }
0x52: {  	[sflag:s23] =	ssyncset.done $0x0  }
0x53: {  	s29 =	simm.s32 $0x0;
	[sflag:s23] =	ssyncadd.s32 $0xFFFFFD80  }
0x54: {  	s30 =	simm.s32 $0x40;
	v2 =	vld [tilespmem:s29+$0x5080]  }
.LBB2_6:
0x55: {  	p0 =	sne.s32 s30, $0x9C0;
	v3 =	vld [tilespmem:s29+$0x5300];
	_ =	sdelay $0x2  }
.Ltmp2:
0x56: {  	(pc) =	sbr.rel @p0 .LBB2_6-.Ltmp2, $4  }
0x57: {  	_ = 	snop  }
0x58: {  	v3 =	vadd.f32 v2, v3  }
0x59: {  	s31 =	sshra.s32 s30, $0x2  }
0x5a: {  	s30 =	sadd.s32 $0x40, s30;
	v2 =	vld [tilespmem:s31+$0x5080];
	[tilespmem:s29+$0x5300] =	vst v3;
	s29 =	smov.u32 s31  }
0x5b: {  	v3 =	vld [tilespmem:s29+$0x5300];
	_ =	sdelay $0x4  }
0x5c: {  	v2 =	vadd.f32 v2, v3;
	_ =	sdelay $0x1  }
0x5d: {  	[tilespmem:s29+$0x5300] =	vst v2  }
0x5e: {  	[tilespmem:s25], [sflag:$0x1] =	stream.linear.gather [spmem:s6], $0x280, $0x38;
	[tilespmem:$0x7D80] =	vst v63  }
0x5f: {  	_ =	swait.ge [sflag:s23], $0x280  }
0x60: {  	[sflag:s23] =	ssyncset.done $0x0  }
0x61: {  	s29 =	simm.s32 $0x0;
	[sflag:s23] =	ssyncadd.s32 $0xFFFFFD80  }
0x62: {  	s30 =	simm.s32 $0x40;
	v2 =	vld [tilespmem:s29+$0x5080]  }
.LBB2_8:
0x63: {  	p0 =	sne.s32 s30, $0x9C0;
	v3 =	vld [tilespmem:s29+$0x5300];
	_ =	sdelay $0x2  }
.Ltmp3:
0x64: {  	(pc) =	sbr.rel @p0 .LBB2_8-.Ltmp3, $4  }
0x65: {  	_ = 	snop  }
0x66: {  	v3 =	vadd.f32 v2, v3  }
0x67: {  	s31 =	sshra.s32 s30, $0x2  }
0x68: {  	s30 =	sadd.s32 $0x40, s30;
	v2 =	vld [tilespmem:s31+$0x5080];
	[tilespmem:s29+$0x5300] =	vst v3;
	s29 =	smov.u32 s31  }
0x69: {  	v3 =	vld [tilespmem:s29+$0x5300];
	_ =	sdelay $0x4  }
0x6a: {  	v2 =	vadd.f32 v2, v3;
	_ =	sdelay $0x1  }
0x6b: {  	[tilespmem:s29+$0x5300] =	vst v2  }
0x6c: {  	[tilespmem:s25], [sflag:$0x1] =	stream.linear.gather [spmem:s7], $0x280, $0x38;
	[tilespmem:$0x7D80] =	vst v63  }
0x6d: {  	_ =	swait.ge [sflag:s23], $0x280  }
0x6e: {  	[sflag:s23] =	ssyncset.done $0x0  }
0x6f: {  	s29 =	simm.s32 $0x0;
	[sflag:s23] =	ssyncadd.s32 $0xFFFFFD80  }
0x70: {  	s30 =	simm.s32 $0x40;
	v2 =	vld [tilespmem:s29+$0x5080]  }
.LBB2_10:
0x71: {  	p0 =	sne.s32 s30, $0x9C0;
	v3 =	vld [tilespmem:s29+$0x5300];
	_ =	sdelay $0x2  }
.Ltmp4:
0x72: {  	(pc) =	sbr.rel @p0 .LBB2_10-.Ltmp4, $4  }
0x73: {  	_ = 	snop  }
0x74: {  	v3 =	vadd.f32 v2, v3  }
0x75: {  	s31 =	sshra.s32 s30, $0x2  }
0x76: {  	s30 =	sadd.s32 $0x40, s30;
	v2 =	vld [tilespmem:s31+$0x5080];
	[tilespmem:s29+$0x5300] =	vst v3;
	s29 =	smov.u32 s31  }
0x77: {  	v3 =	vld [tilespmem:s29+$0x5300];
	_ =	sdelay $0x4  }
0x78: {  	v2 =	vadd.f32 v2, v3;
	_ =	sdelay $0x1  }
0x79: {  	[tilespmem:s29+$0x5300] =	vst v2  }
0x7a: {  	[tilespmem:s25], [sflag:$0x1] =	stream.linear.gather [spmem:s8], $0x280, $0x38;
	[tilespmem:$0x7D80] =	vst v63  }
0x7b: {  	_ =	swait.ge [sflag:s23], $0x280  }
0x7c: {  	[sflag:s23] =	ssyncset.done $0x0  }
0x7d: {  	s29 =	simm.s32 $0x0;
	[sflag:s23] =	ssyncadd.s32 $0xFFFFFD80  }
0x7e: {  	s30 =	simm.s32 $0x40;
	v2 =	vld [tilespmem:s29+$0x5080]  }
.LBB2_12:
0x7f: {  	p0 =	sne.s32 s30, $0x9C0;
	v3 =	vld [tilespmem:s29+$0x5300];
	_ =	sdelay $0x2  }
.Ltmp5:
0x80: {  	(pc) =	sbr.rel @p0 .LBB2_12-.Ltmp5, $4  }
0x81: {  	_ = 	snop  }
0x82: {  	v3 =	vadd.f32 v2, v3  }
0x83: {  	s31 =	sshra.s32 s30, $0x2  }
0x84: {  	s30 =	sadd.s32 $0x40, s30;
	v2 =	vld [tilespmem:s31+$0x5080];
	[tilespmem:s29+$0x5300] =	vst v3;
	s29 =	smov.u32 s31  }
0x85: {  	v3 =	vld [tilespmem:s29+$0x5300];
	_ =	sdelay $0x4  }
0x86: {  	v2 =	vadd.f32 v2, v3;
	_ =	sdelay $0x1  }
0x87: {  	[tilespmem:s29+$0x5300] =	vst v2  }
0x88: {  	[tilespmem:s25], [sflag:$0x1] =	stream.linear.gather [spmem:s9], $0x280, $0x38;
	[tilespmem:$0x7D80] =	vst v63  }
0x89: {  	_ =	swait.ge [sflag:s23], $0x280  }
0x8a: {  	[sflag:s23] =	ssyncset.done $0x0  }
0x8b: {  	s29 =	simm.s32 $0x0;
	[sflag:s23] =	ssyncadd.s32 $0xFFFFFD80  }
0x8c: {  	s30 =	simm.s32 $0x40;
	v2 =	vld [tilespmem:s29+$0x5080]  }
.LBB2_14:
0x8d: {  	p0 =	sne.s32 s30, $0x9C0;
	v3 =	vld [tilespmem:s29+$0x5300];
	_ =	sdelay $0x2  }
.Ltmp6:
0x8e: {  	(pc) =	sbr.rel @p0 .LBB2_14-.Ltmp6, $4  }
0x8f: {  	_ = 	snop  }
0x90: {  	v3 =	vadd.f32 v2, v3  }
0x91: {  	s31 =	sshra.s32 s30, $0x2  }
0x92: {  	s30 =	sadd.s32 $0x40, s30;
	v2 =	vld [tilespmem:s31+$0x5080];
	[tilespmem:s29+$0x5300] =	vst v3;
	s29 =	smov.u32 s31  }
0x93: {  	v3 =	vld [tilespmem:s29+$0x5300];
	_ =	sdelay $0x4  }
0x94: {  	v2 =	vadd.f32 v2, v3;
	_ =	sdelay $0x1  }
0x95: {  	[tilespmem:s29+$0x5300] =	vst v2  }
0x96: {  	[tilespmem:s25], [sflag:$0x1] =	stream.linear.gather [spmem:s10], $0x280, $0x38;
	[tilespmem:$0x7D80] =	vst v63  }
0x97: {  	_ =	swait.ge [sflag:s23], $0x280  }
0x98: {  	[sflag:s23] =	ssyncset.done $0x0  }
0x99: {  	s29 =	simm.s32 $0x0;
	[sflag:s23] =	ssyncadd.s32 $0xFFFFFD80  }
0x9a: {  	s30 =	simm.s32 $0x40;
	v2 =	vld [tilespmem:s29+$0x5080]  }
.LBB2_16:
0x9b: {  	p0 =	sne.s32 s30, $0x9C0;
	v3 =	vld [tilespmem:s29+$0x5300];
	_ =	sdelay $0x2  }
.Ltmp7:
0x9c: {  	(pc) =	sbr.rel @p0 .LBB2_16-.Ltmp7, $4  }
0x9d: {  	_ = 	snop  }
0x9e: {  	v3 =	vadd.f32 v2, v3  }
0x9f: {  	s31 =	sshra.s32 s30, $0x2  }
0xa0: {  	s30 =	sadd.s32 $0x40, s30;
	v2 =	vld [tilespmem:s31+$0x5080];
	[tilespmem:s29+$0x5300] =	vst v3;
	s29 =	smov.u32 s31  }
0xa1: {  	v3 =	vld [tilespmem:s29+$0x5300];
	_ =	sdelay $0x4  }
0xa2: {  	v2 =	vadd.f32 v2, v3;
	_ =	sdelay $0x1  }
0xa3: {  	[tilespmem:s29+$0x5300] =	vst v2  }
0xa4: {  	[tilespmem:s25], [sflag:$0x1] =	stream.linear.gather [spmem:s11], $0x280, $0x38;
	[tilespmem:$0x7D80] =	vst v63  }
0xa5: {  	_ =	swait.ge [sflag:s23], $0x280  }
0xa6: {  	[sflag:s23] =	ssyncset.done $0x0  }
0xa7: {  	s29 =	simm.s32 $0x0;
	[sflag:s23] =	ssyncadd.s32 $0xFFFFFD80  }
0xa8: {  	s30 =	simm.s32 $0x40;
	v2 =	vld [tilespmem:s29+$0x5080]  }
.LBB2_18:
0xa9: {  	p0 =	sne.s32 s30, $0x9C0;
	v3 =	vld [tilespmem:s29+$0x5300];
	_ =	sdelay $0x2  }
.Ltmp8:
0xaa: {  	(pc) =	sbr.rel @p0 .LBB2_18-.Ltmp8, $4  }
0xab: {  	_ = 	snop  }
0xac: {  	v3 =	vadd.f32 v2, v3  }
0xad: {  	s31 =	sshra.s32 s30, $0x2  }
0xae: {  	s30 =	sadd.s32 $0x40, s30;
	v2 =	vld [tilespmem:s31+$0x5080];
	[tilespmem:s29+$0x5300] =	vst v3;
	s29 =	smov.u32 s31  }
0xaf: {  	v3 =	vld [tilespmem:s29+$0x5300];
	_ =	sdelay $0x4  }
0xb0: {  	v2 =	vadd.f32 v2, v3;
	_ =	sdelay $0x1  }
0xb1: {  	[tilespmem:s29+$0x5300] =	vst v2  }
0xb2: {  	[tilespmem:s25], [sflag:$0x1] =	stream.linear.gather [spmem:s12], $0x280, $0x38;
	[tilespmem:$0x7D80] =	vst v63  }
0xb3: {  	_ =	swait.ge [sflag:s23], $0x280  }
0xb4: {  	[sflag:s23] =	ssyncset.done $0x0  }
0xb5: {  	s29 =	simm.s32 $0x0;
	[sflag:s23] =	ssyncadd.s32 $0xFFFFFD80  }
0xb6: {  	s30 =	simm.s32 $0x40;
	v2 =	vld [tilespmem:s29+$0x5080]  }
.LBB2_20:
0xb7: {  	p0 =	sne.s32 s30, $0x9C0;
	v3 =	vld [tilespmem:s29+$0x5300];
	_ =	sdelay $0x2  }
.Ltmp9:
0xb8: {  	(pc) =	sbr.rel @p0 .LBB2_20-.Ltmp9, $4  }
0xb9: {  	_ = 	snop  }
0xba: {  	v3 =	vadd.f32 v2, v3  }
0xbb: {  	s31 =	sshra.s32 s30, $0x2  }
0xbc: {  	s30 =	sadd.s32 $0x40, s30;
	v2 =	vld [tilespmem:s31+$0x5080];
	[tilespmem:s29+$0x5300] =	vst v3;
	s29 =	smov.u32 s31  }
0xbd: {  	v3 =	vld [tilespmem:s29+$0x5300];
	_ =	sdelay $0x4  }
0xbe: {  	v2 =	vadd.f32 v2, v3;
	_ =	sdelay $0x1  }
0xbf: {  	[tilespmem:s29+$0x5300] =	vst v2  }
0xc0: {  	[tilespmem:s25], [sflag:$0x1] =	stream.linear.gather [spmem:s13], $0x280, $0x38;
	[tilespmem:$0x7D80] =	vst v63  }
0xc1: {  	_ =	swait.ge [sflag:s23], $0x280  }
0xc2: {  	[sflag:s23] =	ssyncset.done $0x0  }
0xc3: {  	s29 =	simm.s32 $0x0;
	[sflag:s23] =	ssyncadd.s32 $0xFFFFFD80  }
0xc4: {  	s30 =	simm.s32 $0x40;
	v2 =	vld [tilespmem:s29+$0x5080]  }
.LBB2_22:
0xc5: {  	p0 =	sne.s32 s30, $0x9C0;
	v3 =	vld [tilespmem:s29+$0x5300];
	_ =	sdelay $0x2  }
.Ltmp10:
0xc6: {  	(pc) =	sbr.rel @p0 .LBB2_22-.Ltmp10, $4  }
0xc7: {  	_ = 	snop  }
0xc8: {  	v3 =	vadd.f32 v2, v3  }
0xc9: {  	s31 =	sshra.s32 s30, $0x2  }
0xca: {  	s30 =	sadd.s32 $0x40, s30;
	v2 =	vld [tilespmem:s31+$0x5080];
	[tilespmem:s29+$0x5300] =	vst v3;
	s29 =	smov.u32 s31  }
0xcb: {  	v3 =	vld [tilespmem:s29+$0x5300];
	_ =	sdelay $0x4  }
0xcc: {  	v2 =	vadd.f32 v2, v3;
	_ =	sdelay $0x1  }
0xcd: {  	[tilespmem:s29+$0x5300] =	vst v2  }
0xce: {  	[tilespmem:s25], [sflag:$0x1] =	stream.linear.gather [spmem:s14], $0x280, $0x38;
	[tilespmem:$0x7D80] =	vst v63  }
0xcf: {  	_ =	swait.ge [sflag:s23], $0x280  }
0xd0: {  	[sflag:s23] =	ssyncset.done $0x0  }
0xd1: {  	s29 =	simm.s32 $0x0;
	[sflag:s23] =	ssyncadd.s32 $0xFFFFFD80  }
0xd2: {  	s30 =	simm.s32 $0x40;
	v2 =	vld [tilespmem:s29+$0x5080]  }
.LBB2_24:
0xd3: {  	p0 =	sne.s32 s30, $0x9C0;
	v3 =	vld [tilespmem:s29+$0x5300];
	_ =	sdelay $0x2  }
.Ltmp11:
0xd4: {  	(pc) =	sbr.rel @p0 .LBB2_24-.Ltmp11, $4  }
0xd5: {  	_ = 	snop  }
0xd6: {  	v3 =	vadd.f32 v2, v3  }
0xd7: {  	s31 =	sshra.s32 s30, $0x2  }
0xd8: {  	s30 =	sadd.s32 $0x40, s30;
	v2 =	vld [tilespmem:s31+$0x5080];
	[tilespmem:s29+$0x5300] =	vst v3;
	s29 =	smov.u32 s31  }
0xd9: {  	v3 =	vld [tilespmem:s29+$0x5300];
	_ =	sdelay $0x4  }
0xda: {  	v2 =	vadd.f32 v2, v3;
	_ =	sdelay $0x1  }
0xdb: {  	[tilespmem:s29+$0x5300] =	vst v2  }
0xdc: {  	[tilespmem:s25], [sflag:$0x1] =	stream.linear.gather [spmem:s15], $0x280, $0x38;
	[tilespmem:$0x7D80] =	vst v63  }
0xdd: {  	_ =	swait.ge [sflag:s23], $0x280  }
0xde: {  	[sflag:s23] =	ssyncset.done $0x0  }
0xdf: {  	s29 =	simm.s32 $0x0;
	[sflag:s23] =	ssyncadd.s32 $0xFFFFFD80  }
0xe0: {  	s30 =	simm.s32 $0x40;
	v2 =	vld [tilespmem:s29+$0x5080]  }
.LBB2_26:
0xe1: {  	p0 =	sne.s32 s30, $0x9C0;
	v3 =	vld [tilespmem:s29+$0x5300];
	_ =	sdelay $0x2  }
.Ltmp12:
0xe2: {  	(pc) =	sbr.rel @p0 .LBB2_26-.Ltmp12, $4  }
0xe3: {  	_ = 	snop  }
0xe4: {  	v3 =	vadd.f32 v2, v3  }
0xe5: {  	s31 =	sshra.s32 s30, $0x2  }
0xe6: {  	s30 =	sadd.s32 $0x40, s30;
	v2 =	vld [tilespmem:s31+$0x5080];
	[tilespmem:s29+$0x5300] =	vst v3;
	s29 =	smov.u32 s31  }
0xe7: {  	v3 =	vld [tilespmem:s29+$0x5300];
	_ =	sdelay $0x4  }
0xe8: {  	v2 =	vadd.f32 v2, v3;
	_ =	sdelay $0x1  }
0xe9: {  	[tilespmem:s29+$0x5300] =	vst v2  }
0xea: {  	[tilespmem:s25], [sflag:$0x1] =	stream.linear.gather [spmem:s16], $0x280, $0x38;
	[tilespmem:$0x7D80] =	vst v63  }
0xeb: {  	_ =	swait.ge [sflag:s23], $0x280  }
0xec: {  	[sflag:s23] =	ssyncset.done $0x0  }
0xed: {  	s29 =	simm.s32 $0x0;
	[sflag:s23] =	ssyncadd.s32 $0xFFFFFD80  }
0xee: {  	s30 =	simm.s32 $0x40;
	v2 =	vld [tilespmem:s29+$0x5080]  }
.LBB2_28:
0xef: {  	p0 =	sne.s32 s30, $0x9C0;
	v3 =	vld [tilespmem:s29+$0x5300];
	_ =	sdelay $0x2  }
.Ltmp13:
0xf0: {  	(pc) =	sbr.rel @p0 .LBB2_28-.Ltmp13, $4  }
0xf1: {  	_ = 	snop  }
0xf2: {  	v3 =	vadd.f32 v2, v3  }
0xf3: {  	s31 =	sshra.s32 s30, $0x2  }
0xf4: {  	s30 =	sadd.s32 $0x40, s30;
	v2 =	vld [tilespmem:s31+$0x5080];
	[tilespmem:s29+$0x5300] =	vst v3;
	s29 =	smov.u32 s31  }
0xf5: {  	v3 =	vld [tilespmem:s29+$0x5300];
	_ =	sdelay $0x4  }
0xf6: {  	v2 =	vadd.f32 v2, v3;
	_ =	sdelay $0x1  }
0xf7: {  	[tilespmem:s29+$0x5300] =	vst v2  }
0xf8: {  	[tilespmem:s25], [sflag:$0x1] =	stream.linear.gather [spmem:s17], $0x280, $0x38;
	[tilespmem:$0x7D80] =	vst v63  }
0xf9: {  	_ =	swait.ge [sflag:s23], $0x280  }
0xfa: {  	[sflag:s23] =	ssyncset.done $0x0  }
0xfb: {  	s29 =	simm.s32 $0x0;
	[sflag:s23] =	ssyncadd.s32 $0xFFFFFD80  }
0xfc: {  	s30 =	simm.s32 $0x40;
	v2 =	vld [tilespmem:s29+$0x5080]  }
.LBB2_30:
0xfd: {  	p0 =	sne.s32 s30, $0x9C0;
	v3 =	vld [tilespmem:s29+$0x5300];
	_ =	sdelay $0x2  }
.Ltmp14:
0xfe: {  	(pc) =	sbr.rel @p0 .LBB2_30-.Ltmp14, $4  }
0xff: {  	_ = 	snop  }
0x100: {  	v3 =	vadd.f32 v2, v3  }
0x101: {  	s31 =	sshra.s32 s30, $0x2  }
0x102: {  	s30 =	sadd.s32 $0x40, s30;
	v2 =	vld [tilespmem:s31+$0x5080];
	[tilespmem:s29+$0x5300] =	vst v3;
	s29 =	smov.u32 s31  }
0x103: {  	v3 =	vld [tilespmem:s29+$0x5300];
	_ =	sdelay $0x4  }
0x104: {  	v2 =	vadd.f32 v2, v3;
	_ =	sdelay $0x1  }
0x105: {  	[tilespmem:s29+$0x5300] =	vst v2  }
0x106: {  	[tilespmem:s25], [sflag:$0x1] =	stream.linear.gather [spmem:s18], $0x280, $0x38;
	[tilespmem:$0x7D80] =	vst v63  }
0x107: {  	_ =	swait.ge [sflag:s23], $0x280  }
0x108: {  	[sflag:s23] =	ssyncset.done $0x0  }
0x109: {  	s29 =	simm.s32 $0x0;
	[sflag:s23] =	ssyncadd.s32 $0xFFFFFD80  }
0x10a: {  	s30 =	simm.s32 $0x40;
	v2 =	vld [tilespmem:s29+$0x5080]  }
.LBB2_32:
0x10b: {  	p0 =	sne.s32 s30, $0x9C0;
	v3 =	vld [tilespmem:s29+$0x5300];
	_ =	sdelay $0x2  }
.Ltmp15:
0x10c: {  	(pc) =	sbr.rel @p0 .LBB2_32-.Ltmp15, $4  }
0x10d: {  	_ = 	snop  }
0x10e: {  	v3 =	vadd.f32 v2, v3  }
0x10f: {  	s31 =	sshra.s32 s30, $0x2  }
0x110: {  	s30 =	sadd.s32 $0x40, s30;
	v2 =	vld [tilespmem:s31+$0x5080];
	[tilespmem:s29+$0x5300] =	vst v3;
	s29 =	smov.u32 s31  }
0x111: {  	v3 =	vld [tilespmem:s29+$0x5300];
	_ =	sdelay $0x4  }
0x112: {  	v2 =	vadd.f32 v2, v3;
	_ =	sdelay $0x1  }
0x113: {  	[tilespmem:s29+$0x5300] =	vst v2  }
0x114: {  	[tilespmem:s25], [sflag:$0x1] =	stream.linear.gather [spmem:s19], $0x280, $0x38;
	[tilespmem:$0x7D80] =	vst v63  }
0x115: {  	_ =	swait.ge [sflag:s23], $0x280  }
0x116: {  	[sflag:s23] =	ssyncset.done $0x0  }
0x117: {  	s29 =	simm.s32 $0x0;
	[sflag:s23] =	ssyncadd.s32 $0xFFFFFD80  }
0x118: {  	s30 =	simm.s32 $0x40;
	v2 =	vld [tilespmem:s29+$0x5080]  }
.LBB2_34:
0x119: {  	p0 =	sne.s32 s30, $0x9C0;
	v3 =	vld [tilespmem:s29+$0x5300];
	_ =	sdelay $0x2  }
.Ltmp16:
0x11a: {  	(pc) =	sbr.rel @p0 .LBB2_34-.Ltmp16, $4  }
0x11b: {  	_ = 	snop  }
0x11c: {  	v3 =	vadd.f32 v2, v3  }
0x11d: {  	s31 =	sshra.s32 s30, $0x2  }
0x11e: {  	s30 =	sadd.s32 $0x40, s30;
	v2 =	vld [tilespmem:s31+$0x5080];
	[tilespmem:s29+$0x5300] =	vst v3;
	s29 =	smov.u32 s31  }
0x11f: {  	v3 =	vld [tilespmem:s29+$0x5300];
	_ =	sdelay $0x4  }
0x120: {  	v2 =	vadd.f32 v2, v3;
	_ =	sdelay $0x1  }
0x121: {  	[tilespmem:s29+$0x5300] =	vst v2  }
0x122: {  	[tilespmem:s25], [sflag:$0x1] =	stream.linear.gather [spmem:s20], $0x280, $0x38;
	[tilespmem:$0x7D80] =	vst v63  }
0x123: {  	_ =	swait.ge [sflag:s23], $0x280  }
0x124: {  	[sflag:s23] =	ssyncset.done $0x0  }
0x125: {  	s29 =	simm.s32 $0x0;
	[sflag:s23] =	ssyncadd.s32 $0xFFFFFD80  }
0x126: {  	s30 =	simm.s32 $0x40;
	v2 =	vld [tilespmem:s29+$0x5080]  }
.LBB2_36:
0x127: {  	p0 =	sne.s32 s30, $0x9C0;
	v3 =	vld [tilespmem:s29+$0x5300];
	_ =	sdelay $0x2  }
.Ltmp17:
0x128: {  	(pc) =	sbr.rel @p0 .LBB2_36-.Ltmp17, $4  }
0x129: {  	_ = 	snop  }
0x12a: {  	v3 =	vadd.f32 v2, v3  }
0x12b: {  	s31 =	sshra.s32 s30, $0x2  }
0x12c: {  	s30 =	sadd.s32 $0x40, s30;
	v2 =	vld [tilespmem:s31+$0x5080];
	[tilespmem:s29+$0x5300] =	vst v3;
	s29 =	smov.u32 s31  }
0x12d: {  	v3 =	vld [tilespmem:s29+$0x5300];
	_ =	sdelay $0x4  }
0x12e: {  	s28 =	sadd.s32 $0x1, s28;
	v2 =	vadd.f32 v2, v3  }
0x12f: {  	p0 =	sne.s32 s28, s22  }
.Ltmp18:
0x130: {  	[tilespmem:s29+$0x5300] =	vst v2;
	(pc) =	sbr.rel @p0 .LBB2_1-.Ltmp18, $4  }
0x131: {  	[hbm4b:s21+s2] =	stream.linear.scatter [tilespmem:s26], [sflag:$0x1], $0x280, $0x38;
	[tilespmem:$0x7D80] =	vst v63  }
0x132: {  	_ =	swait.ge [sflag:s23], $0x280  }
0x133: {  	[sflag:s23] =	ssyncset.done $0x0  }
0x134: {  	[sflag:s23] =	ssyncadd.s32 $0xFFFFFD80  }
0x135: {  	_ =	sfence.sel $0x180000  }
0x136: {  	[bflag:$0x0] =	sbarrier.arrive $0xFFFF  }
0x137: {  	p0 =	sne.s32 s1, $0x0;
	_ =	strace $0x90000047  }
0x138: {  	s0 =	sadd.s32 @!p0 $0x100000, s0;
	[bflag:$0x2] =	sbarrier.arrive $0xFFFF  }
0x139: {  	[sflag:s0] =	ssyncadd.tile.s32 @!p0 $0x1;
	_ =	shalt  }
.Lfunc_end2:
_tile_overlayer_lowered:
.L_overlay_start_2:
0x13a: {  	(tag) =	ssettag $0x2  }
0x13b: {  	s0 =	rddreg [dreg:$0x0];
	s2 =	stileid.u32  }
0x13c: {  	s1 =	rddreg [dreg:$0x1];
	p0 =	sne.s32 s2, $0x0  }
0x13d: {  	s3 =	rddreg [dreg:$0x2];
	[bflag:$0x3] =	sbarrier.arrive $0xFFFF;
	s2 =	simm.s32 @!p0 $0x1C01  }
0x13e: {  	[timem:s3], [sflag:s2] =	dma.local @!p0 [hbm:s0], s1  }
0x13f: {  	s0 =	simm.s32 @!p0 $0x1  }
0x140: {  	_ =	swait.ge @!p0 [sflag:s0], s1  }
0x141: {  	s1 =	ssub.s32 @!p0 $0x0, s1;
	[sflag:s0] =	ssyncset.done @!p0 $0x0  }
0x142: {  	[sflag:s0] =	ssyncadd.s32 @!p0 s1  }
0x143: {  	[bflag:$0x3] =	sbarrier.arrive $0xFFFF  }
0x144: {  	_ =	shalt  }

</sc_bundles>
